<compile_context>
chip_gen: v7x
topology: tpu7x:2x2x1
jax: 0.10.2.dev20260603
libtpu: 0.0.44.dev20260713+nightly
codegen_flags: <defaults>
</compile_context>

<pallas_src>
import functools
import jax
import jax.numpy as jnp
from jax import lax
from jax.experimental import pallas as pl
from jax.experimental.pallas import tpu as pltpu
from jax.experimental.pallas import tpu_sc as plsc

F = 26
V = 100000
E = 16
B = 4096
D1 = 32
D2 = 32

NC = 2
NS = 16
NW = NC * NS
N = B * F
NPW = N // NW

CH = 128
NCHUNK = NPW // CH
NROW = N // CH


@functools.lru_cache(maxsize=None)
def _get_sc_gather():
    mesh = plsc.VectorSubcoreMesh(
        core_axis_name="c", subcore_axis_name="s",
        num_cores=NC, num_subcores=NS)

    @functools.partial(
        pl.kernel,
        out_type=(
            jax.ShapeDtypeStruct((NROW, CH, E), jnp.float32),
            jax.ShapeDtypeStruct((NROW, CH), jnp.float32),
        ),
        mesh=mesh,
        scratch_types=[
            pltpu.VMEM((NCHUNK, CH), jnp.int32),
            pltpu.VMEM((NCHUNK, CH, E), jnp.float32),
            pltpu.VMEM((NCHUNK, CH), jnp.float32),
            pltpu.SemaphoreType.DMA,
            pltpu.SemaphoreType.DMA,
        ],
        compiler_params=pltpu.CompilerParams(use_tc_tiling_on_sc=False),
    )
    def _sc_gather(idx_hbm, fm2_hbm, fm1_hbm, e2_out, e1_out,
                   idx_v, rows_v, r1_v, sem2, sem1):
        wid = lax.axis_index("s") * NC + lax.axis_index("c")
        base = wid * NCHUNK
        pltpu.sync_copy(idx_hbm.at[pl.ds(base, NCHUNK)], idx_v)
        cps = []
        for j in range(NCHUNK):
            cps.append(pltpu.async_copy(
                fm2_hbm.at[idx_v.at[j]], rows_v.at[j], sem2))
            cps.append(pltpu.async_copy(
                fm1_hbm.at[idx_v.at[j]], r1_v.at[j], sem1))
        for cp in cps:
            cp.wait()
        pltpu.sync_copy(rows_v, e2_out.at[pl.ds(base, NCHUNK)])
        pltpu.sync_copy(r1_v, e1_out.at[pl.ds(base, NCHUNK)])

    return _sc_gather


BB = 512


def _tc_body(e2_ref, e1_ref, xv_ref, rep_ref, ssum_ref, w1_ref, b1_ref,
             w2_ref, b2_ref, bias_ref, out_ref):
    e2 = e2_ref[...]
    xv = xv_ref[...]
    xvr = jnp.dot(xv, rep_ref[...], preferred_element_type=jnp.float32)
    e2v = e2 * xvr
    s = jnp.dot(e2v, ssum_ref[...], preferred_element_type=jnp.float32)
    sq = jnp.dot(e2v * e2v, ssum_ref[...], preferred_element_type=jnp.float32)
    second = 0.5 * jnp.sum(s * s - sq, axis=1)
    first = jnp.sum(e1_ref[...] * xv, axis=1)
    x1 = jnp.maximum(
        jnp.dot(e2v, w1_ref[...], preferred_element_type=jnp.float32)
        + b1_ref[...], 0.0)
    x2 = jnp.maximum(
        jnp.dot(x1, w2_ref[...], preferred_element_type=jnp.float32)
        + b2_ref[...], 0.0)
    out_ref[...] = first + second + jnp.sum(x2, axis=1) + bias_ref[0, 0]


@jax.jit
def _deepfm(Xi, Xv, fm1, fm2, bias, W1, b1, W2, b2):
    idx = Xi[:, :, 0]
    flat_idx = (idx + jnp.arange(F, dtype=jnp.int32)[None, :] * V).reshape(
        NROW, CH)
    fm2_flat = fm2.reshape(F * V, E)
    fm1_flat = fm1.reshape(F * V)

    e2, e1 = _get_sc_gather()(flat_idx, fm2_flat, fm1_flat)
    e2 = e2.reshape(B, F * E)
    e1 = e1.reshape(B, F)

    eye = jnp.eye(E, dtype=jnp.float32)
    rep = (jnp.arange(F)[:, None] ==
           (jnp.arange(F * E)[None, :] // E)).astype(jnp.float32)
    ssum = jnp.tile(eye, (F, 1))

    grid = (B // BB,)
    out = pl.pallas_call(
        _tc_body,
        grid=grid,
        in_specs=[
            pl.BlockSpec((BB, F * E), lambda i: (i, 0)),
            pl.BlockSpec((BB, F), lambda i: (i, 0)),
            pl.BlockSpec((BB, F), lambda i: (i, 0)),
            pl.BlockSpec((F, F * E), lambda i: (0, 0)),
            pl.BlockSpec((F * E, E), lambda i: (0, 0)),
            pl.BlockSpec((F * E, D1), lambda i: (0, 0)),
            pl.BlockSpec((1, D1), lambda i: (0, 0)),
            pl.BlockSpec((D1, D2), lambda i: (0, 0)),
            pl.BlockSpec((1, D2), lambda i: (0, 0)),
            pl.BlockSpec((1, 1), lambda i: (0, 0)),
        ],
        out_specs=pl.BlockSpec((BB,), lambda i: (i,)),
        out_shape=jax.ShapeDtypeStruct((B,), jnp.float32),
    )(e2, e1, Xv, rep, ssum, W1, b1.reshape(1, D1), W2, b2.reshape(1, D2),
      bias.reshape(1, 1))
    return out


def kernel(Xi, Xv, fm1, fm2, bias, W1, b1, W2, b2):
    return _deepfm(Xi, Xv, fm1, fm2, bias, W1, b1, W2, b2)

# --- scband reference (transcript-rebuilt; emitter-appended) ---
"""Pipeline reference for scband-deep-fm-49151605736166 (READ-ONLY COPY).

The authoritative reference and input builder live on the scoring server;
editing this copy changes nothing except your own understanding.
"""

import jax, jax.numpy as jnp
import numpy as np

F_FIELDS = 26
V = 100000
E = 16
B = 4096
D1 = 32
D2 = 32


def setup_inputs(seed: int = 0) -> dict:
    key = jax.random.key(seed)
    ks = jax.random.split(key, 10)
    Xi = jax.random.randint(ks[0], (B, F_FIELDS, 1), 0, V, dtype=jnp.int32)
    Xv = jax.random.uniform(ks[1], (B, F_FIELDS), dtype=jnp.float32)
    fm1 = jax.random.normal(ks[2], (F_FIELDS, V, 1), dtype=jnp.float32) * 0.01
    fm2 = jax.random.normal(ks[3], (F_FIELDS, V, E), dtype=jnp.float32) * 0.01
    bias = jax.random.normal(ks[4], (1,), dtype=jnp.float32)
    W1 = jax.random.normal(ks[5], (F_FIELDS * E, D1), dtype=jnp.float32) * 0.05
    b1 = jnp.zeros((D1,), dtype=jnp.float32)
    W2 = jax.random.normal(ks[6], (D1, D2), dtype=jnp.float32) * 0.05
    b2 = jnp.zeros((D2,), dtype=jnp.float32)
    return {"Xi": Xi, "Xv": Xv, "fm1": fm1, "fm2": fm2, "bias": bias,
            "W1": W1, "b1": b1, "W2": W2, "b2": b2}


def reference(Xi, Xv, fm1, fm2, bias, W1, b1, W2, b2):
    # dropout layers are identity at inference (eval mode)
    idx = Xi[:, :, 0]  # [B, F]
    f_ar = jnp.arange(F_FIELDS)[None, :]  # [1, F]
    # first-order: per-field embedding lookup of dim 1, scaled by Xv
    e1 = fm1[f_ar, idx, 0]  # [B, F]
    fm_first_order = e1 * Xv  # [B, F] (concat of per-field [B,1] columns)
    # second-order: per-field embedding lookup of dim E, scaled by Xv
    e2 = fm2[f_ar, idx]  # [B, F, E]
    e2v = e2 * Xv[:, :, None]  # [B, F, E]
    s = jnp.sum(e2v, axis=1)  # sum over fields [B, E]
    sq = jnp.sum(e2v * e2v, axis=1)  # [B, E]
    fm_second_order = 0.5 * (s * s - sq)  # [B, E]
    # deep part: concat of second-order field embeddings
    deep_emb = e2v.reshape(B, F_FIELDS * E)
    x_deep = jax.nn.relu(deep_emb @ W1 + b1)
    x_deep = jax.nn.relu(x_deep @ W2 + b2)
    total_sum = (jnp.sum(fm_first_order, axis=1)
                 + jnp.sum(fm_second_order, axis=1)
                 + jnp.sum(x_deep, axis=1)
                 + bias[0])
    return total_sum

if __name__ == "__main__":
    import jax
    _d = setup_inputs()
    print(jax.jit(kernel)(*tuple(_d.values())))

</pallas_src>

<mosaic_0001>
#map = affine_map<(d0, d1) -> (0, 0)>
#map1 = affine_map<(d0, d1) -> (0)>
#map2 = affine_map<(d0, d1) -> (0, 0, 0)>
module attributes {stable_mosaic.version = 14 : i64} {
  func.func @_sc_gather(%arg0: i32, %arg1: i32, %arg2: memref<832x128xi32, #tpu.memory_space<hbm>>, %arg3: memref<2600000x16xf32, #tpu.memory_space<hbm>>, %arg4: memref<2600000xf32, #tpu.memory_space<hbm>>, %arg5: memref<832x128x16xf32, #tpu.memory_space<hbm>>, %arg6: memref<832x128xf32, #tpu.memory_space<hbm>>, %arg7: memref<26x128xi32, #tpu.memory_space<vmem>>, %arg8: memref<26x128x16xf32, #tpu.memory_space<vmem>>, %arg9: memref<26x128xf32, #tpu.memory_space<vmem>>, %arg10: memref<!tpu.dma_semaphore, #tpu.memory_space<semaphore_mem>>, %arg11: memref<!tpu.dma_semaphore, #tpu.memory_space<semaphore_mem>>) attributes {dimension_semantics = [#tpu.dimension_semantics<core_parallel>, #tpu.dimension_semantics<subcore_parallel>], iteration_bounds = array<i64: 2, 16>, scalar_prefetch = 0 : i64, scratch_operands = 5 : i64, tpu.core_type = #tpu.core_type<sc_vector_subcore>, window_params = [{transform_indices = #map}, {transform_indices = #map}, {transform_indices = #map1}, {transform_indices = #map2}, {transform_indices = #map}]} {
    %mul3A = arith.constant 2 : i32
    %mul3A_0 = arith.muli %arg1, %mul3A : i32
    %add3A = arith.addi %mul3A_0, %arg0 : i32
    %mul3A_1 = arith.constant 26 : i32
    %mul3A_2 = arith.muli %add3A, %mul3A_1 : i32
    "tpu.region"() ({
      %run_scoped3A = tpu.sem_alloc : memref<!tpu.dma_semaphore, #tpu.memory_space<semaphore_mem>>
      %dma_start3A_1145 = arith.constant 0 : i32
      %dma_start3A_1146 = tpu.memref_slice %arg2[%mul3A_2, %dma_start3A_1145] : memref<832x128xi32, #tpu.memory_space<hbm>> -> memref<26x128xi32, #tpu.memory_space<hbm>>
      %dma_start3A_1147 = arith.constant 0 : i32
      %dma_start3A_1148 = tpu.memref_slice %arg2[%mul3A_2, %dma_start3A_1147] : memref<832x128xi32, #tpu.memory_space<hbm>> -> memref<26x128xi32, #tpu.memory_space<hbm>>
      tpu.enqueue_dma source(%dma_start3A_1148 : memref<26x128xi32, #tpu.memory_space<hbm>>) target(%arg7 : memref<26x128xi32, #tpu.memory_space<vmem>>) target_semaphore(%run_scoped3A : memref<!tpu.dma_semaphore, #tpu.memory_space<semaphore_mem>>)
      %dma_wait3A_1149 = arith.constant 0 : i32
      %dma_wait3A_1150 = tpu.memref_slice %arg2[%mul3A_2, %dma_wait3A_1149] : memref<832x128xi32, #tpu.memory_space<hbm>> -> memref<26x128xi32, #tpu.memory_space<hbm>>
      %dma_wait3A_1151 = arith.constant 0 : i32
      %dma_wait3A_1152 = tpu.memref_slice %arg2[%mul3A_2, %dma_wait3A_1151] : memref<832x128xi32, #tpu.memory_space<hbm>> -> memref<26x128xi32, #tpu.memory_space<hbm>>
      tpu.wait_dma2 semaphore(%run_scoped3A : memref<!tpu.dma_semaphore, #tpu.memory_space<semaphore_mem>>) src(%dma_wait3A_1152 : memref<26x128xi32, #tpu.memory_space<hbm>>) dst(%arg7 : memref<26x128xi32, #tpu.memory_space<vmem>>)
      tpu.yield
    }) : () -> ()
    %dma_start3A = arith.constant 0 : i32
    %dma_start3A_3 = arith.constant 0 : i32
    %dma_start3A_4 = arith.constant 0 : i32
    %dma_start3A_5 = arith.constant 0 : i32
    %dma_start3A_6 = tpu.memref_slice %arg8[%dma_start3A_3, %dma_start3A_4, %dma_start3A_5] : memref<26x128x16xf32, #tpu.memory_space<vmem>> -> memref<1x128x16xf32, #tpu.memory_space<vmem>>
    %dma_start3A_7 = tpu.memref_squeeze %dma_start3A_6 : memref<1x128x16xf32, #tpu.memory_space<vmem>> -> memref<128x16xf32, #tpu.memory_space<vmem>>
    %dma_start3A_8 = arith.constant 0 : i32
    %dma_start3A_9 = tpu.memref_slice %arg7[%dma_start3A, %dma_start3A_8] : memref<26x128xi32, #tpu.memory_space<vmem>> -> memref<1x128xi32, #tpu.memory_space<vmem>>
    %dma_start3A_10 = tpu.memref_squeeze %dma_start3A_9 : memref<1x128xi32, #tpu.memory_space<vmem>> -> memref<128xi32, #tpu.memory_space<vmem>>
    %dma_start3A_11 = arith.constant 0 : i32
    %dma_start3A_12 = arith.constant 0 : i32
    %dma_start3A_13 = tpu.memref_slice %arg3[%dma_start3A_11, %dma_start3A_12] : memref<2600000x16xf32, #tpu.memory_space<hbm>> -> memref<2600000x16xf32, #tpu.memory_space<hbm>>
    tpu.enqueue_indirect_dma source(%dma_start3A_13 : memref<2600000x16xf32, #tpu.memory_space<hbm>>) target(%dma_start3A_7 : memref<128x16xf32, #tpu.memory_space<vmem>>) offsets(%dma_start3A_10 : memref<128xi32, #tpu.memory_space<vmem>>) semaphore(%arg10 : memref<!tpu.dma_semaphore, #tpu.memory_space<semaphore_mem>>)
    %dma_start3A_14 = arith.constant 0 : i32
    %dma_start3A_15 = arith.constant 0 : i32
    %dma_start3A_16 = arith.constant 0 : i32
    %dma_start3A_17 = tpu.memref_slice %arg9[%dma_start3A_15, %dma_start3A_16] : memref<26x128xf32, #tpu.memory_space<vmem>> -> memref<1x128xf32, #tpu.memory_space<vmem>>
    %dma_start3A_18 = tpu.memref_squeeze %dma_start3A_17 : memref<1x128xf32, #tpu.memory_space<vmem>> -> memref<128xf32, #tpu.memory_space<vmem>>
    %dma_start3A_19 = arith.constant 0 : i32
    %dma_start3A_20 = tpu.memref_slice %arg7[%dma_start3A_14, %dma_start3A_19] : memref<26x128xi32, #tpu.memory_space<vmem>> -> memref<1x128xi32, #tpu.memory_space<vmem>>
    %dma_start3A_21 = tpu.memref_squeeze %dma_start3A_20 : memref<1x128xi32, #tpu.memory_space<vmem>> -> memref<128xi32, #tpu.memory_space<vmem>>
    %dma_start3A_22 = arith.constant 0 : i32
    %dma_start3A_23 = tpu.memref_slice %arg4[%dma_start3A_22] : memref<2600000xf32, #tpu.memory_space<hbm>> -> memref<2600000xf32, #tpu.memory_space<hbm>>
    tpu.enqueue_indirect_dma source(%dma_start3A_23 : memref<2600000xf32, #tpu.memory_space<hbm>>) target(%dma_start3A_18 : memref<128xf32, #tpu.memory_space<vmem>>) offsets(%dma_start3A_21 : memref<128xi32, #tpu.memory_space<vmem>>) semaphore(%arg11 : memref<!tpu.dma_semaphore, #tpu.memory_space<semaphore_mem>>)
    %dma_start3A_24 = arith.constant 1 : i32
    %dma_start3A_25 = arith.constant 1 : i32
    %dma_start3A_26 = arith.constant 0 : i32
    %dma_start3A_27 = arith.constant 0 : i32
    %dma_start3A_28 = tpu.memref_slice %arg8[%dma_start3A_25, %dma_start3A_26, %dma_start3A_27] : memref<26x128x16xf32, #tpu.memory_space<vmem>> -> memref<1x128x16xf32, #tpu.memory_space<vmem>>
    %dma_start3A_29 = tpu.memref_squeeze %dma_start3A_28 : memref<1x128x16xf32, #tpu.memory_space<vmem>> -> memref<128x16xf32, #tpu.memory_space<vmem>>
    %dma_start3A_30 = arith.constant 0 : i32
    %dma_start3A_31 = tpu.memref_slice %arg7[%dma_start3A_24, %dma_start3A_30] : memref<26x128xi32, #tpu.memory_space<vmem>> -> memref<1x128xi32, #tpu.memory_space<vmem>>
    %dma_start3A_32 = tpu.memref_squeeze %dma_start3A_31 : memref<1x128xi32, #tpu.memory_space<vmem>> -> memref<128xi32, #tpu.memory_space<vmem>>
    %dma_start3A_33 = arith.constant 0 : i32
    %dma_start3A_34 = arith.constant 0 : i32
    %dma_start3A_35 = tpu.memref_slice %arg3[%dma_start3A_33, %dma_start3A_34] : memref<2600000x16xf32, #tpu.memory_space<hbm>> -> memref<2600000x16xf32, #tpu.memory_space<hbm>>
    tpu.enqueue_indirect_dma source(%dma_start3A_35 : memref<2600000x16xf32, #tpu.memory_space<hbm>>) target(%dma_start3A_29 : memref<128x16xf32, #tpu.memory_space<vmem>>) offsets(%dma_start3A_32 : memref<128xi32, #tpu.memory_space<vmem>>) semaphore(%arg10 : memref<!tpu.dma_semaphore, #tpu.memory_space<semaphore_mem>>)
    %dma_start3A_36 = arith.constant 1 : i32
    %dma_start3A_37 = arith.constant 1 : i32
    %dma_start3A_38 = arith.constant 0 : i32
    %dma_start3A_39 = tpu.memref_slice %arg9[%dma_start3A_37, %dma_start3A_38] : memref<26x128xf32, #tpu.memory_space<vmem>> -> memref<1x128xf32, #tpu.memory_space<vmem>>
    %dma_start3A_40 = tpu.memref_squeeze %dma_start3A_39 : memref<1x128xf32, #tpu.memory_space<vmem>> -> memref<128xf32, #tpu.memory_space<vmem>>
    %dma_start3A_41 = arith.constant 0 : i32
    %dma_start3A_42 = tpu.memref_slice %arg7[%dma_start3A_36, %dma_start3A_41] : memref<26x128xi32, #tpu.memory_space<vmem>> -> memref<1x128xi32, #tpu.memory_space<vmem>>
    %dma_start3A_43 = tpu.memref_squeeze %dma_start3A_42 : memref<1x128xi32, #tpu.memory_space<vmem>> -> memref<128xi32, #tpu.memory_space<vmem>>
    %dma_start3A_44 = arith.constant 0 : i32
    %dma_start3A_45 = tpu.memref_slice %arg4[%dma_start3A_44] : memref<2600000xf32, #tpu.memory_space<hbm>> -> memref<2600000xf32, #tpu.memory_space<hbm>>
    tpu.enqueue_indirect_dma source(%dma_start3A_45 : memref<2600000xf32, #tpu.memory_space<hbm>>) target(%dma_start3A_40 : memref<128xf32, #tpu.memory_space<vmem>>) offsets(%dma_start3A_43 : memref<128xi32, #tpu.memory_space<vmem>>) semaphore(%arg11 : memref<!tpu.dma_semaphore, #tpu.memory_space<semaphore_mem>>)
    %dma_start3A_46 = arith.constant 2 : i32
    %dma_start3A_47 = arith.constant 2 : i32
    %dma_start3A_48 = arith.constant 0 : i32
    %dma_start3A_49 = arith.constant 0 : i32
    %dma_start3A_50 = tpu.memref_slice %arg8[%dma_start3A_47, %dma_start3A_48, %dma_start3A_49] : memref<26x128x16xf32, #tpu.memory_space<vmem>> -> memref<1x128x16xf32, #tpu.memory_space<vmem>>
    %dma_start3A_51 = tpu.memref_squeeze %dma_start3A_50 : memref<1x128x16xf32, #tpu.memory_space<vmem>> -> memref<128x16xf32, #tpu.memory_space<vmem>>
    %dma_start3A_52 = arith.constant 0 : i32
    %dma_start3A_53 = tpu.memref_slice %arg7[%dma_start3A_46, %dma_start3A_52] : memref<26x128xi32, #tpu.memory_space<vmem>> -> memref<1x128xi32, #tpu.memory_space<vmem>>
    %dma_start3A_54 = tpu.memref_squeeze %dma_start3A_53 : memref<1x128xi32, #tpu.memory_space<vmem>> -> memref<128xi32, #tpu.memory_space<vmem>>
    %dma_start3A_55 = arith.constant 0 : i32
    %dma_start3A_56 = arith.constant 0 : i32
    %dma_start3A_57 = tpu.memref_slice %arg3[%dma_start3A_55, %dma_start3A_56] : memref<2600000x16xf32, #tpu.memory_space<hbm>> -> memref<2600000x16xf32, #tpu.memory_space<hbm>>
    tpu.enqueue_indirect_dma source(%dma_start3A_57 : memref<2600000x16xf32, #tpu.memory_space<hbm>>) target(%dma_start3A_51 : memref<128x16xf32, #tpu.memory_space<vmem>>) offsets(%dma_start3A_54 : memref<128xi32, #tpu.memory_space<vmem>>) semaphore(%arg10 : memref<!tpu.dma_semaphore, #tpu.memory_space<semaphore_mem>>)
    %dma_start3A_58 = arith.constant 2 : i32
    %dma_start3A_59 = arith.constant 2 : i32
    %dma_start3A_60 = arith.constant 0 : i32
    %dma_start3A_61 = tpu.memref_slice %arg9[%dma_start3A_59, %dma_start3A_60] : memref<26x128xf32, #tpu.memory_space<vmem>> -> memref<1x128xf32, #tpu.memory_space<vmem>>
    %dma_start3A_62 = tpu.memref_squeeze %dma_start3A_61 : memref<1x128xf32, #tpu.memory_space<vmem>> -> memref<128xf32, #tpu.memory_space<vmem>>
    %dma_start3A_63 = arith.constant 0 : i32
    %dma_start3A_64 = tpu.memref_slice %arg7[%dma_start3A_58, %dma_start3A_63] : memref<26x128xi32, #tpu.memory_space<vmem>> -> memref<1x128xi32, #tpu.memory_space<vmem>>
    %dma_start3A_65 = tpu.memref_squeeze %dma_start3A_64 : memref<1x128xi32, #tpu.memory_space<vmem>> -> memref<128xi32, #tpu.memory_space<vmem>>
    %dma_start3A_66 = arith.constant 0 : i32
    %dma_start3A_67 = tpu.memref_slice %arg4[%dma_start3A_66] : memref<2600000xf32, #tpu.memory_space<hbm>> -> memref<2600000xf32, #tpu.memory_space<hbm>>
    tpu.enqueue_indirect_dma source(%dma_start3A_67 : memref<2600000xf32, #tpu.memory_space<hbm>>) target(%dma_start3A_62 : memref<128xf32, #tpu.memory_space<vmem>>) offsets(%dma_start3A_65 : memref<128xi32, #tpu.memory_space<vmem>>) semaphore(%arg11 : memref<!tpu.dma_semaphore, #tpu.memory_space<semaphore_mem>>)
    %dma_start3A_68 = arith.constant 3 : i32
    %dma_start3A_69 = arith.constant 3 : i32
    %dma_start3A_70 = arith.constant 0 : i32
    %dma_start3A_71 = arith.constant 0 : i32
    %dma_start3A_72 = tpu.memref_slice %arg8[%dma_start3A_69, %dma_start3A_70, %dma_start3A_71] : memref<26x128x16xf32, #tpu.memory_space<vmem>> -> memref<1x128x16xf32, #tpu.memory_space<vmem>>
    %dma_start3A_73 = tpu.memref_squeeze %dma_start3A_72 : memref<1x128x16xf32, #tpu.memory_space<vmem>> -> memref<128x16xf32, #tpu.memory_space<vmem>>
    %dma_start3A_74 = arith.constant 0 : i32
    %dma_start3A_75 = tpu.memref_slice %arg7[%dma_start3A_68, %dma_start3A_74] : memref<26x128xi32, #tpu.memory_space<vmem>> -> memref<1x128xi32, #tpu.memory_space<vmem>>
    %dma_start3A_76 = tpu.memref_squeeze %dma_start3A_75 : memref<1x128xi32, #tpu.memory_space<vmem>> -> memref<128xi32, #tpu.memory_space<vmem>>
    %dma_start3A_77 = arith.constant 0 : i32
    %dma_start3A_78 = arith.constant 0 : i32
    %dma_start3A_79 = tpu.memref_slice %arg3[%dma_start3A_77, %dma_start3A_78] : memref<2600000x16xf32, #tpu.memory_space<hbm>> -> memref<2600000x16xf32, #tpu.memory_space<hbm>>
    tpu.enqueue_indirect_dma source(%dma_start3A_79 : memref<2600000x16xf32, #tpu.memory_space<hbm>>) target(%dma_start3A_73 : memref<128x16xf32, #tpu.memory_space<vmem>>) offsets(%dma_start3A_76 : memref<128xi32, #tpu.memory_space<vmem>>) semaphore(%arg10 : memref<!tpu.dma_semaphore, #tpu.memory_space<semaphore_mem>>)
    %dma_start3A_80 = arith.constant 3 : i32
    %dma_start3A_81 = arith.constant 3 : i32
    %dma_start3A_82 = arith.constant 0 : i32
    %dma_start3A_83 = tpu.memref_slice %arg9[%dma_start3A_81, %dma_start3A_82] : memref<26x128xf32, #tpu.memory_space<vmem>> -> memref<1x128xf32, #tpu.memory_space<vmem>>
    %dma_start3A_84 = tpu.memref_squeeze %dma_start3A_83 : memref<1x128xf32, #tpu.memory_space<vmem>> -> memref<128xf32, #tpu.memory_space<vmem>>
    %dma_start3A_85 = arith.constant 0 : i32
    %dma_start3A_86 = tpu.memref_slice %arg7[%dma_start3A_80, %dma_start3A_85] : memref<26x128xi32, #tpu.memory_space<vmem>> -> memref<1x128xi32, #tpu.memory_space<vmem>>
    %dma_start3A_87 = tpu.memref_squeeze %dma_start3A_86 : memref<1x128xi32, #tpu.memory_space<vmem>> -> memref<128xi32, #tpu.memory_space<vmem>>
    %dma_start3A_88 = arith.constant 0 : i32
    %dma_start3A_89 = tpu.memref_slice %arg4[%dma_start3A_88] : memref<2600000xf32, #tpu.memory_space<hbm>> -> memref<2600000xf32, #tpu.memory_space<hbm>>
    tpu.enqueue_indirect_dma source(%dma_start3A_89 : memref<2600000xf32, #tpu.memory_space<hbm>>) target(%dma_start3A_84 : memref<128xf32, #tpu.memory_space<vmem>>) offsets(%dma_start3A_87 : memref<128xi32, #tpu.memory_space<vmem>>) semaphore(%arg11 : memref<!tpu.dma_semaphore, #tpu.memory_space<semaphore_mem>>)
    %dma_start3A_90 = arith.constant 4 : i32
    %dma_start3A_91 = arith.constant 4 : i32
    %dma_start3A_92 = arith.constant 0 : i32
    %dma_start3A_93 = arith.constant 0 : i32
    %dma_start3A_94 = tpu.memref_slice %arg8[%dma_start3A_91, %dma_start3A_92, %dma_start3A_93] : memref<26x128x16xf32, #tpu.memory_space<vmem>> -> memref<1x128x16xf32, #tpu.memory_space<vmem>>
    %dma_start3A_95 = tpu.memref_squeeze %dma_start3A_94 : memref<1x128x16xf32, #tpu.memory_space<vmem>> -> memref<128x16xf32, #tpu.memory_space<vmem>>
    %dma_start3A_96 = arith.constant 0 : i32
    %dma_start3A_97 = tpu.memref_slice %arg7[%dma_start3A_90, %dma_start3A_96] : memref<26x128xi32, #tpu.memory_space<vmem>> -> memref<1x128xi32, #tpu.memory_space<vmem>>
    %dma_start3A_98 = tpu.memref_squeeze %dma_start3A_97 : memref<1x128xi32, #tpu.memory_space<vmem>> -> memref<128xi32, #tpu.memory_space<vmem>>
    %dma_start3A_99 = arith.constant 0 : i32
    %dma_start3A_100 = arith.constant 0 : i32
    %dma_start3A_101 = tpu.memref_slice %arg3[%dma_start3A_99, %dma_start3A_100] : memref<2600000x16xf32, #tpu.memory_space<hbm>> -> memref<2600000x16xf32, #tpu.memory_space<hbm>>
    tpu.enqueue_indirect_dma source(%dma_start3A_101 : memref<2600000x16xf32, #tpu.memory_space<hbm>>) target(%dma_start3A_95 : memref<128x16xf32, #tpu.memory_space<vmem>>) offsets(%dma_start3A_98 : memref<128xi32, #tpu.memory_space<vmem>>) semaphore(%arg10 : memref<!tpu.dma_semaphore, #tpu.memory_space<semaphore_mem>>)
    %dma_start3A_102 = arith.constant 4 : i32
    %dma_start3A_103 = arith.constant 4 : i32
    %dma_start3A_104 = arith.constant 0 : i32
    %dma_start3A_105 = tpu.memref_slice %arg9[%dma_start3A_103, %dma_start3A_104] : memref<26x128xf32, #tpu.memory_space<vmem>> -> memref<1x128xf32, #tpu.memory_space<vmem>>
    %dma_start3A_106 = tpu.memref_squeeze %dma_start3A_105 : memref<1x128xf32, #tpu.memory_space<vmem>> -> memref<128xf32, #tpu.memory_space<vmem>>
    %dma_start3A_107 = arith.constant 0 : i32
    %dma_start3A_108 = tpu.memref_slice %arg7[%dma_start3A_102, %dma_start3A_107] : memref<26x128xi32, #tpu.memory_space<vmem>> -> memref<1x128xi32, #tpu.memory_space<vmem>>
    %dma_start3A_109 = tpu.memref_squeeze %dma_start3A_108 : memref<1x128xi32, #tpu.memory_space<vmem>> -> memref<128xi32, #tpu.memory_space<vmem>>
    %dma_start3A_110 = arith.constant 0 : i32
    %dma_start3A_111 = tpu.memref_slice %arg4[%dma_start3A_110] : memref<2600000xf32, #tpu.memory_space<hbm>> -> memref<2600000xf32, #tpu.memory_space<hbm>>
    tpu.enqueue_indirect_dma source(%dma_start3A_111 : memref<2600000xf32, #tpu.memory_space<hbm>>) target(%dma_start3A_106 : memref<128xf32, #tpu.memory_space<vmem>>) offsets(%dma_start3A_109 : memref<128xi32, #tpu.memory_space<vmem>>) semaphore(%arg11 : memref<!tpu.dma_semaphore, #tpu.memory_space<semaphore_mem>>)
    %dma_start3A_112 = arith.constant 5 : i32
    %dma_start3A_113 = arith.constant 5 : i32
    %dma_start3A_114 = arith.constant 0 : i32
    %dma_start3A_115 = arith.constant 0 : i32
    %dma_start3A_116 = tpu.memref_slice %arg8[%dma_start3A_113, %dma_start3A_114, %dma_start3A_115] : memref<26x128x16xf32, #tpu.memory_space<vmem>> -> memref<1x128x16xf32, #tpu.memory_space<vmem>>
    %dma_start3A_117 = tpu.memref_squeeze %dma_start3A_116 : memref<1x128x16xf32, #tpu.memory_space<vmem>> -> memref<128x16xf32, #tpu.memory_space<vmem>>
    %dma_start3A_118 = arith.constant 0 : i32
    %dma_start3A_119 = tpu.memref_slice %arg7[%dma_start3A_112, %dma_start3A_118] : memref<26x128xi32, #tpu.memory_space<vmem>> -> memref<1x128xi32, #tpu.memory_space<vmem>>
    %dma_start3A_120 = tpu.memref_squeeze %dma_start3A_119 : memref<1x128xi32, #tpu.memory_space<vmem>> -> memref<128xi32, #tpu.memory_space<vmem>>
    %dma_start3A_121 = arith.constant 0 : i32
    %dma_start3A_122 = arith.constant 0 : i32
    %dma_start3A_123 = tpu.memref_slice %arg3[%dma_start3A_121, %dma_start3A_122] : memref<2600000x16xf32, #tpu.memory_space<hbm>> -> memref<2600000x16xf32, #tpu.memory_space<hbm>>
    tpu.enqueue_indirect_dma source(%dma_start3A_123 : memref<2600000x16xf32, #tpu.memory_space<hbm>>) target(%dma_start3A_117 : memref<128x16xf32, #tpu.memory_space<vmem>>) offsets(%dma_start3A_120 : memref<128xi32, #tpu.memory_space<vmem>>) semaphore(%arg10 : memref<!tpu.dma_semaphore, #tpu.memory_space<semaphore_mem>>)
    %dma_start3A_124 = arith.constant 5 : i32
    %dma_start3A_125 = arith.constant 5 : i32
    %dma_start3A_126 = arith.constant 0 : i32
    %dma_start3A_127 = tpu.memref_slice %arg9[%dma_start3A_125, %dma_start3A_126] : memref<26x128xf32, #tpu.memory_space<vmem>> -> memref<1x128xf32, #tpu.memory_space<vmem>>
    %dma_start3A_128 = tpu.memref_squeeze %dma_start3A_127 : memref<1x128xf32, #tpu.memory_space<vmem>> -> memref<128xf32, #tpu.memory_space<vmem>>
    %dma_start3A_129 = arith.constant 0 : i32
    %dma_start3A_130 = tpu.memref_slice %arg7[%dma_start3A_124, %dma_start3A_129] : memref<26x128xi32, #tpu.memory_space<vmem>> -> memref<1x128xi32, #tpu.memory_space<vmem>>
    %dma_start3A_131 = tpu.memref_squeeze %dma_start3A_130 : memref<1x128xi32, #tpu.memory_space<vmem>> -> memref<128xi32, #tpu.memory_space<vmem>>
    %dma_start3A_132 = arith.constant 0 : i32
    %dma_start3A_133 = tpu.memref_slice %arg4[%dma_start3A_132] : memref<2600000xf32, #tpu.memory_space<hbm>> -> memref<2600000xf32, #tpu.memory_space<hbm>>
    tpu.enqueue_indirect_dma source(%dma_start3A_133 : memref<2600000xf32, #tpu.memory_space<hbm>>) target(%dma_start3A_128 : memref<128xf32, #tpu.memory_space<vmem>>) offsets(%dma_start3A_131 : memref<128xi32, #tpu.memory_space<vmem>>) semaphore(%arg11 : memref<!tpu.dma_semaphore, #tpu.memory_space<semaphore_mem>>)
    %dma_start3A_134 = arith.constant 6 : i32
    %dma_start3A_135 = arith.constant 6 : i32
    %dma_start3A_136 = arith.constant 0 : i32
    %dma_start3A_137 = arith.constant 0 : i32
    %dma_start3A_138 = tpu.memref_slice %arg8[%dma_start3A_135, %dma_start3A_136, %dma_start3A_137] : memref<26x128x16xf32, #tpu.memory_space<vmem>> -> memref<1x128x16xf32, #tpu.memory_space<vmem>>
    %dma_start3A_139 = tpu.memref_squeeze %dma_start3A_138 : memref<1x128x16xf32, #tpu.memory_space<vmem>> -> memref<128x16xf32, #tpu.memory_space<vmem>>
    %dma_start3A_140 = arith.constant 0 : i32
    %dma_start3A_141 = tpu.memref_slice %arg7[%dma_start3A_134, %dma_start3A_140] : memref<26x128xi32, #tpu.memory_space<vmem>> -> memref<1x128xi32, #tpu.memory_space<vmem>>
    %dma_start3A_142 = tpu.memref_squeeze %dma_start3A_141 : memref<1x128xi32, #tpu.memory_space<vmem>> -> memref<128xi32, #tpu.memory_space<vmem>>
    %dma_start3A_143 = arith.constant 0 : i32
    %dma_start3A_144 = arith.constant 0 : i32
    %dma_start3A_145 = tpu.memref_slice %arg3[%dma_start3A_143, %dma_start3A_144] : memref<2600000x16xf32, #tpu.memory_space<hbm>> -> memref<2600000x16xf32, #tpu.memory_space<hbm>>
    tpu.enqueue_indirect_dma source(%dma_start3A_145 : memref<2600000x16xf32, #tpu.memory_space<hbm>>) target(%dma_start3A_139 : memref<128x16xf32, #tpu.memory_space<vmem>>) offsets(%dma_start3A_142 : memref<128xi32, #tpu.memory_space<vmem>>) semaphore(%arg10 : memref<!tpu.dma_semaphore, #tpu.memory_space<semaphore_mem>>)
    %dma_start3A_146 = arith.constant 6 : i32
    %dma_start3A_147 = arith.constant 6 : i32
    %dma_start3A_148 = arith.constant 0 : i32
    %dma_start3A_149 = tpu.memref_slice %arg9[%dma_start3A_147, %dma_start3A_148] : memref<26x128xf32, #tpu.memory_space<vmem>> -> memref<1x128xf32, #tpu.memory_space<vmem>>
    %dma_start3A_150 = tpu.memref_squeeze %dma_start3A_149 : memref<1x128xf32, #tpu.memory_space<vmem>> -> memref<128xf32, #tpu.memory_space<vmem>>
    %dma_start3A_151 = arith.constant 0 : i32
    %dma_start3A_152 = tpu.memref_slice %arg7[%dma_start3A_146, %dma_start3A_151] : memref<26x128xi32, #tpu.memory_space<vmem>> -> memref<1x128xi32, #tpu.memory_space<vmem>>
    %dma_start3A_153 = tpu.memref_squeeze %dma_start3A_152 : memref<1x128xi32, #tpu.memory_space<vmem>> -> memref<128xi32, #tpu.memory_space<vmem>>
    %dma_start3A_154 = arith.constant 0 : i32
    %dma_start3A_155 = tpu.memref_slice %arg4[%dma_start3A_154] : memref<2600000xf32, #tpu.memory_space<hbm>> -> memref<2600000xf32, #tpu.memory_space<hbm>>
    tpu.enqueue_indirect_dma source(%dma_start3A_155 : memref<2600000xf32, #tpu.memory_space<hbm>>) target(%dma_start3A_150 : memref<128xf32, #tpu.memory_space<vmem>>) offsets(%dma_start3A_153 : memref<128xi32, #tpu.memory_space<vmem>>) semaphore(%arg11 : memref<!tpu.dma_semaphore, #tpu.memory_space<semaphore_mem>>)
    %dma_start3A_156 = arith.constant 7 : i32
    %dma_start3A_157 = arith.constant 7 : i32
    %dma_start3A_158 = arith.constant 0 : i32
    %dma_start3A_159 = arith.constant 0 : i32
    %dma_start3A_160 = tpu.memref_slice %arg8[%dma_start3A_157, %dma_start3A_158, %dma_start3A_159] : memref<26x128x16xf32, #tpu.memory_space<vmem>> -> memref<1x128x16xf32, #tpu.memory_space<vmem>>
    %dma_start3A_161 = tpu.memref_squeeze %dma_start3A_160 : memref<1x128x16xf32, #tpu.memory_space<vmem>> -> memref<128x16xf32, #tpu.memory_space<vmem>>
    %dma_start3A_162 = arith.constant 0 : i32
    %dma_start3A_163 = tpu.memref_slice %arg7[%dma_start3A_156, %dma_start3A_162] : memref<26x128xi32, #tpu.memory_space<vmem>> -> memref<1x128xi32, #tpu.memory_space<vmem>>
    %dma_start3A_164 = tpu.memref_squeeze %dma_start3A_163 : memref<1x128xi32, #tpu.memory_space<vmem>> -> memref<128xi32, #tpu.memory_space<vmem>>
    %dma_start3A_165 = arith.constant 0 : i32
    %dma_start3A_166 = arith.constant 0 : i32
    %dma_start3A_167 = tpu.memref_slice %arg3[%dma_start3A_165, %dma_start3A_166] : memref<2600000x16xf32, #tpu.memory_space<hbm>> -> memref<2600000x16xf32, #tpu.memory_space<hbm>>
    tpu.enqueue_indirect_dma source(%dma_start3A_167 : memref<2600000x16xf32, #tpu.memory_space<hbm>>) target(%dma_start3A_161 : memref<128x16xf32, #tpu.memory_space<vmem>>) offsets(%dma_start3A_164 : memref<128xi32, #tpu.memory_space<vmem>>) semaphore(%arg10 : memref<!tpu.dma_semaphore, #tpu.memory_space<semaphore_mem>>)
    %dma_start3A_168 = arith.constant 7 : i32
    %dma_start3A_169 = arith.constant 7 : i32
    %dma_start3A_170 = arith.constant 0 : i32
    %dma_start3A_171 = tpu.memref_slice %arg9[%dma_start3A_169, %dma_start3A_170] : memref<26x128xf32, #tpu.memory_space<vmem>> -> memref<1x128xf32, #tpu.memory_space<vmem>>
    %dma_start3A_172 = tpu.memref_squeeze %dma_start3A_171 : memref<1x128xf32, #tpu.memory_space<vmem>> -> memref<128xf32, #tpu.memory_space<vmem>>
    %dma_start3A_173 = arith.constant 0 : i32
    %dma_start3A_174 = tpu.memref_slice %arg7[%dma_start3A_168, %dma_start3A_173] : memref<26x128xi32, #tpu.memory_space<vmem>> -> memref<1x128xi32, #tpu.memory_space<vmem>>
    %dma_start3A_175 = tpu.memref_squeeze %dma_start3A_174 : memref<1x128xi32, #tpu.memory_space<vmem>> -> memref<128xi32, #tpu.memory_space<vmem>>
    %dma_start3A_176 = arith.constant 0 : i32
    %dma_start3A_177 = tpu.memref_slice %arg4[%dma_start3A_176] : memref<2600000xf32, #tpu.memory_space<hbm>> -> memref<2600000xf32, #tpu.memory_space<hbm>>
    tpu.enqueue_indirect_dma source(%dma_start3A_177 : memref<2600000xf32, #tpu.memory_space<hbm>>) target(%dma_start3A_172 : memref<128xf32, #tpu.memory_space<vmem>>) offsets(%dma_start3A_175 : memref<128xi32, #tpu.memory_space<vmem>>) semaphore(%arg11 : memref<!tpu.dma_semaphore, #tpu.memory_space<semaphore_mem>>)
    %dma_start3A_178 = arith.constant 8 : i32
    %dma_start3A_179 = arith.constant 8 : i32
    %dma_start3A_180 = arith.constant 0 : i32
    %dma_start3A_181 = arith.constant 0 : i32
    %dma_start3A_182 = tpu.memref_slice %arg8[%dma_start3A_179, %dma_start3A_180, %dma_start3A_181] : memref<26x128x16xf32, #tpu.memory_space<vmem>> -> memref<1x128x16xf32, #tpu.memory_space<vmem>>
    %dma_start3A_183 = tpu.memref_squeeze %dma_start3A_182 : memref<1x128x16xf32, #tpu.memory_space<vmem>> -> memref<128x16xf32, #tpu.memory_space<vmem>>
    %dma_start3A_184 = arith.constant 0 : i32
    %dma_start3A_185 = tpu.memref_slice %arg7[%dma_start3A_178, %dma_start3A_184] : memref<26x128xi32, #tpu.memory_space<vmem>> -> memref<1x128xi32, #tpu.memory_space<vmem>>
    %dma_start3A_186 = tpu.memref_squeeze %dma_start3A_185 : memref<1x128xi32, #tpu.memory_space<vmem>> -> memref<128xi32, #tpu.memory_space<vmem>>
    %dma_start3A_187 = arith.constant 0 : i32
    %dma_start3A_188 = arith.constant 0 : i32
    %dma_start3A_189 = tpu.memref_slice %arg3[%dma_start3A_187, %dma_start3A_188] : memref<2600000x16xf32, #tpu.memory_space<hbm>> -> memref<2600000x16xf32, #tpu.memory_space<hbm>>
    tpu.enqueue_indirect_dma source(%dma_start3A_189 : memref<2600000x16xf32, #tpu.memory_space<hbm>>) target(%dma_start3A_183 : memref<128x16xf32, #tpu.memory_space<vmem>>) offsets(%dma_start3A_186 : memref<128xi32, #tpu.memory_space<vmem>>) semaphore(%arg10 : memref<!tpu.dma_semaphore, #tpu.memory_space<semaphore_mem>>)
    %dma_start3A_190 = arith.constant 8 : i32
    %dma_start3A_191 = arith.constant 8 : i32
    %dma_start3A_192 = arith.constant 0 : i32
    %dma_start3A_193 = tpu.memref_slice %arg9[%dma_start3A_191, %dma_start3A_192] : memref<26x128xf32, #tpu.memory_space<vmem>> -> memref<1x128xf32, #tpu.memory_space<vmem>>
    %dma_start3A_194 = tpu.memref_squeeze %dma_start3A_193 : memref<1x128xf32, #tpu.memory_space<vmem>> -> memref<128xf32, #tpu.memory_space<vmem>>
    %dma_start3A_195 = arith.constant 0 : i32
    %dma_start3A_196 = tpu.memref_slice %arg7[%dma_start3A_190, %dma_start3A_195] : memref<26x128xi32, #tpu.memory_space<vmem>> -> memref<1x128xi32, #tpu.memory_space<vmem>>
    %dma_start3A_197 = tpu.memref_squeeze %dma_start3A_196 : memref<1x128xi32, #tpu.memory_space<vmem>> -> memref<128xi32, #tpu.memory_space<vmem>>
    %dma_start3A_198 = arith.constant 0 : i32
    %dma_start3A_199 = tpu.memref_slice %arg4[%dma_start3A_198] : memref<2600000xf32, #tpu.memory_space<hbm>> -> memref<2600000xf32, #tpu.memory_space<hbm>>
    tpu.enqueue_indirect_dma source(%dma_start3A_199 : memref<2600000xf32, #tpu.memory_space<hbm>>) target(%dma_start3A_194 : memref<128xf32, #tpu.memory_space<vmem>>) offsets(%dma_start3A_197 : memref<128xi32, #tpu.memory_space<vmem>>) semaphore(%arg11 : memref<!tpu.dma_semaphore, #tpu.memory_space<semaphore_mem>>)
    %dma_start3A_200 = arith.constant 9 : i32
    %dma_start3A_201 = arith.constant 9 : i32
    %dma_start3A_202 = arith.constant 0 : i32
    %dma_start3A_203 = arith.constant 0 : i32
    %dma_start3A_204 = tpu.memref_slice %arg8[%dma_start3A_201, %dma_start3A_202, %dma_start3A_203] : memref<26x128x16xf32, #tpu.memory_space<vmem>> -> memref<1x128x16xf32, #tpu.memory_space<vmem>>
    %dma_start3A_205 = tpu.memref_squeeze %dma_start3A_204 : memref<1x128x16xf32, #tpu.memory_space<vmem>> -> memref<128x16xf32, #tpu.memory_space<vmem>>
    %dma_start3A_206 = arith.constant 0 : i32
    %dma_start3A_207 = tpu.memref_slice %arg7[%dma_start3A_200, %dma_start3A_206] : memref<26x128xi32, #tpu.memory_space<vmem>> -> memref<1x128xi32, #tpu.memory_space<vmem>>
    %dma_start3A_208 = tpu.memref_squeeze %dma_start3A_207 : memref<1x128xi32, #tpu.memory_space<vmem>> -> memref<128xi32, #tpu.memory_space<vmem>>
    %dma_start3A_209 = arith.constant 0 : i32
    %dma_start3A_210 = arith.constant 0 : i32
    %dma_start3A_211 = tpu.memref_slice %arg3[%dma_start3A_209, %dma_start3A_210] : memref<2600000x16xf32, #tpu.memory_space<hbm>> -> memref<2600000x16xf32, #tpu.memory_space<hbm>>
    tpu.enqueue_indirect_dma source(%dma_start3A_211 : memref<2600000x16xf32, #tpu.memory_space<hbm>>) target(%dma_start3A_205 : memref<128x16xf32, #tpu.memory_space<vmem>>) offsets(%dma_start3A_208 : memref<128xi32, #tpu.memory_space<vmem>>) semaphore(%arg10 : memref<!tpu.dma_semaphore, #tpu.memory_space<semaphore_mem>>)
    %dma_start3A_212 = arith.constant 9 : i32
    %dma_start3A_213 = arith.constant 9 : i32
    %dma_start3A_214 = arith.constant 0 : i32
    %dma_start3A_215 = tpu.memref_slice %arg9[%dma_start3A_213, %dma_start3A_214] : memref<26x128xf32, #tpu.memory_space<vmem>> -> memref<1x128xf32, #tpu.memory_space<vmem>>
    %dma_start3A_216 = tpu.memref_squeeze %dma_start3A_215 : memref<1x128xf32, #tpu.memory_space<vmem>> -> memref<128xf32, #tpu.memory_space<vmem>>
    %dma_start3A_217 = arith.constant 0 : i32
    %dma_start3A_218 = tpu.memref_slice %arg7[%dma_start3A_212, %dma_start3A_217] : memref<26x128xi32, #tpu.memory_space<vmem>> -> memref<1x128xi32, #tpu.memory_space<vmem>>
    %dma_start3A_219 = tpu.memref_squeeze %dma_start3A_218 : memref<1x128xi32, #tpu.memory_space<vmem>> -> memref<128xi32, #tpu.memory_space<vmem>>
    %dma_start3A_220 = arith.constant 0 : i32
    %dma_start3A_221 = tpu.memref_slice %arg4[%dma_start3A_220] : memref<2600000xf32, #tpu.memory_space<hbm>> -> memref<2600000xf32, #tpu.memory_space<hbm>>
    tpu.enqueue_indirect_dma source(%dma_start3A_221 : memref<2600000xf32, #tpu.memory_space<hbm>>) target(%dma_start3A_216 : memref<128xf32, #tpu.memory_space<vmem>>) offsets(%dma_start3A_219 : memref<128xi32, #tpu.memory_space<vmem>>) semaphore(%arg11 : memref<!tpu.dma_semaphore, #tpu.memory_space<semaphore_mem>>)
    %dma_start3A_222 = arith.constant 10 : i32
    %dma_start3A_223 = arith.constant 10 : i32
    %dma_start3A_224 = arith.constant 0 : i32
    %dma_start3A_225 = arith.constant 0 : i32
    %dma_start3A_226 = tpu.memref_slice %arg8[%dma_start3A_223, %dma_start3A_224, %dma_start3A_225] : memref<26x128x16xf32, #tpu.memory_space<vmem>> -> memref<1x128x16xf32, #tpu.memory_space<vmem>>
    %dma_start3A_227 = tpu.memref_squeeze %dma_start3A_226 : memref<1x128x16xf32, #tpu.memory_space<vmem>> -> memref<128x16xf32, #tpu.memory_space<vmem>>
    %dma_start3A_228 = arith.constant 0 : i32
    %dma_start3A_229 = tpu.memref_slice %arg7[%dma_start3A_222, %dma_start3A_228] : memref<26x128xi32, #tpu.memory_space<vmem>> -> memref<1x128xi32, #tpu.memory_space<vmem>>
    %dma_start3A_230 = tpu.memref_squeeze %dma_start3A_229 : memref<1x128xi32, #tpu.memory_space<vmem>> -> memref<128xi32, #tpu.memory_space<vmem>>
    %dma_start3A_231 = arith.constant 0 : i32
    %dma_start3A_232 = arith.constant 0 : i32
    %dma_start3A_233 = tpu.memref_slice %arg3[%dma_start3A_231, %dma_start3A_232] : memref<2600000x16xf32, #tpu.memory_space<hbm>> -> memref<2600000x16xf32, #tpu.memory_space<hbm>>
    tpu.enqueue_indirect_dma source(%dma_start3A_233 : memref<2600000x16xf32, #tpu.memory_space<hbm>>) target(%dma_start3A_227 : memref<128x16xf32, #tpu.memory_space<vmem>>) offsets(%dma_start3A_230 : memref<128xi32, #tpu.memory_space<vmem>>) semaphore(%arg10 : memref<!tpu.dma_semaphore, #tpu.memory_space<semaphore_mem>>)
    %dma_start3A_234 = arith.constant 10 : i32
    %dma_start3A_235 = arith.constant 10 : i32
    %dma_start3A_236 = arith.constant 0 : i32
    %dma_start3A_237 = tpu.memref_slice %arg9[%dma_start3A_235, %dma_start3A_236] : memref<26x128xf32, #tpu.memory_space<vmem>> -> memref<1x128xf32, #tpu.memory_space<vmem>>
    %dma_start3A_238 = tpu.memref_squeeze %dma_start3A_237 : memref<1x128xf32, #tpu.memory_space<vmem>> -> memref<128xf32, #tpu.memory_space<vmem>>
    %dma_start3A_239 = arith.constant 0 : i32
    %dma_start3A_240 = tpu.memref_slice %arg7[%dma_start3A_234, %dma_start3A_239] : memref<26x128xi32, #tpu.memory_space<vmem>> -> memref<1x128xi32, #tpu.memory_space<vmem>>
    %dma_start3A_241 = tpu.memref_squeeze %dma_start3A_240 : memref<1x128xi32, #tpu.memory_space<vmem>> -> memref<128xi32, #tpu.memory_space<vmem>>
    %dma_start3A_242 = arith.constant 0 : i32
    %dma_start3A_243 = tpu.memref_slice %arg4[%dma_start3A_242] : memref<2600000xf32, #tpu.memory_space<hbm>> -> memref<2600000xf32, #tpu.memory_space<hbm>>
    tpu.enqueue_indirect_dma source(%dma_start3A_243 : memref<2600000xf32, #tpu.memory_space<hbm>>) target(%dma_start3A_238 : memref<128xf32, #tpu.memory_space<vmem>>) offsets(%dma_start3A_241 : memref<128xi32, #tpu.memory_space<vmem>>) semaphore(%arg11 : memref<!tpu.dma_semaphore, #tpu.memory_space<semaphore_mem>>)
    %dma_start3A_244 = arith.constant 11 : i32
    %dma_start3A_245 = arith.constant 11 : i32
    %dma_start3A_246 = arith.constant 0 : i32
    %dma_start3A_247 = arith.constant 0 : i32
    %dma_start3A_248 = tpu.memref_slice %arg8[%dma_start3A_245, %dma_start3A_246, %dma_start3A_247] : memref<26x128x16xf32, #tpu.memory_space<vmem>> -> memref<1x128x16xf32, #tpu.memory_space<vmem>>
    %dma_start3A_249 = tpu.memref_squeeze %dma_start3A_248 : memref<1x128x16xf32, #tpu.memory_space<vmem>> -> memref<128x16xf32, #tpu.memory_space<vmem>>
    %dma_start3A_250 = arith.constant 0 : i32
    %dma_start3A_251 = tpu.memref_slice %arg7[%dma_start3A_244, %dma_start3A_250] : memref<26x128xi32, #tpu.memory_space<vmem>> -> memref<1x128xi32, #tpu.memory_space<vmem>>
    %dma_start3A_252 = tpu.memref_squeeze %dma_start3A_251 : memref<1x128xi32, #tpu.memory_space<vmem>> -> memref<128xi32, #tpu.memory_space<vmem>>
    %dma_start3A_253 = arith.constant 0 : i32
    %dma_start3A_254 = arith.constant 0 : i32
    %dma_start3A_255 = tpu.memref_slice %arg3[%dma_start3A_253, %dma_start3A_254] : memref<2600000x16xf32, #tpu.memory_space<hbm>> -> memref<2600000x16xf32, #tpu.memory_space<hbm>>
    tpu.enqueue_indirect_dma source(%dma_start3A_255 : memref<2600000x16xf32, #tpu.memory_space<hbm>>) target(%dma_start3A_249 : memref<128x16xf32, #tpu.memory_space<vmem>>) offsets(%dma_start3A_252 : memref<128xi32, #tpu.memory_space<vmem>>) semaphore(%arg10 : memref<!tpu.dma_semaphore, #tpu.memory_space<semaphore_mem>>)
    %dma_start3A_256 = arith.constant 11 : i32
    %dma_start3A_257 = arith.constant 11 : i32
    %dma_start3A_258 = arith.constant 0 : i32
    %dma_start3A_259 = tpu.memref_slice %arg9[%dma_start3A_257, %dma_start3A_258] : memref<26x128xf32, #tpu.memory_space<vmem>> -> memref<1x128xf32, #tpu.memory_space<vmem>>
    %dma_start3A_260 = tpu.memref_squeeze %dma_start3A_259 : memref<1x128xf32, #tpu.memory_space<vmem>> -> memref<128xf32, #tpu.memory_space<vmem>>
    %dma_start3A_261 = arith.constant 0 : i32
    %dma_start3A_262 = tpu.memref_slice %arg7[%dma_start3A_256, %dma_start3A_261] : memref<26x128xi32, #tpu.memory_space<vmem>> -> memref<1x128xi32, #tpu.memory_space<vmem>>
    %dma_start3A_263 = tpu.memref_squeeze %dma_start3A_262 : memref<1x128xi32, #tpu.memory_space<vmem>> -> memref<128xi32, #tpu.memory_space<vmem>>
    %dma_start3A_264 = arith.constant 0 : i32
    %dma_start3A_265 = tpu.memref_slice %arg4[%dma_start3A_264] : memref<2600000xf32, #tpu.memory_space<hbm>> -> memref<2600000xf32, #tpu.memory_space<hbm>>
    tpu.enqueue_indirect_dma source(%dma_start3A_265 : memref<2600000xf32, #tpu.memory_space<hbm>>) target(%dma_start3A_260 : memref<128xf32, #tpu.memory_space<vmem>>) offsets(%dma_start3A_263 : memref<128xi32, #tpu.memory_space<vmem>>) semaphore(%arg11 : memref<!tpu.dma_semaphore, #tpu.memory_space<semaphore_mem>>)
    %dma_start3A_266 = arith.constant 12 : i32
    %dma_start3A_267 = arith.constant 12 : i32
    %dma_start3A_268 = arith.constant 0 : i32
    %dma_start3A_269 = arith.constant 0 : i32
    %dma_start3A_270 = tpu.memref_slice %arg8[%dma_start3A_267, %dma_start3A_268, %dma_start3A_269] : memref<26x128x16xf32, #tpu.memory_space<vmem>> -> memref<1x128x16xf32, #tpu.memory_space<vmem>>
    %dma_start3A_271 = tpu.memref_squeeze %dma_start3A_270 : memref<1x128x16xf32, #tpu.memory_space<vmem>> -> memref<128x16xf32, #tpu.memory_space<vmem>>
    %dma_start3A_272 = arith.constant 0 : i32
    %dma_start3A_273 = tpu.memref_slice %arg7[%dma_start3A_266, %dma_start3A_272] : memref<26x128xi32, #tpu.memory_space<vmem>> -> memref<1x128xi32, #tpu.memory_space<vmem>>
    %dma_start3A_274 = tpu.memref_squeeze %dma_start3A_273 : memref<1x128xi32, #tpu.memory_space<vmem>> -> memref<128xi32, #tpu.memory_space<vmem>>
    %dma_start3A_275 = arith.constant 0 : i32
    %dma_start3A_276 = arith.constant 0 : i32
    %dma_start3A_277 = tpu.memref_slice %arg3[%dma_start3A_275, %dma_start3A_276] : memref<2600000x16xf32, #tpu.memory_space<hbm>> -> memref<2600000x16xf32, #tpu.memory_space<hbm>>
    tpu.enqueue_indirect_dma source(%dma_start3A_277 : memref<2600000x16xf32, #tpu.memory_space<hbm>>) target(%dma_start3A_271 : memref<128x16xf32, #tpu.memory_space<vmem>>) offsets(%dma_start3A_274 : memref<128xi32, #tpu.memory_space<vmem>>) semaphore(%arg10 : memref<!tpu.dma_semaphore, #tpu.memory_space<semaphore_mem>>)
    %dma_start3A_278 = arith.constant 12 : i32
    %dma_start3A_279 = arith.constant 12 : i32
    %dma_start3A_280 = arith.constant 0 : i32
    %dma_start3A_281 = tpu.memref_slice %arg9[%dma_start3A_279, %dma_start3A_280] : memref<26x128xf32, #tpu.memory_space<vmem>> -> memref<1x128xf32, #tpu.memory_space<vmem>>
    %dma_start3A_282 = tpu.memref_squeeze %dma_start3A_281 : memref<1x128xf32, #tpu.memory_space<vmem>> -> memref<128xf32, #tpu.memory_space<vmem>>
    %dma_start3A_283 = arith.constant 0 : i32
    %dma_start3A_284 = tpu.memref_slice %arg7[%dma_start3A_278, %dma_start3A_283] : memref<26x128xi32, #tpu.memory_space<vmem>> -> memref<1x128xi32, #tpu.memory_space<vmem>>
    %dma_start3A_285 = tpu.memref_squeeze %dma_start3A_284 : memref<1x128xi32, #tpu.memory_space<vmem>> -> memref<128xi32, #tpu.memory_space<vmem>>
    %dma_start3A_286 = arith.constant 0 : i32
    %dma_start3A_287 = tpu.memref_slice %arg4[%dma_start3A_286] : memref<2600000xf32, #tpu.memory_space<hbm>> -> memref<2600000xf32, #tpu.memory_space<hbm>>
    tpu.enqueue_indirect_dma source(%dma_start3A_287 : memref<2600000xf32, #tpu.memory_space<hbm>>) target(%dma_start3A_282 : memref<128xf32, #tpu.memory_space<vmem>>) offsets(%dma_start3A_285 : memref<128xi32, #tpu.memory_space<vmem>>) semaphore(%arg11 : memref<!tpu.dma_semaphore, #tpu.memory_space<semaphore_mem>>)
    %dma_start3A_288 = arith.constant 13 : i32
    %dma_start3A_289 = arith.constant 13 : i32
    %dma_start3A_290 = arith.constant 0 : i32
    %dma_start3A_291 = arith.constant 0 : i32
    %dma_start3A_292 = tpu.memref_slice %arg8[%dma_start3A_289, %dma_start3A_290, %dma_start3A_291] : memref<26x128x16xf32, #tpu.memory_space<vmem>> -> memref<1x128x16xf32, #tpu.memory_space<vmem>>
    %dma_start3A_293 = tpu.memref_squeeze %dma_start3A_292 : memref<1x128x16xf32, #tpu.memory_space<vmem>> -> memref<128x16xf32, #tpu.memory_space<vmem>>
    %dma_start3A_294 = arith.constant 0 : i32
    %dma_start3A_295 = tpu.memref_slice %arg7[%dma_start3A_288, %dma_start3A_294] : memref<26x128xi32, #tpu.memory_space<vmem>> -> memref<1x128xi32, #tpu.memory_space<vmem>>
    %dma_start3A_296 = tpu.memref_squeeze %dma_start3A_295 : memref<1x128xi32, #tpu.memory_space<vmem>> -> memref<128xi32, #tpu.memory_space<vmem>>
    %dma_start3A_297 = arith.constant 0 : i32
    %dma_start3A_298 = arith.constant 0 : i32
    %dma_start3A_299 = tpu.memref_slice %arg3[%dma_start3A_297, %dma_start3A_298] : memref<2600000x16xf32, #tpu.memory_space<hbm>> -> memref<2600000x16xf32, #tpu.memory_space<hbm>>
    tpu.enqueue_indirect_dma source(%dma_start3A_299 : memref<2600000x16xf32, #tpu.memory_space<hbm>>) target(%dma_start3A_293 : memref<128x16xf32, #tpu.memory_space<vmem>>) offsets(%dma_start3A_296 : memref<128xi32, #tpu.memory_space<vmem>>) semaphore(%arg10 : memref<!tpu.dma_semaphore, #tpu.memory_space<semaphore_mem>>)
    %dma_start3A_300 = arith.constant 13 : i32
    %dma_start3A_301 = arith.constant 13 : i32
    %dma_start3A_302 = arith.constant 0 : i32
    %dma_start3A_303 = tpu.memref_slice %arg9[%dma_start3A_301, %dma_start3A_302] : memref<26x128xf32, #tpu.memory_space<vmem>> -> memref<1x128xf32, #tpu.memory_space<vmem>>
    %dma_start3A_304 = tpu.memref_squeeze %dma_start3A_303 : memref<1x128xf32, #tpu.memory_space<vmem>> -> memref<128xf32, #tpu.memory_space<vmem>>
    %dma_start3A_305 = arith.constant 0 : i32
    %dma_start3A_306 = tpu.memref_slice %arg7[%dma_start3A_300, %dma_start3A_305] : memref<26x128xi32, #tpu.memory_space<vmem>> -> memref<1x128xi32, #tpu.memory_space<vmem>>
    %dma_start3A_307 = tpu.memref_squeeze %dma_start3A_306 : memref<1x128xi32, #tpu.memory_space<vmem>> -> memref<128xi32, #tpu.memory_space<vmem>>
    %dma_start3A_308 = arith.constant 0 : i32
    %dma_start3A_309 = tpu.memref_slice %arg4[%dma_start3A_308] : memref<2600000xf32, #tpu.memory_space<hbm>> -> memref<2600000xf32, #tpu.memory_space<hbm>>
    tpu.enqueue_indirect_dma source(%dma_start3A_309 : memref<2600000xf32, #tpu.memory_space<hbm>>) target(%dma_start3A_304 : memref<128xf32, #tpu.memory_space<vmem>>) offsets(%dma_start3A_307 : memref<128xi32, #tpu.memory_space<vmem>>) semaphore(%arg11 : memref<!tpu.dma_semaphore, #tpu.memory_space<semaphore_mem>>)
    %dma_start3A_310 = arith.constant 14 : i32
    %dma_start3A_311 = arith.constant 14 : i32
    %dma_start3A_312 = arith.constant 0 : i32
    %dma_start3A_313 = arith.constant 0 : i32
    %dma_start3A_314 = tpu.memref_slice %arg8[%dma_start3A_311, %dma_start3A_312, %dma_start3A_313] : memref<26x128x16xf32, #tpu.memory_space<vmem>> -> memref<1x128x16xf32, #tpu.memory_space<vmem>>
    %dma_start3A_315 = tpu.memref_squeeze %dma_start3A_314 : memref<1x128x16xf32, #tpu.memory_space<vmem>> -> memref<128x16xf32, #tpu.memory_space<vmem>>
    %dma_start3A_316 = arith.constant 0 : i32
    %dma_start3A_317 = tpu.memref_slice %arg7[%dma_start3A_310, %dma_start3A_316] : memref<26x128xi32, #tpu.memory_space<vmem>> -> memref<1x128xi32, #tpu.memory_space<vmem>>
    %dma_start3A_318 = tpu.memref_squeeze %dma_start3A_317 : memref<1x128xi32, #tpu.memory_space<vmem>> -> memref<128xi32, #tpu.memory_space<vmem>>
    %dma_start3A_319 = arith.constant 0 : i32
    %dma_start3A_320 = arith.constant 0 : i32
    %dma_start3A_321 = tpu.memref_slice %arg3[%dma_start3A_319, %dma_start3A_320] : memref<2600000x16xf32, #tpu.memory_space<hbm>> -> memref<2600000x16xf32, #tpu.memory_space<hbm>>
    tpu.enqueue_indirect_dma source(%dma_start3A_321 : memref<2600000x16xf32, #tpu.memory_space<hbm>>) target(%dma_start3A_315 : memref<128x16xf32, #tpu.memory_space<vmem>>) offsets(%dma_start3A_318 : memref<128xi32, #tpu.memory_space<vmem>>) semaphore(%arg10 : memref<!tpu.dma_semaphore, #tpu.memory_space<semaphore_mem>>)
    %dma_start3A_322 = arith.constant 14 : i32
    %dma_start3A_323 = arith.constant 14 : i32
    %dma_start3A_324 = arith.constant 0 : i32
    %dma_start3A_325 = tpu.memref_slice %arg9[%dma_start3A_323, %dma_start3A_324] : memref<26x128xf32, #tpu.memory_space<vmem>> -> memref<1x128xf32, #tpu.memory_space<vmem>>
    %dma_start3A_326 = tpu.memref_squeeze %dma_start3A_325 : memref<1x128xf32, #tpu.memory_space<vmem>> -> memref<128xf32, #tpu.memory_space<vmem>>
    %dma_start3A_327 = arith.constant 0 : i32
    %dma_start3A_328 = tpu.memref_slice %arg7[%dma_start3A_322, %dma_start3A_327] : memref<26x128xi32, #tpu.memory_space<vmem>> -> memref<1x128xi32, #tpu.memory_space<vmem>>
    %dma_start3A_329 = tpu.memref_squeeze %dma_start3A_328 : memref<1x128xi32, #tpu.memory_space<vmem>> -> memref<128xi32, #tpu.memory_space<vmem>>
    %dma_start3A_330 = arith.constant 0 : i32
    %dma_start3A_331 = tpu.memref_slice %arg4[%dma_start3A_330] : memref<2600000xf32, #tpu.memory_space<hbm>> -> memref<2600000xf32, #tpu.memory_space<hbm>>
    tpu.enqueue_indirect_dma source(%dma_start3A_331 : memref<2600000xf32, #tpu.memory_space<hbm>>) target(%dma_start3A_326 : memref<128xf32, #tpu.memory_space<vmem>>) offsets(%dma_start3A_329 : memref<128xi32, #tpu.memory_space<vmem>>) semaphore(%arg11 : memref<!tpu.dma_semaphore, #tpu.memory_space<semaphore_mem>>)
    %dma_start3A_332 = arith.constant 15 : i32
    %dma_start3A_333 = arith.constant 15 : i32
    %dma_start3A_334 = arith.constant 0 : i32
    %dma_start3A_335 = arith.constant 0 : i32
    %dma_start3A_336 = tpu.memref_slice %arg8[%dma_start3A_333, %dma_start3A_334, %dma_start3A_335] : memref<26x128x16xf32, #tpu.memory_space<vmem>> -> memref<1x128x16xf32, #tpu.memory_space<vmem>>
    %dma_start3A_337 = tpu.memref_squeeze %dma_start3A_336 : memref<1x128x16xf32, #tpu.memory_space<vmem>> -> memref<128x16xf32, #tpu.memory_space<vmem>>
    %dma_start3A_338 = arith.constant 0 : i32
    %dma_start3A_339 = tpu.memref_slice %arg7[%dma_start3A_332, %dma_start3A_338] : memref<26x128xi32, #tpu.memory_space<vmem>> -> memref<1x128xi32, #tpu.memory_space<vmem>>
    %dma_start3A_340 = tpu.memref_squeeze %dma_start3A_339 : memref<1x128xi32, #tpu.memory_space<vmem>> -> memref<128xi32, #tpu.memory_space<vmem>>
    %dma_start3A_341 = arith.constant 0 : i32
    %dma_start3A_342 = arith.constant 0 : i32
    %dma_start3A_343 = tpu.memref_slice %arg3[%dma_start3A_341, %dma_start3A_342] : memref<2600000x16xf32, #tpu.memory_space<hbm>> -> memref<2600000x16xf32, #tpu.memory_space<hbm>>
    tpu.enqueue_indirect_dma source(%dma_start3A_343 : memref<2600000x16xf32, #tpu.memory_space<hbm>>) target(%dma_start3A_337 : memref<128x16xf32, #tpu.memory_space<vmem>>) offsets(%dma_start3A_340 : memref<128xi32, #tpu.memory_space<vmem>>) semaphore(%arg10 : memref<!tpu.dma_semaphore, #tpu.memory_space<semaphore_mem>>)
    %dma_start3A_344 = arith.constant 15 : i32
    %dma_start3A_345 = arith.constant 15 : i32
    %dma_start3A_346 = arith.constant 0 : i32
    %dma_start3A_347 = tpu.memref_slice %arg9[%dma_start3A_345, %dma_start3A_346] : memref<26x128xf32, #tpu.memory_space<vmem>> -> memref<1x128xf32, #tpu.memory_space<vmem>>
    %dma_start3A_348 = tpu.memref_squeeze %dma_start3A_347 : memref<1x128xf32, #tpu.memory_space<vmem>> -> memref<128xf32, #tpu.memory_space<vmem>>
    %dma_start3A_349 = arith.constant 0 : i32
    %dma_start3A_350 = tpu.memref_slice %arg7[%dma_start3A_344, %dma_start3A_349] : memref<26x128xi32, #tpu.memory_space<vmem>> -> memref<1x128xi32, #tpu.memory_space<vmem>>
    %dma_start3A_351 = tpu.memref_squeeze %dma_start3A_350 : memref<1x128xi32, #tpu.memory_space<vmem>> -> memref<128xi32, #tpu.memory_space<vmem>>
    %dma_start3A_352 = arith.constant 0 : i32
    %dma_start3A_353 = tpu.memref_slice %arg4[%dma_start3A_352] : memref<2600000xf32, #tpu.memory_space<hbm>> -> memref<2600000xf32, #tpu.memory_space<hbm>>
    tpu.enqueue_indirect_dma source(%dma_start3A_353 : memref<2600000xf32, #tpu.memory_space<hbm>>) target(%dma_start3A_348 : memref<128xf32, #tpu.memory_space<vmem>>) offsets(%dma_start3A_351 : memref<128xi32, #tpu.memory_space<vmem>>) semaphore(%arg11 : memref<!tpu.dma_semaphore, #tpu.memory_space<semaphore_mem>>)
    %dma_start3A_354 = arith.constant 16 : i32
    %dma_start3A_355 = arith.constant 16 : i32
    %dma_start3A_356 = arith.constant 0 : i32
    %dma_start3A_357 = arith.constant 0 : i32
    %dma_start3A_358 = tpu.memref_slice %arg8[%dma_start3A_355, %dma_start3A_356, %dma_start3A_357] : memref<26x128x16xf32, #tpu.memory_space<vmem>> -> memref<1x128x16xf32, #tpu.memory_space<vmem>>
    %dma_start3A_359 = tpu.memref_squeeze %dma_start3A_358 : memref<1x128x16xf32, #tpu.memory_space<vmem>> -> memref<128x16xf32, #tpu.memory_space<vmem>>
    %dma_start3A_360 = arith.constant 0 : i32
    %dma_start3A_361 = tpu.memref_slice %arg7[%dma_start3A_354, %dma_start3A_360] : memref<26x128xi32, #tpu.memory_space<vmem>> -> memref<1x128xi32, #tpu.memory_space<vmem>>
    %dma_start3A_362 = tpu.memref_squeeze %dma_start3A_361 : memref<1x128xi32, #tpu.memory_space<vmem>> -> memref<128xi32, #tpu.memory_space<vmem>>
    %dma_start3A_363 = arith.constant 0 : i32
    %dma_start3A_364 = arith.constant 0 : i32
    %dma_start3A_365 = tpu.memref_slice %arg3[%dma_start3A_363, %dma_start3A_364] : memref<2600000x16xf32, #tpu.memory_space<hbm>> -> memref<2600000x16xf32, #tpu.memory_space<hbm>>
    tpu.enqueue_indirect_dma source(%dma_start3A_365 : memref<2600000x16xf32, #tpu.memory_space<hbm>>) target(%dma_start3A_359 : memref<128x16xf32, #tpu.memory_space<vmem>>) offsets(%dma_start3A_362 : memref<128xi32, #tpu.memory_space<vmem>>) semaphore(%arg10 : memref<!tpu.dma_semaphore, #tpu.memory_space<semaphore_mem>>)
    %dma_start3A_366 = arith.constant 16 : i32
    %dma_start3A_367 = arith.constant 16 : i32
    %dma_start3A_368 = arith.constant 0 : i32
    %dma_start3A_369 = tpu.memref_slice %arg9[%dma_start3A_367, %dma_start3A_368] : memref<26x128xf32, #tpu.memory_space<vmem>> -> memref<1x128xf32, #tpu.memory_space<vmem>>
    %dma_start3A_370 = tpu.memref_squeeze %dma_start3A_369 : memref<1x128xf32, #tpu.memory_space<vmem>> -> memref<128xf32, #tpu.memory_space<vmem>>
    %dma_start3A_371 = arith.constant 0 : i32
    %dma_start3A_372 = tpu.memref_slice %arg7[%dma_start3A_366, %dma_start3A_371] : memref<26x128xi32, #tpu.memory_space<vmem>> -> memref<1x128xi32, #tpu.memory_space<vmem>>
    %dma_start3A_373 = tpu.memref_squeeze %dma_start3A_372 : memref<1x128xi32, #tpu.memory_space<vmem>> -> memref<128xi32, #tpu.memory_space<vmem>>
    %dma_start3A_374 = arith.constant 0 : i32
    %dma_start3A_375 = tpu.memref_slice %arg4[%dma_start3A_374] : memref<2600000xf32, #tpu.memory_space<hbm>> -> memref<2600000xf32, #tpu.memory_space<hbm>>
    tpu.enqueue_indirect_dma source(%dma_start3A_375 : memref<2600000xf32, #tpu.memory_space<hbm>>) target(%dma_start3A_370 : memref<128xf32, #tpu.memory_space<vmem>>) offsets(%dma_start3A_373 : memref<128xi32, #tpu.memory_space<vmem>>) semaphore(%arg11 : memref<!tpu.dma_semaphore, #tpu.memory_space<semaphore_mem>>)
    %dma_start3A_376 = arith.constant 17 : i32
    %dma_start3A_377 = arith.constant 17 : i32
    %dma_start3A_378 = arith.constant 0 : i32
    %dma_start3A_379 = arith.constant 0 : i32
    %dma_start3A_380 = tpu.memref_slice %arg8[%dma_start3A_377, %dma_start3A_378, %dma_start3A_379] : memref<26x128x16xf32, #tpu.memory_space<vmem>> -> memref<1x128x16xf32, #tpu.memory_space<vmem>>
    %dma_start3A_381 = tpu.memref_squeeze %dma_start3A_380 : memref<1x128x16xf32, #tpu.memory_space<vmem>> -> memref<128x16xf32, #tpu.memory_space<vmem>>
    %dma_start3A_382 = arith.constant 0 : i32
    %dma_start3A_383 = tpu.memref_slice %arg7[%dma_start3A_376, %dma_start3A_382] : memref<26x128xi32, #tpu.memory_space<vmem>> -> memref<1x128xi32, #tpu.memory_space<vmem>>
    %dma_start3A_384 = tpu.memref_squeeze %dma_start3A_383 : memref<1x128xi32, #tpu.memory_space<vmem>> -> memref<128xi32, #tpu.memory_space<vmem>>
    %dma_start3A_385 = arith.constant 0 : i32
    %dma_start3A_386 = arith.constant 0 : i32
    %dma_start3A_387 = tpu.memref_slice %arg3[%dma_start3A_385, %dma_start3A_386] : memref<2600000x16xf32, #tpu.memory_space<hbm>> -> memref<2600000x16xf32, #tpu.memory_space<hbm>>
    tpu.enqueue_indirect_dma source(%dma_start3A_387 : memref<2600000x16xf32, #tpu.memory_space<hbm>>) target(%dma_start3A_381 : memref<128x16xf32, #tpu.memory_space<vmem>>) offsets(%dma_start3A_384 : memref<128xi32, #tpu.memory_space<vmem>>) semaphore(%arg10 : memref<!tpu.dma_semaphore, #tpu.memory_space<semaphore_mem>>)
    %dma_start3A_388 = arith.constant 17 : i32
    %dma_start3A_389 = arith.constant 17 : i32
    %dma_start3A_390 = arith.constant 0 : i32
    %dma_start3A_391 = tpu.memref_slice %arg9[%dma_start3A_389, %dma_start3A_390] : memref<26x128xf32, #tpu.memory_space<vmem>> -> memref<1x128xf32, #tpu.memory_space<vmem>>
    %dma_start3A_392 = tpu.memref_squeeze %dma_start3A_391 : memref<1x128xf32, #tpu.memory_space<vmem>> -> memref<128xf32, #tpu.memory_space<vmem>>
    %dma_start3A_393 = arith.constant 0 : i32
    %dma_start3A_394 = tpu.memref_slice %arg7[%dma_start3A_388, %dma_start3A_393] : memref<26x128xi32, #tpu.memory_space<vmem>> -> memref<1x128xi32, #tpu.memory_space<vmem>>
    %dma_start3A_395 = tpu.memref_squeeze %dma_start3A_394 : memref<1x128xi32, #tpu.memory_space<vmem>> -> memref<128xi32, #tpu.memory_space<vmem>>
    %dma_start3A_396 = arith.constant 0 : i32
    %dma_start3A_397 = tpu.memref_slice %arg4[%dma_start3A_396] : memref<2600000xf32, #tpu.memory_space<hbm>> -> memref<2600000xf32, #tpu.memory_space<hbm>>
    tpu.enqueue_indirect_dma source(%dma_start3A_397 : memref<2600000xf32, #tpu.memory_space<hbm>>) target(%dma_start3A_392 : memref<128xf32, #tpu.memory_space<vmem>>) offsets(%dma_start3A_395 : memref<128xi32, #tpu.memory_space<vmem>>) semaphore(%arg11 : memref<!tpu.dma_semaphore, #tpu.memory_space<semaphore_mem>>)
    %dma_start3A_398 = arith.constant 18 : i32
    %dma_start3A_399 = arith.constant 18 : i32
    %dma_start3A_400 = arith.constant 0 : i32
    %dma_start3A_401 = arith.constant 0 : i32
    %dma_start3A_402 = tpu.memref_slice %arg8[%dma_start3A_399, %dma_start3A_400, %dma_start3A_401] : memref<26x128x16xf32, #tpu.memory_space<vmem>> -> memref<1x128x16xf32, #tpu.memory_space<vmem>>
    %dma_start3A_403 = tpu.memref_squeeze %dma_start3A_402 : memref<1x128x16xf32, #tpu.memory_space<vmem>> -> memref<128x16xf32, #tpu.memory_space<vmem>>
    %dma_start3A_404 = arith.constant 0 : i32
    %dma_start3A_405 = tpu.memref_slice %arg7[%dma_start3A_398, %dma_start3A_404] : memref<26x128xi32, #tpu.memory_space<vmem>> -> memref<1x128xi32, #tpu.memory_space<vmem>>
    %dma_start3A_406 = tpu.memref_squeeze %dma_start3A_405 : memref<1x128xi32, #tpu.memory_space<vmem>> -> memref<128xi32, #tpu.memory_space<vmem>>
    %dma_start3A_407 = arith.constant 0 : i32
    %dma_start3A_408 = arith.constant 0 : i32
    %dma_start3A_409 = tpu.memref_slice %arg3[%dma_start3A_407, %dma_start3A_408] : memref<2600000x16xf32, #tpu.memory_space<hbm>> -> memref<2600000x16xf32, #tpu.memory_space<hbm>>
    tpu.enqueue_indirect_dma source(%dma_start3A_409 : memref<2600000x16xf32, #tpu.memory_space<hbm>>) target(%dma_start3A_403 : memref<128x16xf32, #tpu.memory_space<vmem>>) offsets(%dma_start3A_406 : memref<128xi32, #tpu.memory_space<vmem>>) semaphore(%arg10 : memref<!tpu.dma_semaphore, #tpu.memory_space<semaphore_mem>>)
    %dma_start3A_410 = arith.constant 18 : i32
    %dma_start3A_411 = arith.constant 18 : i32
    %dma_start3A_412 = arith.constant 0 : i32
    %dma_start3A_413 = tpu.memref_slice %arg9[%dma_start3A_411, %dma_start3A_412] : memref<26x128xf32, #tpu.memory_space<vmem>> -> memref<1x128xf32, #tpu.memory_space<vmem>>
    %dma_start3A_414 = tpu.memref_squeeze %dma_start3A_413 : memref<1x128xf32, #tpu.memory_space<vmem>> -> memref<128xf32, #tpu.memory_space<vmem>>
    %dma_start3A_415 = arith.constant 0 : i32
    %dma_start3A_416 = tpu.memref_slice %arg7[%dma_start3A_410, %dma_start3A_415] : memref<26x128xi32, #tpu.memory_space<vmem>> -> memref<1x128xi32, #tpu.memory_space<vmem>>
    %dma_start3A_417 = tpu.memref_squeeze %dma_start3A_416 : memref<1x128xi32, #tpu.memory_space<vmem>> -> memref<128xi32, #tpu.memory_space<vmem>>
    %dma_start3A_418 = arith.constant 0 : i32
    %dma_start3A_419 = tpu.memref_slice %arg4[%dma_start3A_418] : memref<2600000xf32, #tpu.memory_space<hbm>> -> memref<2600000xf32, #tpu.memory_space<hbm>>
    tpu.enqueue_indirect_dma source(%dma_start3A_419 : memref<2600000xf32, #tpu.memory_space<hbm>>) target(%dma_start3A_414 : memref<128xf32, #tpu.memory_space<vmem>>) offsets(%dma_start3A_417 : memref<128xi32, #tpu.memory_space<vmem>>) semaphore(%arg11 : memref<!tpu.dma_semaphore, #tpu.memory_space<semaphore_mem>>)
    %dma_start3A_420 = arith.constant 19 : i32
    %dma_start3A_421 = arith.constant 19 : i32
    %dma_start3A_422 = arith.constant 0 : i32
    %dma_start3A_423 = arith.constant 0 : i32
    %dma_start3A_424 = tpu.memref_slice %arg8[%dma_start3A_421, %dma_start3A_422, %dma_start3A_423] : memref<26x128x16xf32, #tpu.memory_space<vmem>> -> memref<1x128x16xf32, #tpu.memory_space<vmem>>
    %dma_start3A_425 = tpu.memref_squeeze %dma_start3A_424 : memref<1x128x16xf32, #tpu.memory_space<vmem>> -> memref<128x16xf32, #tpu.memory_space<vmem>>
    %dma_start3A_426 = arith.constant 0 : i32
    %dma_start3A_427 = tpu.memref_slice %arg7[%dma_start3A_420, %dma_start3A_426] : memref<26x128xi32, #tpu.memory_space<vmem>> -> memref<1x128xi32, #tpu.memory_space<vmem>>
    %dma_start3A_428 = tpu.memref_squeeze %dma_start3A_427 : memref<1x128xi32, #tpu.memory_space<vmem>> -> memref<128xi32, #tpu.memory_space<vmem>>
    %dma_start3A_429 = arith.constant 0 : i32
    %dma_start3A_430 = arith.constant 0 : i32
    %dma_start3A_431 = tpu.memref_slice %arg3[%dma_start3A_429, %dma_start3A_430] : memref<2600000x16xf32, #tpu.memory_space<hbm>> -> memref<2600000x16xf32, #tpu.memory_space<hbm>>
    tpu.enqueue_indirect_dma source(%dma_start3A_431 : memref<2600000x16xf32, #tpu.memory_space<hbm>>) target(%dma_start3A_425 : memref<128x16xf32, #tpu.memory_space<vmem>>) offsets(%dma_start3A_428 : memref<128xi32, #tpu.memory_space<vmem>>) semaphore(%arg10 : memref<!tpu.dma_semaphore, #tpu.memory_space<semaphore_mem>>)
    %dma_start3A_432 = arith.constant 19 : i32
    %dma_start3A_433 = arith.constant 19 : i32
    %dma_start3A_434 = arith.constant 0 : i32
    %dma_start3A_435 = tpu.memref_slice %arg9[%dma_start3A_433, %dma_start3A_434] : memref<26x128xf32, #tpu.memory_space<vmem>> -> memref<1x128xf32, #tpu.memory_space<vmem>>
    %dma_start3A_436 = tpu.memref_squeeze %dma_start3A_435 : memref<1x128xf32, #tpu.memory_space<vmem>> -> memref<128xf32, #tpu.memory_space<vmem>>
    %dma_start3A_437 = arith.constant 0 : i32
    %dma_start3A_438 = tpu.memref_slice %arg7[%dma_start3A_432, %dma_start3A_437] : memref<26x128xi32, #tpu.memory_space<vmem>> -> memref<1x128xi32, #tpu.memory_space<vmem>>
    %dma_start3A_439 = tpu.memref_squeeze %dma_start3A_438 : memref<1x128xi32, #tpu.memory_space<vmem>> -> memref<128xi32, #tpu.memory_space<vmem>>
    %dma_start3A_440 = arith.constant 0 : i32
    %dma_start3A_441 = tpu.memref_slice %arg4[%dma_start3A_440] : memref<2600000xf32, #tpu.memory_space<hbm>> -> memref<2600000xf32, #tpu.memory_space<hbm>>
    tpu.enqueue_indirect_dma source(%dma_start3A_441 : memref<2600000xf32, #tpu.memory_space<hbm>>) target(%dma_start3A_436 : memref<128xf32, #tpu.memory_space<vmem>>) offsets(%dma_start3A_439 : memref<128xi32, #tpu.memory_space<vmem>>) semaphore(%arg11 : memref<!tpu.dma_semaphore, #tpu.memory_space<semaphore_mem>>)
    %dma_start3A_442 = arith.constant 20 : i32
    %dma_start3A_443 = arith.constant 20 : i32
    %dma_start3A_444 = arith.constant 0 : i32
    %dma_start3A_445 = arith.constant 0 : i32
    %dma_start3A_446 = tpu.memref_slice %arg8[%dma_start3A_443, %dma_start3A_444, %dma_start3A_445] : memref<26x128x16xf32, #tpu.memory_space<vmem>> -> memref<1x128x16xf32, #tpu.memory_space<vmem>>
    %dma_start3A_447 = tpu.memref_squeeze %dma_start3A_446 : memref<1x128x16xf32, #tpu.memory_space<vmem>> -> memref<128x16xf32, #tpu.memory_space<vmem>>
    %dma_start3A_448 = arith.constant 0 : i32
    %dma_start3A_449 = tpu.memref_slice %arg7[%dma_start3A_442, %dma_start3A_448] : memref<26x128xi32, #tpu.memory_space<vmem>> -> memref<1x128xi32, #tpu.memory_space<vmem>>
    %dma_start3A_450 = tpu.memref_squeeze %dma_start3A_449 : memref<1x128xi32, #tpu.memory_space<vmem>> -> memref<128xi32, #tpu.memory_space<vmem>>
    %dma_start3A_451 = arith.constant 0 : i32
    %dma_start3A_452 = arith.constant 0 : i32
    %dma_start3A_453 = tpu.memref_slice %arg3[%dma_start3A_451, %dma_start3A_452] : memref<2600000x16xf32, #tpu.memory_space<hbm>> -> memref<2600000x16xf32, #tpu.memory_space<hbm>>
    tpu.enqueue_indirect_dma source(%dma_start3A_453 : memref<2600000x16xf32, #tpu.memory_space<hbm>>) target(%dma_start3A_447 : memref<128x16xf32, #tpu.memory_space<vmem>>) offsets(%dma_start3A_450 : memref<128xi32, #tpu.memory_space<vmem>>) semaphore(%arg10 : memref<!tpu.dma_semaphore, #tpu.memory_space<semaphore_mem>>)
    %dma_start3A_454 = arith.constant 20 : i32
    %dma_start3A_455 = arith.constant 20 : i32
    %dma_start3A_456 = arith.constant 0 : i32
    %dma_start3A_457 = tpu.memref_slice %arg9[%dma_start3A_455, %dma_start3A_456] : memref<26x128xf32, #tpu.memory_space<vmem>> -> memref<1x128xf32, #tpu.memory_space<vmem>>
    %dma_start3A_458 = tpu.memref_squeeze %dma_start3A_457 : memref<1x128xf32, #tpu.memory_space<vmem>> -> memref<128xf32, #tpu.memory_space<vmem>>
    %dma_start3A_459 = arith.constant 0 : i32
    %dma_start3A_460 = tpu.memref_slice %arg7[%dma_start3A_454, %dma_start3A_459] : memref<26x128xi32, #tpu.memory_space<vmem>> -> memref<1x128xi32, #tpu.memory_space<vmem>>
    %dma_start3A_461 = tpu.memref_squeeze %dma_start3A_460 : memref<1x128xi32, #tpu.memory_space<vmem>> -> memref<128xi32, #tpu.memory_space<vmem>>
    %dma_start3A_462 = arith.constant 0 : i32
    %dma_start3A_463 = tpu.memref_slice %arg4[%dma_start3A_462] : memref<2600000xf32, #tpu.memory_space<hbm>> -> memref<2600000xf32, #tpu.memory_space<hbm>>
    tpu.enqueue_indirect_dma source(%dma_start3A_463 : memref<2600000xf32, #tpu.memory_space<hbm>>) target(%dma_start3A_458 : memref<128xf32, #tpu.memory_space<vmem>>) offsets(%dma_start3A_461 : memref<128xi32, #tpu.memory_space<vmem>>) semaphore(%arg11 : memref<!tpu.dma_semaphore, #tpu.memory_space<semaphore_mem>>)
    %dma_start3A_464 = arith.constant 21 : i32
    %dma_start3A_465 = arith.constant 21 : i32
    %dma_start3A_466 = arith.constant 0 : i32
    %dma_start3A_467 = arith.constant 0 : i32
    %dma_start3A_468 = tpu.memref_slice %arg8[%dma_start3A_465, %dma_start3A_466, %dma_start3A_467] : memref<26x128x16xf32, #tpu.memory_space<vmem>> -> memref<1x128x16xf32, #tpu.memory_space<vmem>>
    %dma_start3A_469 = tpu.memref_squeeze %dma_start3A_468 : memref<1x128x16xf32, #tpu.memory_space<vmem>> -> memref<128x16xf32, #tpu.memory_space<vmem>>
    %dma_start3A_470 = arith.constant 0 : i32
    %dma_start3A_471 = tpu.memref_slice %arg7[%dma_start3A_464, %dma_start3A_470] : memref<26x128xi32, #tpu.memory_space<vmem>> -> memref<1x128xi32, #tpu.memory_space<vmem>>
    %dma_start3A_472 = tpu.memref_squeeze %dma_start3A_471 : memref<1x128xi32, #tpu.memory_space<vmem>> -> memref<128xi32, #tpu.memory_space<vmem>>
    %dma_start3A_473 = arith.constant 0 : i32
    %dma_start3A_474 = arith.constant 0 : i32
    %dma_start3A_475 = tpu.memref_slice %arg3[%dma_start3A_473, %dma_start3A_474] : memref<2600000x16xf32, #tpu.memory_space<hbm>> -> memref<2600000x16xf32, #tpu.memory_space<hbm>>
    tpu.enqueue_indirect_dma source(%dma_start3A_475 : memref<2600000x16xf32, #tpu.memory_space<hbm>>) target(%dma_start3A_469 : memref<128x16xf32, #tpu.memory_space<vmem>>) offsets(%dma_start3A_472 : memref<128xi32, #tpu.memory_space<vmem>>) semaphore(%arg10 : memref<!tpu.dma_semaphore, #tpu.memory_space<semaphore_mem>>)
    %dma_start3A_476 = arith.constant 21 : i32
    %dma_start3A_477 = arith.constant 21 : i32
    %dma_start3A_478 = arith.constant 0 : i32
    %dma_start3A_479 = tpu.memref_slice %arg9[%dma_start3A_477, %dma_start3A_478] : memref<26x128xf32, #tpu.memory_space<vmem>> -> memref<1x128xf32, #tpu.memory_space<vmem>>
    %dma_start3A_480 = tpu.memref_squeeze %dma_start3A_479 : memref<1x128xf32, #tpu.memory_space<vmem>> -> memref<128xf32, #tpu.memory_space<vmem>>
    %dma_start3A_481 = arith.constant 0 : i32
    %dma_start3A_482 = tpu.memref_slice %arg7[%dma_start3A_476, %dma_start3A_481] : memref<26x128xi32, #tpu.memory_space<vmem>> -> memref<1x128xi32, #tpu.memory_space<vmem>>
    %dma_start3A_483 = tpu.memref_squeeze %dma_start3A_482 : memref<1x128xi32, #tpu.memory_space<vmem>> -> memref<128xi32, #tpu.memory_space<vmem>>
    %dma_start3A_484 = arith.constant 0 : i32
    %dma_start3A_485 = tpu.memref_slice %arg4[%dma_start3A_484] : memref<2600000xf32, #tpu.memory_space<hbm>> -> memref<2600000xf32, #tpu.memory_space<hbm>>
    tpu.enqueue_indirect_dma source(%dma_start3A_485 : memref<2600000xf32, #tpu.memory_space<hbm>>) target(%dma_start3A_480 : memref<128xf32, #tpu.memory_space<vmem>>) offsets(%dma_start3A_483 : memref<128xi32, #tpu.memory_space<vmem>>) semaphore(%arg11 : memref<!tpu.dma_semaphore, #tpu.memory_space<semaphore_mem>>)
    %dma_start3A_486 = arith.constant 22 : i32
    %dma_start3A_487 = arith.constant 22 : i32
    %dma_start3A_488 = arith.constant 0 : i32
    %dma_start3A_489 = arith.constant 0 : i32
    %dma_start3A_490 = tpu.memref_slice %arg8[%dma_start3A_487, %dma_start3A_488, %dma_start3A_489] : memref<26x128x16xf32, #tpu.memory_space<vmem>> -> memref<1x128x16xf32, #tpu.memory_space<vmem>>
    %dma_start3A_491 = tpu.memref_squeeze %dma_start3A_490 : memref<1x128x16xf32, #tpu.memory_space<vmem>> -> memref<128x16xf32, #tpu.memory_space<vmem>>
    %dma_start3A_492 = arith.constant 0 : i32
    %dma_start3A_493 = tpu.memref_slice %arg7[%dma_start3A_486, %dma_start3A_492] : memref<26x128xi32, #tpu.memory_space<vmem>> -> memref<1x128xi32, #tpu.memory_space<vmem>>
    %dma_start3A_494 = tpu.memref_squeeze %dma_start3A_493 : memref<1x128xi32, #tpu.memory_space<vmem>> -> memref<128xi32, #tpu.memory_space<vmem>>
    %dma_start3A_495 = arith.constant 0 : i32
    %dma_start3A_496 = arith.constant 0 : i32
    %dma_start3A_497 = tpu.memref_slice %arg3[%dma_start3A_495, %dma_start3A_496] : memref<2600000x16xf32, #tpu.memory_space<hbm>> -> memref<2600000x16xf32, #tpu.memory_space<hbm>>
    tpu.enqueue_indirect_dma source(%dma_start3A_497 : memref<2600000x16xf32, #tpu.memory_space<hbm>>) target(%dma_start3A_491 : memref<128x16xf32, #tpu.memory_space<vmem>>) offsets(%dma_start3A_494 : memref<128xi32, #tpu.memory_space<vmem>>) semaphore(%arg10 : memref<!tpu.dma_semaphore, #tpu.memory_space<semaphore_mem>>)
    %dma_start3A_498 = arith.constant 22 : i32
    %dma_start3A_499 = arith.constant 22 : i32
    %dma_start3A_500 = arith.constant 0 : i32
    %dma_start3A_501 = tpu.memref_slice %arg9[%dma_start3A_499, %dma_start3A_500] : memref<26x128xf32, #tpu.memory_space<vmem>> -> memref<1x128xf32, #tpu.memory_space<vmem>>
    %dma_start3A_502 = tpu.memref_squeeze %dma_start3A_501 : memref<1x128xf32, #tpu.memory_space<vmem>> -> memref<128xf32, #tpu.memory_space<vmem>>
    %dma_start3A_503 = arith.constant 0 : i32
    %dma_start3A_504 = tpu.memref_slice %arg7[%dma_start3A_498, %dma_start3A_503] : memref<26x128xi32, #tpu.memory_space<vmem>> -> memref<1x128xi32, #tpu.memory_space<vmem>>
    %dma_start3A_505 = tpu.memref_squeeze %dma_start3A_504 : memref<1x128xi32, #tpu.memory_space<vmem>> -> memref<128xi32, #tpu.memory_space<vmem>>
    %dma_start3A_506 = arith.constant 0 : i32
    %dma_start3A_507 = tpu.memref_slice %arg4[%dma_start3A_506] : memref<2600000xf32, #tpu.memory_space<hbm>> -> memref<2600000xf32, #tpu.memory_space<hbm>>
    tpu.enqueue_indirect_dma source(%dma_start3A_507 : memref<2600000xf32, #tpu.memory_space<hbm>>) target(%dma_start3A_502 : memref<128xf32, #tpu.memory_space<vmem>>) offsets(%dma_start3A_505 : memref<128xi32, #tpu.memory_space<vmem>>) semaphore(%arg11 : memref<!tpu.dma_semaphore, #tpu.memory_space<semaphore_mem>>)
    %dma_start3A_508 = arith.constant 23 : i32
    %dma_start3A_509 = arith.constant 23 : i32
    %dma_start3A_510 = arith.constant 0 : i32
    %dma_start3A_511 = arith.constant 0 : i32
    %dma_start3A_512 = tpu.memref_slice %arg8[%dma_start3A_509, %dma_start3A_510, %dma_start3A_511] : memref<26x128x16xf32, #tpu.memory_space<vmem>> -> memref<1x128x16xf32, #tpu.memory_space<vmem>>
    %dma_start3A_513 = tpu.memref_squeeze %dma_start3A_512 : memref<1x128x16xf32, #tpu.memory_space<vmem>> -> memref<128x16xf32, #tpu.memory_space<vmem>>
    %dma_start3A_514 = arith.constant 0 : i32
    %dma_start3A_515 = tpu.memref_slice %arg7[%dma_start3A_508, %dma_start3A_514] : memref<26x128xi32, #tpu.memory_space<vmem>> -> memref<1x128xi32, #tpu.memory_space<vmem>>
    %dma_start3A_516 = tpu.memref_squeeze %dma_start3A_515 : memref<1x128xi32, #tpu.memory_space<vmem>> -> memref<128xi32, #tpu.memory_space<vmem>>
    %dma_start3A_517 = arith.constant 0 : i32
    %dma_start3A_518 = arith.constant 0 : i32
    %dma_start3A_519 = tpu.memref_slice %arg3[%dma_start3A_517, %dma_start3A_518] : memref<2600000x16xf32, #tpu.memory_space<hbm>> -> memref<2600000x16xf32, #tpu.memory_space<hbm>>
    tpu.enqueue_indirect_dma source(%dma_start3A_519 : memref<2600000x16xf32, #tpu.memory_space<hbm>>) target(%dma_start3A_513 : memref<128x16xf32, #tpu.memory_space<vmem>>) offsets(%dma_start3A_516 : memref<128xi32, #tpu.memory_space<vmem>>) semaphore(%arg10 : memref<!tpu.dma_semaphore, #tpu.memory_space<semaphore_mem>>)
    %dma_start3A_520 = arith.constant 23 : i32
    %dma_start3A_521 = arith.constant 23 : i32
    %dma_start3A_522 = arith.constant 0 : i32
    %dma_start3A_523 = tpu.memref_slice %arg9[%dma_start3A_521, %dma_start3A_522] : memref<26x128xf32, #tpu.memory_space<vmem>> -> memref<1x128xf32, #tpu.memory_space<vmem>>
    %dma_start3A_524 = tpu.memref_squeeze %dma_start3A_523 : memref<1x128xf32, #tpu.memory_space<vmem>> -> memref<128xf32, #tpu.memory_space<vmem>>
    %dma_start3A_525 = arith.constant 0 : i32
    %dma_start3A_526 = tpu.memref_slice %arg7[%dma_start3A_520, %dma_start3A_525] : memref<26x128xi32, #tpu.memory_space<vmem>> -> memref<1x128xi32, #tpu.memory_space<vmem>>
    %dma_start3A_527 = tpu.memref_squeeze %dma_start3A_526 : memref<1x128xi32, #tpu.memory_space<vmem>> -> memref<128xi32, #tpu.memory_space<vmem>>
    %dma_start3A_528 = arith.constant 0 : i32
    %dma_start3A_529 = tpu.memref_slice %arg4[%dma_start3A_528] : memref<2600000xf32, #tpu.memory_space<hbm>> -> memref<2600000xf32, #tpu.memory_space<hbm>>
    tpu.enqueue_indirect_dma source(%dma_start3A_529 : memref<2600000xf32, #tpu.memory_space<hbm>>) target(%dma_start3A_524 : memref<128xf32, #tpu.memory_space<vmem>>) offsets(%dma_start3A_527 : memref<128xi32, #tpu.memory_space<vmem>>) semaphore(%arg11 : memref<!tpu.dma_semaphore, #tpu.memory_space<semaphore_mem>>)
    %dma_start3A_530 = arith.constant 24 : i32
    %dma_start3A_531 = arith.constant 24 : i32
    %dma_start3A_532 = arith.constant 0 : i32
    %dma_start3A_533 = arith.constant 0 : i32
    %dma_start3A_534 = tpu.memref_slice %arg8[%dma_start3A_531, %dma_start3A_532, %dma_start3A_533] : memref<26x128x16xf32, #tpu.memory_space<vmem>> -> memref<1x128x16xf32, #tpu.memory_space<vmem>>
    %dma_start3A_535 = tpu.memref_squeeze %dma_start3A_534 : memref<1x128x16xf32, #tpu.memory_space<vmem>> -> memref<128x16xf32, #tpu.memory_space<vmem>>
    %dma_start3A_536 = arith.constant 0 : i32
    %dma_start3A_537 = tpu.memref_slice %arg7[%dma_start3A_530, %dma_start3A_536] : memref<26x128xi32, #tpu.memory_space<vmem>> -> memref<1x128xi32, #tpu.memory_space<vmem>>
    %dma_start3A_538 = tpu.memref_squeeze %dma_start3A_537 : memref<1x128xi32, #tpu.memory_space<vmem>> -> memref<128xi32, #tpu.memory_space<vmem>>
    %dma_start3A_539 = arith.constant 0 : i32
    %dma_start3A_540 = arith.constant 0 : i32
    %dma_start3A_541 = tpu.memref_slice %arg3[%dma_start3A_539, %dma_start3A_540] : memref<2600000x16xf32, #tpu.memory_space<hbm>> -> memref<2600000x16xf32, #tpu.memory_space<hbm>>
    tpu.enqueue_indirect_dma source(%dma_start3A_541 : memref<2600000x16xf32, #tpu.memory_space<hbm>>) target(%dma_start3A_535 : memref<128x16xf32, #tpu.memory_space<vmem>>) offsets(%dma_start3A_538 : memref<128xi32, #tpu.memory_space<vmem>>) semaphore(%arg10 : memref<!tpu.dma_semaphore, #tpu.memory_space<semaphore_mem>>)
    %dma_start3A_542 = arith.constant 24 : i32
    %dma_start3A_543 = arith.constant 24 : i32
    %dma_start3A_544 = arith.constant 0 : i32
    %dma_start3A_545 = tpu.memref_slice %arg9[%dma_start3A_543, %dma_start3A_544] : memref<26x128xf32, #tpu.memory_space<vmem>> -> memref<1x128xf32, #tpu.memory_space<vmem>>
    %dma_start3A_546 = tpu.memref_squeeze %dma_start3A_545 : memref<1x128xf32, #tpu.memory_space<vmem>> -> memref<128xf32, #tpu.memory_space<vmem>>
    %dma_start3A_547 = arith.constant 0 : i32
    %dma_start3A_548 = tpu.memref_slice %arg7[%dma_start3A_542, %dma_start3A_547] : memref<26x128xi32, #tpu.memory_space<vmem>> -> memref<1x128xi32, #tpu.memory_space<vmem>>
    %dma_start3A_549 = tpu.memref_squeeze %dma_start3A_548 : memref<1x128xi32, #tpu.memory_space<vmem>> -> memref<128xi32, #tpu.memory_space<vmem>>
    %dma_start3A_550 = arith.constant 0 : i32
    %dma_start3A_551 = tpu.memref_slice %arg4[%dma_start3A_550] : memref<2600000xf32, #tpu.memory_space<hbm>> -> memref<2600000xf32, #tpu.memory_space<hbm>>
    tpu.enqueue_indirect_dma source(%dma_start3A_551 : memref<2600000xf32, #tpu.memory_space<hbm>>) target(%dma_start3A_546 : memref<128xf32, #tpu.memory_space<vmem>>) offsets(%dma_start3A_549 : memref<128xi32, #tpu.memory_space<vmem>>) semaphore(%arg11 : memref<!tpu.dma_semaphore, #tpu.memory_space<semaphore_mem>>)
    %dma_start3A_552 = arith.constant 25 : i32
    %dma_start3A_553 = arith.constant 25 : i32
    %dma_start3A_554 = arith.constant 0 : i32
    %dma_start3A_555 = arith.constant 0 : i32
    %dma_start3A_556 = tpu.memref_slice %arg8[%dma_start3A_553, %dma_start3A_554, %dma_start3A_555] : memref<26x128x16xf32, #tpu.memory_space<vmem>> -> memref<1x128x16xf32, #tpu.memory_space<vmem>>
    %dma_start3A_557 = tpu.memref_squeeze %dma_start3A_556 : memref<1x128x16xf32, #tpu.memory_space<vmem>> -> memref<128x16xf32, #tpu.memory_space<vmem>>
    %dma_start3A_558 = arith.constant 0 : i32
    %dma_start3A_559 = tpu.memref_slice %arg7[%dma_start3A_552, %dma_start3A_558] : memref<26x128xi32, #tpu.memory_space<vmem>> -> memref<1x128xi32, #tpu.memory_space<vmem>>
    %dma_start3A_560 = tpu.memref_squeeze %dma_start3A_559 : memref<1x128xi32, #tpu.memory_space<vmem>> -> memref<128xi32, #tpu.memory_space<vmem>>
    %dma_start3A_561 = arith.constant 0 : i32
    %dma_start3A_562 = arith.constant 0 : i32
    %dma_start3A_563 = tpu.memref_slice %arg3[%dma_start3A_561, %dma_start3A_562] : memref<2600000x16xf32, #tpu.memory_space<hbm>> -> memref<2600000x16xf32, #tpu.memory_space<hbm>>
    tpu.enqueue_indirect_dma source(%dma_start3A_563 : memref<2600000x16xf32, #tpu.memory_space<hbm>>) target(%dma_start3A_557 : memref<128x16xf32, #tpu.memory_space<vmem>>) offsets(%dma_start3A_560 : memref<128xi32, #tpu.memory_space<vmem>>) semaphore(%arg10 : memref<!tpu.dma_semaphore, #tpu.memory_space<semaphore_mem>>)
    %dma_start3A_564 = arith.constant 25 : i32
    %dma_start3A_565 = arith.constant 25 : i32
    %dma_start3A_566 = arith.constant 0 : i32
    %dma_start3A_567 = tpu.memref_slice %arg9[%dma_start3A_565, %dma_start3A_566] : memref<26x128xf32, #tpu.memory_space<vmem>> -> memref<1x128xf32, #tpu.memory_space<vmem>>
    %dma_start3A_568 = tpu.memref_squeeze %dma_start3A_567 : memref<1x128xf32, #tpu.memory_space<vmem>> -> memref<128xf32, #tpu.memory_space<vmem>>
    %dma_start3A_569 = arith.constant 0 : i32
    %dma_start3A_570 = tpu.memref_slice %arg7[%dma_start3A_564, %dma_start3A_569] : memref<26x128xi32, #tpu.memory_space<vmem>> -> memref<1x128xi32, #tpu.memory_space<vmem>>
    %dma_start3A_571 = tpu.memref_squeeze %dma_start3A_570 : memref<1x128xi32, #tpu.memory_space<vmem>> -> memref<128xi32, #tpu.memory_space<vmem>>
    %dma_start3A_572 = arith.constant 0 : i32
    %dma_start3A_573 = tpu.memref_slice %arg4[%dma_start3A_572] : memref<2600000xf32, #tpu.memory_space<hbm>> -> memref<2600000xf32, #tpu.memory_space<hbm>>
    tpu.enqueue_indirect_dma source(%dma_start3A_573 : memref<2600000xf32, #tpu.memory_space<hbm>>) target(%dma_start3A_568 : memref<128xf32, #tpu.memory_space<vmem>>) offsets(%dma_start3A_571 : memref<128xi32, #tpu.memory_space<vmem>>) semaphore(%arg11 : memref<!tpu.dma_semaphore, #tpu.memory_space<semaphore_mem>>)
    %dma_wait3A = arith.constant 0 : i32
    %dma_wait3A_574 = arith.constant 0 : i32
    %dma_wait3A_575 = arith.constant 0 : i32
    %dma_wait3A_576 = arith.constant 0 : i32
    %dma_wait3A_577 = tpu.memref_slice %arg8[%dma_wait3A_574, %dma_wait3A_575, %dma_wait3A_576] : memref<26x128x16xf32, #tpu.memory_space<vmem>> -> memref<1x128x16xf32, #tpu.memory_space<vmem>>
    %dma_wait3A_578 = tpu.memref_squeeze %dma_wait3A_577 : memref<1x128x16xf32, #tpu.memory_space<vmem>> -> memref<128x16xf32, #tpu.memory_space<vmem>>
    %dma_wait3A_579 = arith.constant 0 : i32
    %dma_wait3A_580 = tpu.memref_slice %arg7[%dma_wait3A, %dma_wait3A_579] : memref<26x128xi32, #tpu.memory_space<vmem>> -> memref<1x128xi32, #tpu.memory_space<vmem>>
    %dma_wait3A_581 = tpu.memref_squeeze %dma_wait3A_580 : memref<1x128xi32, #tpu.memory_space<vmem>> -> memref<128xi32, #tpu.memory_space<vmem>>
    %dma_wait3A_582 = arith.constant 0 : i32
    %dma_wait3A_583 = arith.constant 0 : i32
    %dma_wait3A_584 = tpu.memref_slice %arg3[%dma_wait3A_582, %dma_wait3A_583] : memref<2600000x16xf32, #tpu.memory_space<hbm>> -> memref<2600000x16xf32, #tpu.memory_space<hbm>>
    tpu.wait_indirect_dma semaphore(%arg10 : memref<!tpu.dma_semaphore, #tpu.memory_space<semaphore_mem>>) src(%dma_wait3A_584 : memref<2600000x16xf32, #tpu.memory_space<hbm>>) dst(%dma_wait3A_578 : memref<128x16xf32, #tpu.memory_space<vmem>>)
    %dma_wait3A_585 = arith.constant 0 : i32
    %dma_wait3A_586 = arith.constant 0 : i32
    %dma_wait3A_587 = arith.constant 0 : i32
    %dma_wait3A_588 = tpu.memref_slice %arg9[%dma_wait3A_586, %dma_wait3A_587] : memref<26x128xf32, #tpu.memory_space<vmem>> -> memref<1x128xf32, #tpu.memory_space<vmem>>
    %dma_wait3A_589 = tpu.memref_squeeze %dma_wait3A_588 : memref<1x128xf32, #tpu.memory_space<vmem>> -> memref<128xf32, #tpu.memory_space<vmem>>
    %dma_wait3A_590 = arith.constant 0 : i32
    %dma_wait3A_591 = tpu.memref_slice %arg7[%dma_wait3A_585, %dma_wait3A_590] : memref<26x128xi32, #tpu.memory_space<vmem>> -> memref<1x128xi32, #tpu.memory_space<vmem>>
    %dma_wait3A_592 = tpu.memref_squeeze %dma_wait3A_591 : memref<1x128xi32, #tpu.memory_space<vmem>> -> memref<128xi32, #tpu.memory_space<vmem>>
    %dma_wait3A_593 = arith.constant 0 : i32
    %dma_wait3A_594 = tpu.memref_slice %arg4[%dma_wait3A_593] : memref<2600000xf32, #tpu.memory_space<hbm>> -> memref<2600000xf32, #tpu.memory_space<hbm>>
    tpu.wait_indirect_dma semaphore(%arg11 : memref<!tpu.dma_semaphore, #tpu.memory_space<semaphore_mem>>) src(%dma_wait3A_594 : memref<2600000xf32, #tpu.memory_space<hbm>>) dst(%dma_wait3A_589 : memref<128xf32, #tpu.memory_space<vmem>>)
    %dma_wait3A_595 = arith.constant 1 : i32
    %dma_wait3A_596 = arith.constant 1 : i32
    %dma_wait3A_597 = arith.constant 0 : i32
    %dma_wait3A_598 = arith.constant 0 : i32
    %dma_wait3A_599 = tpu.memref_slice %arg8[%dma_wait3A_596, %dma_wait3A_597, %dma_wait3A_598] : memref<26x128x16xf32, #tpu.memory_space<vmem>> -> memref<1x128x16xf32, #tpu.memory_space<vmem>>
    %dma_wait3A_600 = tpu.memref_squeeze %dma_wait3A_599 : memref<1x128x16xf32, #tpu.memory_space<vmem>> -> memref<128x16xf32, #tpu.memory_space<vmem>>
    %dma_wait3A_601 = arith.constant 0 : i32
    %dma_wait3A_602 = tpu.memref_slice %arg7[%dma_wait3A_595, %dma_wait3A_601] : memref<26x128xi32, #tpu.memory_space<vmem>> -> memref<1x128xi32, #tpu.memory_space<vmem>>
    %dma_wait3A_603 = tpu.memref_squeeze %dma_wait3A_602 : memref<1x128xi32, #tpu.memory_space<vmem>> -> memref<128xi32, #tpu.memory_space<vmem>>
    %dma_wait3A_604 = arith.constant 0 : i32
    %dma_wait3A_605 = arith.constant 0 : i32
    %dma_wait3A_606 = tpu.memref_slice %arg3[%dma_wait3A_604, %dma_wait3A_605] : memref<2600000x16xf32, #tpu.memory_space<hbm>> -> memref<2600000x16xf32, #tpu.memory_space<hbm>>
    tpu.wait_indirect_dma semaphore(%arg10 : memref<!tpu.dma_semaphore, #tpu.memory_space<semaphore_mem>>) src(%dma_wait3A_606 : memref<2600000x16xf32, #tpu.memory_space<hbm>>) dst(%dma_wait3A_600 : memref<128x16xf32, #tpu.memory_space<vmem>>)
    %dma_wait3A_607 = arith.constant 1 : i32
    %dma_wait3A_608 = arith.constant 1 : i32
    %dma_wait3A_609 = arith.constant 0 : i32
    %dma_wait3A_610 = tpu.memref_slice %arg9[%dma_wait3A_608, %dma_wait3A_609] : memref<26x128xf32, #tpu.memory_space<vmem>> -> memref<1x128xf32, #tpu.memory_space<vmem>>
    %dma_wait3A_611 = tpu.memref_squeeze %dma_wait3A_610 : memref<1x128xf32, #tpu.memory_space<vmem>> -> memref<128xf32, #tpu.memory_space<vmem>>
    %dma_wait3A_612 = arith.constant 0 : i32
    %dma_wait3A_613 = tpu.memref_slice %arg7[%dma_wait3A_607, %dma_wait3A_612] : memref<26x128xi32, #tpu.memory_space<vmem>> -> memref<1x128xi32, #tpu.memory_space<vmem>>
    %dma_wait3A_614 = tpu.memref_squeeze %dma_wait3A_613 : memref<1x128xi32, #tpu.memory_space<vmem>> -> memref<128xi32, #tpu.memory_space<vmem>>
    %dma_wait3A_615 = arith.constant 0 : i32
    %dma_wait3A_616 = tpu.memref_slice %arg4[%dma_wait3A_615] : memref<2600000xf32, #tpu.memory_space<hbm>> -> memref<2600000xf32, #tpu.memory_space<hbm>>
    tpu.wait_indirect_dma semaphore(%arg11 : memref<!tpu.dma_semaphore, #tpu.memory_space<semaphore_mem>>) src(%dma_wait3A_616 : memref<2600000xf32, #tpu.memory_space<hbm>>) dst(%dma_wait3A_611 : memref<128xf32, #tpu.memory_space<vmem>>)
    %dma_wait3A_617 = arith.constant 2 : i32
    %dma_wait3A_618 = arith.constant 2 : i32
    %dma_wait3A_619 = arith.constant 0 : i32
    %dma_wait3A_620 = arith.constant 0 : i32
    %dma_wait3A_621 = tpu.memref_slice %arg8[%dma_wait3A_618, %dma_wait3A_619, %dma_wait3A_620] : memref<26x128x16xf32, #tpu.memory_space<vmem>> -> memref<1x128x16xf32, #tpu.memory_space<vmem>>
    %dma_wait3A_622 = tpu.memref_squeeze %dma_wait3A_621 : memref<1x128x16xf32, #tpu.memory_space<vmem>> -> memref<128x16xf32, #tpu.memory_space<vmem>>
    %dma_wait3A_623 = arith.constant 0 : i32
    %dma_wait3A_624 = tpu.memref_slice %arg7[%dma_wait3A_617, %dma_wait3A_623] : memref<26x128xi32, #tpu.memory_space<vmem>> -> memref<1x128xi32, #tpu.memory_space<vmem>>
    %dma_wait3A_625 = tpu.memref_squeeze %dma_wait3A_624 : memref<1x128xi32, #tpu.memory_space<vmem>> -> memref<128xi32, #tpu.memory_space<vmem>>
    %dma_wait3A_626 = arith.constant 0 : i32
    %dma_wait3A_627 = arith.constant 0 : i32
    %dma_wait3A_628 = tpu.memref_slice %arg3[%dma_wait3A_626, %dma_wait3A_627] : memref<2600000x16xf32, #tpu.memory_space<hbm>> -> memref<2600000x16xf32, #tpu.memory_space<hbm>>
    tpu.wait_indirect_dma semaphore(%arg10 : memref<!tpu.dma_semaphore, #tpu.memory_space<semaphore_mem>>) src(%dma_wait3A_628 : memref<2600000x16xf32, #tpu.memory_space<hbm>>) dst(%dma_wait3A_622 : memref<128x16xf32, #tpu.memory_space<vmem>>)
    %dma_wait3A_629 = arith.constant 2 : i32
    %dma_wait3A_630 = arith.constant 2 : i32
    %dma_wait3A_631 = arith.constant 0 : i32
    %dma_wait3A_632 = tpu.memref_slice %arg9[%dma_wait3A_630, %dma_wait3A_631] : memref<26x128xf32, #tpu.memory_space<vmem>> -> memref<1x128xf32, #tpu.memory_space<vmem>>
    %dma_wait3A_633 = tpu.memref_squeeze %dma_wait3A_632 : memref<1x128xf32, #tpu.memory_space<vmem>> -> memref<128xf32, #tpu.memory_space<vmem>>
    %dma_wait3A_634 = arith.constant 0 : i32
    %dma_wait3A_635 = tpu.memref_slice %arg7[%dma_wait3A_629, %dma_wait3A_634] : memref<26x128xi32, #tpu.memory_space<vmem>> -> memref<1x128xi32, #tpu.memory_space<vmem>>
    %dma_wait3A_636 = tpu.memref_squeeze %dma_wait3A_635 : memref<1x128xi32, #tpu.memory_space<vmem>> -> memref<128xi32, #tpu.memory_space<vmem>>
    %dma_wait3A_637 = arith.constant 0 : i32
    %dma_wait3A_638 = tpu.memref_slice %arg4[%dma_wait3A_637] : memref<2600000xf32, #tpu.memory_space<hbm>> -> memref<2600000xf32, #tpu.memory_space<hbm>>
    tpu.wait_indirect_dma semaphore(%arg11 : memref<!tpu.dma_semaphore, #tpu.memory_space<semaphore_mem>>) src(%dma_wait3A_638 : memref<2600000xf32, #tpu.memory_space<hbm>>) dst(%dma_wait3A_633 : memref<128xf32, #tpu.memory_space<vmem>>)
    %dma_wait3A_639 = arith.constant 3 : i32
    %dma_wait3A_640 = arith.constant 3 : i32
    %dma_wait3A_641 = arith.constant 0 : i32
    %dma_wait3A_642 = arith.constant 0 : i32
    %dma_wait3A_643 = tpu.memref_slice %arg8[%dma_wait3A_640, %dma_wait3A_641, %dma_wait3A_642] : memref<26x128x16xf32, #tpu.memory_space<vmem>> -> memref<1x128x16xf32, #tpu.memory_space<vmem>>
    %dma_wait3A_644 = tpu.memref_squeeze %dma_wait3A_643 : memref<1x128x16xf32, #tpu.memory_space<vmem>> -> memref<128x16xf32, #tpu.memory_space<vmem>>
    %dma_wait3A_645 = arith.constant 0 : i32
    %dma_wait3A_646 = tpu.memref_slice %arg7[%dma_wait3A_639, %dma_wait3A_645] : memref<26x128xi32, #tpu.memory_space<vmem>> -> memref<1x128xi32, #tpu.memory_space<vmem>>
    %dma_wait3A_647 = tpu.memref_squeeze %dma_wait3A_646 : memref<1x128xi32, #tpu.memory_space<vmem>> -> memref<128xi32, #tpu.memory_space<vmem>>
    %dma_wait3A_648 = arith.constant 0 : i32
    %dma_wait3A_649 = arith.constant 0 : i32
    %dma_wait3A_650 = tpu.memref_slice %arg3[%dma_wait3A_648, %dma_wait3A_649] : memref<2600000x16xf32, #tpu.memory_space<hbm>> -> memref<2600000x16xf32, #tpu.memory_space<hbm>>
    tpu.wait_indirect_dma semaphore(%arg10 : memref<!tpu.dma_semaphore, #tpu.memory_space<semaphore_mem>>) src(%dma_wait3A_650 : memref<2600000x16xf32, #tpu.memory_space<hbm>>) dst(%dma_wait3A_644 : memref<128x16xf32, #tpu.memory_space<vmem>>)
    %dma_wait3A_651 = arith.constant 3 : i32
    %dma_wait3A_652 = arith.constant 3 : i32
    %dma_wait3A_653 = arith.constant 0 : i32
    %dma_wait3A_654 = tpu.memref_slice %arg9[%dma_wait3A_652, %dma_wait3A_653] : memref<26x128xf32, #tpu.memory_space<vmem>> -> memref<1x128xf32, #tpu.memory_space<vmem>>
    %dma_wait3A_655 = tpu.memref_squeeze %dma_wait3A_654 : memref<1x128xf32, #tpu.memory_space<vmem>> -> memref<128xf32, #tpu.memory_space<vmem>>
    %dma_wait3A_656 = arith.constant 0 : i32
    %dma_wait3A_657 = tpu.memref_slice %arg7[%dma_wait3A_651, %dma_wait3A_656] : memref<26x128xi32, #tpu.memory_space<vmem>> -> memref<1x128xi32, #tpu.memory_space<vmem>>
    %dma_wait3A_658 = tpu.memref_squeeze %dma_wait3A_657 : memref<1x128xi32, #tpu.memory_space<vmem>> -> memref<128xi32, #tpu.memory_space<vmem>>
    %dma_wait3A_659 = arith.constant 0 : i32
    %dma_wait3A_660 = tpu.memref_slice %arg4[%dma_wait3A_659] : memref<2600000xf32, #tpu.memory_space<hbm>> -> memref<2600000xf32, #tpu.memory_space<hbm>>
    tpu.wait_indirect_dma semaphore(%arg11 : memref<!tpu.dma_semaphore, #tpu.memory_space<semaphore_mem>>) src(%dma_wait3A_660 : memref<2600000xf32, #tpu.memory_space<hbm>>) dst(%dma_wait3A_655 : memref<128xf32, #tpu.memory_space<vmem>>)
    %dma_wait3A_661 = arith.constant 4 : i32
    %dma_wait3A_662 = arith.constant 4 : i32
    %dma_wait3A_663 = arith.constant 0 : i32
    %dma_wait3A_664 = arith.constant 0 : i32
    %dma_wait3A_665 = tpu.memref_slice %arg8[%dma_wait3A_662, %dma_wait3A_663, %dma_wait3A_664] : memref<26x128x16xf32, #tpu.memory_space<vmem>> -> memref<1x128x16xf32, #tpu.memory_space<vmem>>
    %dma_wait3A_666 = tpu.memref_squeeze %dma_wait3A_665 : memref<1x128x16xf32, #tpu.memory_space<vmem>> -> memref<128x16xf32, #tpu.memory_space<vmem>>
    %dma_wait3A_667 = arith.constant 0 : i32
    %dma_wait3A_668 = tpu.memref_slice %arg7[%dma_wait3A_661, %dma_wait3A_667] : memref<26x128xi32, #tpu.memory_space<vmem>> -> memref<1x128xi32, #tpu.memory_space<vmem>>
    %dma_wait3A_669 = tpu.memref_squeeze %dma_wait3A_668 : memref<1x128xi32, #tpu.memory_space<vmem>> -> memref<128xi32, #tpu.memory_space<vmem>>
    %dma_wait3A_670 = arith.constant 0 : i32
    %dma_wait3A_671 = arith.constant 0 : i32
    %dma_wait3A_672 = tpu.memref_slice %arg3[%dma_wait3A_670, %dma_wait3A_671] : memref<2600000x16xf32, #tpu.memory_space<hbm>> -> memref<2600000x16xf32, #tpu.memory_space<hbm>>
    tpu.wait_indirect_dma semaphore(%arg10 : memref<!tpu.dma_semaphore, #tpu.memory_space<semaphore_mem>>) src(%dma_wait3A_672 : memref<2600000x16xf32, #tpu.memory_space<hbm>>) dst(%dma_wait3A_666 : memref<128x16xf32, #tpu.memory_space<vmem>>)
    %dma_wait3A_673 = arith.constant 4 : i32
    %dma_wait3A_674 = arith.constant 4 : i32
    %dma_wait3A_675 = arith.constant 0 : i32
    %dma_wait3A_676 = tpu.memref_slice %arg9[%dma_wait3A_674, %dma_wait3A_675] : memref<26x128xf32, #tpu.memory_space<vmem>> -> memref<1x128xf32, #tpu.memory_space<vmem>>
    %dma_wait3A_677 = tpu.memref_squeeze %dma_wait3A_676 : memref<1x128xf32, #tpu.memory_space<vmem>> -> memref<128xf32, #tpu.memory_space<vmem>>
    %dma_wait3A_678 = arith.constant 0 : i32
    %dma_wait3A_679 = tpu.memref_slice %arg7[%dma_wait3A_673, %dma_wait3A_678] : memref<26x128xi32, #tpu.memory_space<vmem>> -> memref<1x128xi32, #tpu.memory_space<vmem>>
    %dma_wait3A_680 = tpu.memref_squeeze %dma_wait3A_679 : memref<1x128xi32, #tpu.memory_space<vmem>> -> memref<128xi32, #tpu.memory_space<vmem>>
    %dma_wait3A_681 = arith.constant 0 : i32
    %dma_wait3A_682 = tpu.memref_slice %arg4[%dma_wait3A_681] : memref<2600000xf32, #tpu.memory_space<hbm>> -> memref<2600000xf32, #tpu.memory_space<hbm>>
    tpu.wait_indirect_dma semaphore(%arg11 : memref<!tpu.dma_semaphore, #tpu.memory_space<semaphore_mem>>) src(%dma_wait3A_682 : memref<2600000xf32, #tpu.memory_space<hbm>>) dst(%dma_wait3A_677 : memref<128xf32, #tpu.memory_space<vmem>>)
    %dma_wait3A_683 = arith.constant 5 : i32
    %dma_wait3A_684 = arith.constant 5 : i32
    %dma_wait3A_685 = arith.constant 0 : i32
    %dma_wait3A_686 = arith.constant 0 : i32
    %dma_wait3A_687 = tpu.memref_slice %arg8[%dma_wait3A_684, %dma_wait3A_685, %dma_wait3A_686] : memref<26x128x16xf32, #tpu.memory_space<vmem>> -> memref<1x128x16xf32, #tpu.memory_space<vmem>>
    %dma_wait3A_688 = tpu.memref_squeeze %dma_wait3A_687 : memref<1x128x16xf32, #tpu.memory_space<vmem>> -> memref<128x16xf32, #tpu.memory_space<vmem>>
    %dma_wait3A_689 = arith.constant 0 : i32
    %dma_wait3A_690 = tpu.memref_slice %arg7[%dma_wait3A_683, %dma_wait3A_689] : memref<26x128xi32, #tpu.memory_space<vmem>> -> memref<1x128xi32, #tpu.memory_space<vmem>>
    %dma_wait3A_691 = tpu.memref_squeeze %dma_wait3A_690 : memref<1x128xi32, #tpu.memory_space<vmem>> -> memref<128xi32, #tpu.memory_space<vmem>>
    %dma_wait3A_692 = arith.constant 0 : i32
    %dma_wait3A_693 = arith.constant 0 : i32
    %dma_wait3A_694 = tpu.memref_slice %arg3[%dma_wait3A_692, %dma_wait3A_693] : memref<2600000x16xf32, #tpu.memory_space<hbm>> -> memref<2600000x16xf32, #tpu.memory_space<hbm>>
    tpu.wait_indirect_dma semaphore(%arg10 : memref<!tpu.dma_semaphore, #tpu.memory_space<semaphore_mem>>) src(%dma_wait3A_694 : memref<2600000x16xf32, #tpu.memory_space<hbm>>) dst(%dma_wait3A_688 : memref<128x16xf32, #tpu.memory_space<vmem>>)
    %dma_wait3A_695 = arith.constant 5 : i32
    %dma_wait3A_696 = arith.constant 5 : i32
    %dma_wait3A_697 = arith.constant 0 : i32
    %dma_wait3A_698 = tpu.memref_slice %arg9[%dma_wait3A_696, %dma_wait3A_697] : memref<26x128xf32, #tpu.memory_space<vmem>> -> memref<1x128xf32, #tpu.memory_space<vmem>>
    %dma_wait3A_699 = tpu.memref_squeeze %dma_wait3A_698 : memref<1x128xf32, #tpu.memory_space<vmem>> -> memref<128xf32, #tpu.memory_space<vmem>>
    %dma_wait3A_700 = arith.constant 0 : i32
    %dma_wait3A_701 = tpu.memref_slice %arg7[%dma_wait3A_695, %dma_wait3A_700] : memref<26x128xi32, #tpu.memory_space<vmem>> -> memref<1x128xi32, #tpu.memory_space<vmem>>
    %dma_wait3A_702 = tpu.memref_squeeze %dma_wait3A_701 : memref<1x128xi32, #tpu.memory_space<vmem>> -> memref<128xi32, #tpu.memory_space<vmem>>
    %dma_wait3A_703 = arith.constant 0 : i32
    %dma_wait3A_704 = tpu.memref_slice %arg4[%dma_wait3A_703] : memref<2600000xf32, #tpu.memory_space<hbm>> -> memref<2600000xf32, #tpu.memory_space<hbm>>
    tpu.wait_indirect_dma semaphore(%arg11 : memref<!tpu.dma_semaphore, #tpu.memory_space<semaphore_mem>>) src(%dma_wait3A_704 : memref<2600000xf32, #tpu.memory_space<hbm>>) dst(%dma_wait3A_699 : memref<128xf32, #tpu.memory_space<vmem>>)
    %dma_wait3A_705 = arith.constant 6 : i32
    %dma_wait3A_706 = arith.constant 6 : i32
    %dma_wait3A_707 = arith.constant 0 : i32
    %dma_wait3A_708 = arith.constant 0 : i32
    %dma_wait3A_709 = tpu.memref_slice %arg8[%dma_wait3A_706, %dma_wait3A_707, %dma_wait3A_708] : memref<26x128x16xf32, #tpu.memory_space<vmem>> -> memref<1x128x16xf32, #tpu.memory_space<vmem>>
    %dma_wait3A_710 = tpu.memref_squeeze %dma_wait3A_709 : memref<1x128x16xf32, #tpu.memory_space<vmem>> -> memref<128x16xf32, #tpu.memory_space<vmem>>
    %dma_wait3A_711 = arith.constant 0 : i32
    %dma_wait3A_712 = tpu.memref_slice %arg7[%dma_wait3A_705, %dma_wait3A_711] : memref<26x128xi32, #tpu.memory_space<vmem>> -> memref<1x128xi32, #tpu.memory_space<vmem>>
    %dma_wait3A_713 = tpu.memref_squeeze %dma_wait3A_712 : memref<1x128xi32, #tpu.memory_space<vmem>> -> memref<128xi32, #tpu.memory_space<vmem>>
    %dma_wait3A_714 = arith.constant 0 : i32
    %dma_wait3A_715 = arith.constant 0 : i32
    %dma_wait3A_716 = tpu.memref_slice %arg3[%dma_wait3A_714, %dma_wait3A_715] : memref<2600000x16xf32, #tpu.memory_space<hbm>> -> memref<2600000x16xf32, #tpu.memory_space<hbm>>
    tpu.wait_indirect_dma semaphore(%arg10 : memref<!tpu.dma_semaphore, #tpu.memory_space<semaphore_mem>>) src(%dma_wait3A_716 : memref<2600000x16xf32, #tpu.memory_space<hbm>>) dst(%dma_wait3A_710 : memref<128x16xf32, #tpu.memory_space<vmem>>)
    %dma_wait3A_717 = arith.constant 6 : i32
    %dma_wait3A_718 = arith.constant 6 : i32
    %dma_wait3A_719 = arith.constant 0 : i32
    %dma_wait3A_720 = tpu.memref_slice %arg9[%dma_wait3A_718, %dma_wait3A_719] : memref<26x128xf32, #tpu.memory_space<vmem>> -> memref<1x128xf32, #tpu.memory_space<vmem>>
    %dma_wait3A_721 = tpu.memref_squeeze %dma_wait3A_720 : memref<1x128xf32, #tpu.memory_space<vmem>> -> memref<128xf32, #tpu.memory_space<vmem>>
    %dma_wait3A_722 = arith.constant 0 : i32
    %dma_wait3A_723 = tpu.memref_slice %arg7[%dma_wait3A_717, %dma_wait3A_722] : memref<26x128xi32, #tpu.memory_space<vmem>> -> memref<1x128xi32, #tpu.memory_space<vmem>>
    %dma_wait3A_724 = tpu.memref_squeeze %dma_wait3A_723 : memref<1x128xi32, #tpu.memory_space<vmem>> -> memref<128xi32, #tpu.memory_space<vmem>>
    %dma_wait3A_725 = arith.constant 0 : i32
    %dma_wait3A_726 = tpu.memref_slice %arg4[%dma_wait3A_725] : memref<2600000xf32, #tpu.memory_space<hbm>> -> memref<2600000xf32, #tpu.memory_space<hbm>>
    tpu.wait_indirect_dma semaphore(%arg11 : memref<!tpu.dma_semaphore, #tpu.memory_space<semaphore_mem>>) src(%dma_wait3A_726 : memref<2600000xf32, #tpu.memory_space<hbm>>) dst(%dma_wait3A_721 : memref<128xf32, #tpu.memory_space<vmem>>)
    %dma_wait3A_727 = arith.constant 7 : i32
    %dma_wait3A_728 = arith.constant 7 : i32
    %dma_wait3A_729 = arith.constant 0 : i32
    %dma_wait3A_730 = arith.constant 0 : i32
    %dma_wait3A_731 = tpu.memref_slice %arg8[%dma_wait3A_728, %dma_wait3A_729, %dma_wait3A_730] : memref<26x128x16xf32, #tpu.memory_space<vmem>> -> memref<1x128x16xf32, #tpu.memory_space<vmem>>
    %dma_wait3A_732 = tpu.memref_squeeze %dma_wait3A_731 : memref<1x128x16xf32, #tpu.memory_space<vmem>> -> memref<128x16xf32, #tpu.memory_space<vmem>>
    %dma_wait3A_733 = arith.constant 0 : i32
    %dma_wait3A_734 = tpu.memref_slice %arg7[%dma_wait3A_727, %dma_wait3A_733] : memref<26x128xi32, #tpu.memory_space<vmem>> -> memref<1x128xi32, #tpu.memory_space<vmem>>
    %dma_wait3A_735 = tpu.memref_squeeze %dma_wait3A_734 : memref<1x128xi32, #tpu.memory_space<vmem>> -> memref<128xi32, #tpu.memory_space<vmem>>
    %dma_wait3A_736 = arith.constant 0 : i32
    %dma_wait3A_737 = arith.constant 0 : i32
    %dma_wait3A_738 = tpu.memref_slice %arg3[%dma_wait3A_736, %dma_wait3A_737] : memref<2600000x16xf32, #tpu.memory_space<hbm>> -> memref<2600000x16xf32, #tpu.memory_space<hbm>>
    tpu.wait_indirect_dma semaphore(%arg10 : memref<!tpu.dma_semaphore, #tpu.memory_space<semaphore_mem>>) src(%dma_wait3A_738 : memref<2600000x16xf32, #tpu.memory_space<hbm>>) dst(%dma_wait3A_732 : memref<128x16xf32, #tpu.memory_space<vmem>>)
    %dma_wait3A_739 = arith.constant 7 : i32
    %dma_wait3A_740 = arith.constant 7 : i32
    %dma_wait3A_741 = arith.constant 0 : i32
    %dma_wait3A_742 = tpu.memref_slice %arg9[%dma_wait3A_740, %dma_wait3A_741] : memref<26x128xf32, #tpu.memory_space<vmem>> -> memref<1x128xf32, #tpu.memory_space<vmem>>
    %dma_wait3A_743 = tpu.memref_squeeze %dma_wait3A_742 : memref<1x128xf32, #tpu.memory_space<vmem>> -> memref<128xf32, #tpu.memory_space<vmem>>
    %dma_wait3A_744 = arith.constant 0 : i32
    %dma_wait3A_745 = tpu.memref_slice %arg7[%dma_wait3A_739, %dma_wait3A_744] : memref<26x128xi32, #tpu.memory_space<vmem>> -> memref<1x128xi32, #tpu.memory_space<vmem>>
    %dma_wait3A_746 = tpu.memref_squeeze %dma_wait3A_745 : memref<1x128xi32, #tpu.memory_space<vmem>> -> memref<128xi32, #tpu.memory_space<vmem>>
    %dma_wait3A_747 = arith.constant 0 : i32
    %dma_wait3A_748 = tpu.memref_slice %arg4[%dma_wait3A_747] : memref<2600000xf32, #tpu.memory_space<hbm>> -> memref<2600000xf32, #tpu.memory_space<hbm>>
    tpu.wait_indirect_dma semaphore(%arg11 : memref<!tpu.dma_semaphore, #tpu.memory_space<semaphore_mem>>) src(%dma_wait3A_748 : memref<2600000xf32, #tpu.memory_space<hbm>>) dst(%dma_wait3A_743 : memref<128xf32, #tpu.memory_space<vmem>>)
    %dma_wait3A_749 = arith.constant 8 : i32
    %dma_wait3A_750 = arith.constant 8 : i32
    %dma_wait3A_751 = arith.constant 0 : i32
    %dma_wait3A_752 = arith.constant 0 : i32
    %dma_wait3A_753 = tpu.memref_slice %arg8[%dma_wait3A_750, %dma_wait3A_751, %dma_wait3A_752] : memref<26x128x16xf32, #tpu.memory_space<vmem>> -> memref<1x128x16xf32, #tpu.memory_space<vmem>>
    %dma_wait3A_754 = tpu.memref_squeeze %dma_wait3A_753 : memref<1x128x16xf32, #tpu.memory_space<vmem>> -> memref<128x16xf32, #tpu.memory_space<vmem>>
    %dma_wait3A_755 = arith.constant 0 : i32
    %dma_wait3A_756 = tpu.memref_slice %arg7[%dma_wait3A_749, %dma_wait3A_755] : memref<26x128xi32, #tpu.memory_space<vmem>> -> memref<1x128xi32, #tpu.memory_space<vmem>>
    %dma_wait3A_757 = tpu.memref_squeeze %dma_wait3A_756 : memref<1x128xi32, #tpu.memory_space<vmem>> -> memref<128xi32, #tpu.memory_space<vmem>>
    %dma_wait3A_758 = arith.constant 0 : i32
    %dma_wait3A_759 = arith.constant 0 : i32
    %dma_wait3A_760 = tpu.memref_slice %arg3[%dma_wait3A_758, %dma_wait3A_759] : memref<2600000x16xf32, #tpu.memory_space<hbm>> -> memref<2600000x16xf32, #tpu.memory_space<hbm>>
    tpu.wait_indirect_dma semaphore(%arg10 : memref<!tpu.dma_semaphore, #tpu.memory_space<semaphore_mem>>) src(%dma_wait3A_760 : memref<2600000x16xf32, #tpu.memory_space<hbm>>) dst(%dma_wait3A_754 : memref<128x16xf32, #tpu.memory_space<vmem>>)
    %dma_wait3A_761 = arith.constant 8 : i32
    %dma_wait3A_762 = arith.constant 8 : i32
    %dma_wait3A_763 = arith.constant 0 : i32
    %dma_wait3A_764 = tpu.memref_slice %arg9[%dma_wait3A_762, %dma_wait3A_763] : memref<26x128xf32, #tpu.memory_space<vmem>> -> memref<1x128xf32, #tpu.memory_space<vmem>>
    %dma_wait3A_765 = tpu.memref_squeeze %dma_wait3A_764 : memref<1x128xf32, #tpu.memory_space<vmem>> -> memref<128xf32, #tpu.memory_space<vmem>>
    %dma_wait3A_766 = arith.constant 0 : i32
    %dma_wait3A_767 = tpu.memref_slice %arg7[%dma_wait3A_761, %dma_wait3A_766] : memref<26x128xi32, #tpu.memory_space<vmem>> -> memref<1x128xi32, #tpu.memory_space<vmem>>
    %dma_wait3A_768 = tpu.memref_squeeze %dma_wait3A_767 : memref<1x128xi32, #tpu.memory_space<vmem>> -> memref<128xi32, #tpu.memory_space<vmem>>
    %dma_wait3A_769 = arith.constant 0 : i32
    %dma_wait3A_770 = tpu.memref_slice %arg4[%dma_wait3A_769] : memref<2600000xf32, #tpu.memory_space<hbm>> -> memref<2600000xf32, #tpu.memory_space<hbm>>
    tpu.wait_indirect_dma semaphore(%arg11 : memref<!tpu.dma_semaphore, #tpu.memory_space<semaphore_mem>>) src(%dma_wait3A_770 : memref<2600000xf32, #tpu.memory_space<hbm>>) dst(%dma_wait3A_765 : memref<128xf32, #tpu.memory_space<vmem>>)
    %dma_wait3A_771 = arith.constant 9 : i32
    %dma_wait3A_772 = arith.constant 9 : i32
    %dma_wait3A_773 = arith.constant 0 : i32
    %dma_wait3A_774 = arith.constant 0 : i32
    %dma_wait3A_775 = tpu.memref_slice %arg8[%dma_wait3A_772, %dma_wait3A_773, %dma_wait3A_774] : memref<26x128x16xf32, #tpu.memory_space<vmem>> -> memref<1x128x16xf32, #tpu.memory_space<vmem>>
    %dma_wait3A_776 = tpu.memref_squeeze %dma_wait3A_775 : memref<1x128x16xf32, #tpu.memory_space<vmem>> -> memref<128x16xf32, #tpu.memory_space<vmem>>
    %dma_wait3A_777 = arith.constant 0 : i32
    %dma_wait3A_778 = tpu.memref_slice %arg7[%dma_wait3A_771, %dma_wait3A_777] : memref<26x128xi32, #tpu.memory_space<vmem>> -> memref<1x128xi32, #tpu.memory_space<vmem>>
    %dma_wait3A_779 = tpu.memref_squeeze %dma_wait3A_778 : memref<1x128xi32, #tpu.memory_space<vmem>> -> memref<128xi32, #tpu.memory_space<vmem>>
    %dma_wait3A_780 = arith.constant 0 : i32
    %dma_wait3A_781 = arith.constant 0 : i32
    %dma_wait3A_782 = tpu.memref_slice %arg3[%dma_wait3A_780, %dma_wait3A_781] : memref<2600000x16xf32, #tpu.memory_space<hbm>> -> memref<2600000x16xf32, #tpu.memory_space<hbm>>
    tpu.wait_indirect_dma semaphore(%arg10 : memref<!tpu.dma_semaphore, #tpu.memory_space<semaphore_mem>>) src(%dma_wait3A_782 : memref<2600000x16xf32, #tpu.memory_space<hbm>>) dst(%dma_wait3A_776 : memref<128x16xf32, #tpu.memory_space<vmem>>)
    %dma_wait3A_783 = arith.constant 9 : i32
    %dma_wait3A_784 = arith.constant 9 : i32
    %dma_wait3A_785 = arith.constant 0 : i32
    %dma_wait3A_786 = tpu.memref_slice %arg9[%dma_wait3A_784, %dma_wait3A_785] : memref<26x128xf32, #tpu.memory_space<vmem>> -> memref<1x128xf32, #tpu.memory_space<vmem>>
    %dma_wait3A_787 = tpu.memref_squeeze %dma_wait3A_786 : memref<1x128xf32, #tpu.memory_space<vmem>> -> memref<128xf32, #tpu.memory_space<vmem>>
    %dma_wait3A_788 = arith.constant 0 : i32
    %dma_wait3A_789 = tpu.memref_slice %arg7[%dma_wait3A_783, %dma_wait3A_788] : memref<26x128xi32, #tpu.memory_space<vmem>> -> memref<1x128xi32, #tpu.memory_space<vmem>>
    %dma_wait3A_790 = tpu.memref_squeeze %dma_wait3A_789 : memref<1x128xi32, #tpu.memory_space<vmem>> -> memref<128xi32, #tpu.memory_space<vmem>>
    %dma_wait3A_791 = arith.constant 0 : i32
    %dma_wait3A_792 = tpu.memref_slice %arg4[%dma_wait3A_791] : memref<2600000xf32, #tpu.memory_space<hbm>> -> memref<2600000xf32, #tpu.memory_space<hbm>>
    tpu.wait_indirect_dma semaphore(%arg11 : memref<!tpu.dma_semaphore, #tpu.memory_space<semaphore_mem>>) src(%dma_wait3A_792 : memref<2600000xf32, #tpu.memory_space<hbm>>) dst(%dma_wait3A_787 : memref<128xf32, #tpu.memory_space<vmem>>)
    %dma_wait3A_793 = arith.constant 10 : i32
    %dma_wait3A_794 = arith.constant 10 : i32
    %dma_wait3A_795 = arith.constant 0 : i32
    %dma_wait3A_796 = arith.constant 0 : i32
    %dma_wait3A_797 = tpu.memref_slice %arg8[%dma_wait3A_794, %dma_wait3A_795, %dma_wait3A_796] : memref<26x128x16xf32, #tpu.memory_space<vmem>> -> memref<1x128x16xf32, #tpu.memory_space<vmem>>
    %dma_wait3A_798 = tpu.memref_squeeze %dma_wait3A_797 : memref<1x128x16xf32, #tpu.memory_space<vmem>> -> memref<128x16xf32, #tpu.memory_space<vmem>>
    %dma_wait3A_799 = arith.constant 0 : i32
    %dma_wait3A_800 = tpu.memref_slice %arg7[%dma_wait3A_793, %dma_wait3A_799] : memref<26x128xi32, #tpu.memory_space<vmem>> -> memref<1x128xi32, #tpu.memory_space<vmem>>
    %dma_wait3A_801 = tpu.memref_squeeze %dma_wait3A_800 : memref<1x128xi32, #tpu.memory_space<vmem>> -> memref<128xi32, #tpu.memory_space<vmem>>
    %dma_wait3A_802 = arith.constant 0 : i32
    %dma_wait3A_803 = arith.constant 0 : i32
    %dma_wait3A_804 = tpu.memref_slice %arg3[%dma_wait3A_802, %dma_wait3A_803] : memref<2600000x16xf32, #tpu.memory_space<hbm>> -> memref<2600000x16xf32, #tpu.memory_space<hbm>>
    tpu.wait_indirect_dma semaphore(%arg10 : memref<!tpu.dma_semaphore, #tpu.memory_space<semaphore_mem>>) src(%dma_wait3A_804 : memref<2600000x16xf32, #tpu.memory_space<hbm>>) dst(%dma_wait3A_798 : memref<128x16xf32, #tpu.memory_space<vmem>>)
    %dma_wait3A_805 = arith.constant 10 : i32
    %dma_wait3A_806 = arith.constant 10 : i32
    %dma_wait3A_807 = arith.constant 0 : i32
    %dma_wait3A_808 = tpu.memref_slice %arg9[%dma_wait3A_806, %dma_wait3A_807] : memref<26x128xf32, #tpu.memory_space<vmem>> -> memref<1x128xf32, #tpu.memory_space<vmem>>
    %dma_wait3A_809 = tpu.memref_squeeze %dma_wait3A_808 : memref<1x128xf32, #tpu.memory_space<vmem>> -> memref<128xf32, #tpu.memory_space<vmem>>
    %dma_wait3A_810 = arith.constant 0 : i32
    %dma_wait3A_811 = tpu.memref_slice %arg7[%dma_wait3A_805, %dma_wait3A_810] : memref<26x128xi32, #tpu.memory_space<vmem>> -> memref<1x128xi32, #tpu.memory_space<vmem>>
    %dma_wait3A_812 = tpu.memref_squeeze %dma_wait3A_811 : memref<1x128xi32, #tpu.memory_space<vmem>> -> memref<128xi32, #tpu.memory_space<vmem>>
    %dma_wait3A_813 = arith.constant 0 : i32
    %dma_wait3A_814 = tpu.memref_slice %arg4[%dma_wait3A_813] : memref<2600000xf32, #tpu.memory_space<hbm>> -> memref<2600000xf32, #tpu.memory_space<hbm>>
    tpu.wait_indirect_dma semaphore(%arg11 : memref<!tpu.dma_semaphore, #tpu.memory_space<semaphore_mem>>) src(%dma_wait3A_814 : memref<2600000xf32, #tpu.memory_space<hbm>>) dst(%dma_wait3A_809 : memref<128xf32, #tpu.memory_space<vmem>>)
    %dma_wait3A_815 = arith.constant 11 : i32
    %dma_wait3A_816 = arith.constant 11 : i32
    %dma_wait3A_817 = arith.constant 0 : i32
    %dma_wait3A_818 = arith.constant 0 : i32
    %dma_wait3A_819 = tpu.memref_slice %arg8[%dma_wait3A_816, %dma_wait3A_817, %dma_wait3A_818] : memref<26x128x16xf32, #tpu.memory_space<vmem>> -> memref<1x128x16xf32, #tpu.memory_space<vmem>>
    %dma_wait3A_820 = tpu.memref_squeeze %dma_wait3A_819 : memref<1x128x16xf32, #tpu.memory_space<vmem>> -> memref<128x16xf32, #tpu.memory_space<vmem>>
    %dma_wait3A_821 = arith.constant 0 : i32
    %dma_wait3A_822 = tpu.memref_slice %arg7[%dma_wait3A_815, %dma_wait3A_821] : memref<26x128xi32, #tpu.memory_space<vmem>> -> memref<1x128xi32, #tpu.memory_space<vmem>>
    %dma_wait3A_823 = tpu.memref_squeeze %dma_wait3A_822 : memref<1x128xi32, #tpu.memory_space<vmem>> -> memref<128xi32, #tpu.memory_space<vmem>>
    %dma_wait3A_824 = arith.constant 0 : i32
    %dma_wait3A_825 = arith.constant 0 : i32
    %dma_wait3A_826 = tpu.memref_slice %arg3[%dma_wait3A_824, %dma_wait3A_825] : memref<2600000x16xf32, #tpu.memory_space<hbm>> -> memref<2600000x16xf32, #tpu.memory_space<hbm>>
    tpu.wait_indirect_dma semaphore(%arg10 : memref<!tpu.dma_semaphore, #tpu.memory_space<semaphore_mem>>) src(%dma_wait3A_826 : memref<2600000x16xf32, #tpu.memory_space<hbm>>) dst(%dma_wait3A_820 : memref<128x16xf32, #tpu.memory_space<vmem>>)
    %dma_wait3A_827 = arith.constant 11 : i32
    %dma_wait3A_828 = arith.constant 11 : i32
    %dma_wait3A_829 = arith.constant 0 : i32
    %dma_wait3A_830 = tpu.memref_slice %arg9[%dma_wait3A_828, %dma_wait3A_829] : memref<26x128xf32, #tpu.memory_space<vmem>> -> memref<1x128xf32, #tpu.memory_space<vmem>>
    %dma_wait3A_831 = tpu.memref_squeeze %dma_wait3A_830 : memref<1x128xf32, #tpu.memory_space<vmem>> -> memref<128xf32, #tpu.memory_space<vmem>>
    %dma_wait3A_832 = arith.constant 0 : i32
    %dma_wait3A_833 = tpu.memref_slice %arg7[%dma_wait3A_827, %dma_wait3A_832] : memref<26x128xi32, #tpu.memory_space<vmem>> -> memref<1x128xi32, #tpu.memory_space<vmem>>
    %dma_wait3A_834 = tpu.memref_squeeze %dma_wait3A_833 : memref<1x128xi32, #tpu.memory_space<vmem>> -> memref<128xi32, #tpu.memory_space<vmem>>
    %dma_wait3A_835 = arith.constant 0 : i32
    %dma_wait3A_836 = tpu.memref_slice %arg4[%dma_wait3A_835] : memref<2600000xf32, #tpu.memory_space<hbm>> -> memref<2600000xf32, #tpu.memory_space<hbm>>
    tpu.wait_indirect_dma semaphore(%arg11 : memref<!tpu.dma_semaphore, #tpu.memory_space<semaphore_mem>>) src(%dma_wait3A_836 : memref<2600000xf32, #tpu.memory_space<hbm>>) dst(%dma_wait3A_831 : memref<128xf32, #tpu.memory_space<vmem>>)
    %dma_wait3A_837 = arith.constant 12 : i32
    %dma_wait3A_838 = arith.constant 12 : i32
    %dma_wait3A_839 = arith.constant 0 : i32
    %dma_wait3A_840 = arith.constant 0 : i32
    %dma_wait3A_841 = tpu.memref_slice %arg8[%dma_wait3A_838, %dma_wait3A_839, %dma_wait3A_840] : memref<26x128x16xf32, #tpu.memory_space<vmem>> -> memref<1x128x16xf32, #tpu.memory_space<vmem>>
    %dma_wait3A_842 = tpu.memref_squeeze %dma_wait3A_841 : memref<1x128x16xf32, #tpu.memory_space<vmem>> -> memref<128x16xf32, #tpu.memory_space<vmem>>
    %dma_wait3A_843 = arith.constant 0 : i32
    %dma_wait3A_844 = tpu.memref_slice %arg7[%dma_wait3A_837, %dma_wait3A_843] : memref<26x128xi32, #tpu.memory_space<vmem>> -> memref<1x128xi32, #tpu.memory_space<vmem>>
    %dma_wait3A_845 = tpu.memref_squeeze %dma_wait3A_844 : memref<1x128xi32, #tpu.memory_space<vmem>> -> memref<128xi32, #tpu.memory_space<vmem>>
    %dma_wait3A_846 = arith.constant 0 : i32
    %dma_wait3A_847 = arith.constant 0 : i32
    %dma_wait3A_848 = tpu.memref_slice %arg3[%dma_wait3A_846, %dma_wait3A_847] : memref<2600000x16xf32, #tpu.memory_space<hbm>> -> memref<2600000x16xf32, #tpu.memory_space<hbm>>
    tpu.wait_indirect_dma semaphore(%arg10 : memref<!tpu.dma_semaphore, #tpu.memory_space<semaphore_mem>>) src(%dma_wait3A_848 : memref<2600000x16xf32, #tpu.memory_space<hbm>>) dst(%dma_wait3A_842 : memref<128x16xf32, #tpu.memory_space<vmem>>)
    %dma_wait3A_849 = arith.constant 12 : i32
    %dma_wait3A_850 = arith.constant 12 : i32
    %dma_wait3A_851 = arith.constant 0 : i32
    %dma_wait3A_852 = tpu.memref_slice %arg9[%dma_wait3A_850, %dma_wait3A_851] : memref<26x128xf32, #tpu.memory_space<vmem>> -> memref<1x128xf32, #tpu.memory_space<vmem>>
    %dma_wait3A_853 = tpu.memref_squeeze %dma_wait3A_852 : memref<1x128xf32, #tpu.memory_space<vmem>> -> memref<128xf32, #tpu.memory_space<vmem>>
    %dma_wait3A_854 = arith.constant 0 : i32
    %dma_wait3A_855 = tpu.memref_slice %arg7[%dma_wait3A_849, %dma_wait3A_854] : memref<26x128xi32, #tpu.memory_space<vmem>> -> memref<1x128xi32, #tpu.memory_space<vmem>>
    %dma_wait3A_856 = tpu.memref_squeeze %dma_wait3A_855 : memref<1x128xi32, #tpu.memory_space<vmem>> -> memref<128xi32, #tpu.memory_space<vmem>>
    %dma_wait3A_857 = arith.constant 0 : i32
    %dma_wait3A_858 = tpu.memref_slice %arg4[%dma_wait3A_857] : memref<2600000xf32, #tpu.memory_space<hbm>> -> memref<2600000xf32, #tpu.memory_space<hbm>>
    tpu.wait_indirect_dma semaphore(%arg11 : memref<!tpu.dma_semaphore, #tpu.memory_space<semaphore_mem>>) src(%dma_wait3A_858 : memref<2600000xf32, #tpu.memory_space<hbm>>) dst(%dma_wait3A_853 : memref<128xf32, #tpu.memory_space<vmem>>)
    %dma_wait3A_859 = arith.constant 13 : i32
    %dma_wait3A_860 = arith.constant 13 : i32
    %dma_wait3A_861 = arith.constant 0 : i32
    %dma_wait3A_862 = arith.constant 0 : i32
    %dma_wait3A_863 = tpu.memref_slice %arg8[%dma_wait3A_860, %dma_wait3A_861, %dma_wait3A_862] : memref<26x128x16xf32, #tpu.memory_space<vmem>> -> memref<1x128x16xf32, #tpu.memory_space<vmem>>
    %dma_wait3A_864 = tpu.memref_squeeze %dma_wait3A_863 : memref<1x128x16xf32, #tpu.memory_space<vmem>> -> memref<128x16xf32, #tpu.memory_space<vmem>>
    %dma_wait3A_865 = arith.constant 0 : i32
    %dma_wait3A_866 = tpu.memref_slice %arg7[%dma_wait3A_859, %dma_wait3A_865] : memref<26x128xi32, #tpu.memory_space<vmem>> -> memref<1x128xi32, #tpu.memory_space<vmem>>
    %dma_wait3A_867 = tpu.memref_squeeze %dma_wait3A_866 : memref<1x128xi32, #tpu.memory_space<vmem>> -> memref<128xi32, #tpu.memory_space<vmem>>
    %dma_wait3A_868 = arith.constant 0 : i32
    %dma_wait3A_869 = arith.constant 0 : i32
    %dma_wait3A_870 = tpu.memref_slice %arg3[%dma_wait3A_868, %dma_wait3A_869] : memref<2600000x16xf32, #tpu.memory_space<hbm>> -> memref<2600000x16xf32, #tpu.memory_space<hbm>>
    tpu.wait_indirect_dma semaphore(%arg10 : memref<!tpu.dma_semaphore, #tpu.memory_space<semaphore_mem>>) src(%dma_wait3A_870 : memref<2600000x16xf32, #tpu.memory_space<hbm>>) dst(%dma_wait3A_864 : memref<128x16xf32, #tpu.memory_space<vmem>>)
    %dma_wait3A_871 = arith.constant 13 : i32
    %dma_wait3A_872 = arith.constant 13 : i32
    %dma_wait3A_873 = arith.constant 0 : i32
    %dma_wait3A_874 = tpu.memref_slice %arg9[%dma_wait3A_872, %dma_wait3A_873] : memref<26x128xf32, #tpu.memory_space<vmem>> -> memref<1x128xf32, #tpu.memory_space<vmem>>
    %dma_wait3A_875 = tpu.memref_squeeze %dma_wait3A_874 : memref<1x128xf32, #tpu.memory_space<vmem>> -> memref<128xf32, #tpu.memory_space<vmem>>
    %dma_wait3A_876 = arith.constant 0 : i32
    %dma_wait3A_877 = tpu.memref_slice %arg7[%dma_wait3A_871, %dma_wait3A_876] : memref<26x128xi32, #tpu.memory_space<vmem>> -> memref<1x128xi32, #tpu.memory_space<vmem>>
    %dma_wait3A_878 = tpu.memref_squeeze %dma_wait3A_877 : memref<1x128xi32, #tpu.memory_space<vmem>> -> memref<128xi32, #tpu.memory_space<vmem>>
    %dma_wait3A_879 = arith.constant 0 : i32
    %dma_wait3A_880 = tpu.memref_slice %arg4[%dma_wait3A_879] : memref<2600000xf32, #tpu.memory_space<hbm>> -> memref<2600000xf32, #tpu.memory_space<hbm>>
    tpu.wait_indirect_dma semaphore(%arg11 : memref<!tpu.dma_semaphore, #tpu.memory_space<semaphore_mem>>) src(%dma_wait3A_880 : memref<2600000xf32, #tpu.memory_space<hbm>>) dst(%dma_wait3A_875 : memref<128xf32, #tpu.memory_space<vmem>>)
    %dma_wait3A_881 = arith.constant 14 : i32
    %dma_wait3A_882 = arith.constant 14 : i32
    %dma_wait3A_883 = arith.constant 0 : i32
    %dma_wait3A_884 = arith.constant 0 : i32
    %dma_wait3A_885 = tpu.memref_slice %arg8[%dma_wait3A_882, %dma_wait3A_883, %dma_wait3A_884] : memref<26x128x16xf32, #tpu.memory_space<vmem>> -> memref<1x128x16xf32, #tpu.memory_space<vmem>>
    %dma_wait3A_886 = tpu.memref_squeeze %dma_wait3A_885 : memref<1x128x16xf32, #tpu.memory_space<vmem>> -> memref<128x16xf32, #tpu.memory_space<vmem>>
    %dma_wait3A_887 = arith.constant 0 : i32
    %dma_wait3A_888 = tpu.memref_slice %arg7[%dma_wait3A_881, %dma_wait3A_887] : memref<26x128xi32, #tpu.memory_space<vmem>> -> memref<1x128xi32, #tpu.memory_space<vmem>>
    %dma_wait3A_889 = tpu.memref_squeeze %dma_wait3A_888 : memref<1x128xi32, #tpu.memory_space<vmem>> -> memref<128xi32, #tpu.memory_space<vmem>>
    %dma_wait3A_890 = arith.constant 0 : i32
    %dma_wait3A_891 = arith.constant 0 : i32
    %dma_wait3A_892 = tpu.memref_slice %arg3[%dma_wait3A_890, %dma_wait3A_891] : memref<2600000x16xf32, #tpu.memory_space<hbm>> -> memref<2600000x16xf32, #tpu.memory_space<hbm>>
    tpu.wait_indirect_dma semaphore(%arg10 : memref<!tpu.dma_semaphore, #tpu.memory_space<semaphore_mem>>) src(%dma_wait3A_892 : memref<2600000x16xf32, #tpu.memory_space<hbm>>) dst(%dma_wait3A_886 : memref<128x16xf32, #tpu.memory_space<vmem>>)
    %dma_wait3A_893 = arith.constant 14 : i32
    %dma_wait3A_894 = arith.constant 14 : i32
    %dma_wait3A_895 = arith.constant 0 : i32
    %dma_wait3A_896 = tpu.memref_slice %arg9[%dma_wait3A_894, %dma_wait3A_895] : memref<26x128xf32, #tpu.memory_space<vmem>> -> memref<1x128xf32, #tpu.memory_space<vmem>>
    %dma_wait3A_897 = tpu.memref_squeeze %dma_wait3A_896 : memref<1x128xf32, #tpu.memory_space<vmem>> -> memref<128xf32, #tpu.memory_space<vmem>>
    %dma_wait3A_898 = arith.constant 0 : i32
    %dma_wait3A_899 = tpu.memref_slice %arg7[%dma_wait3A_893, %dma_wait3A_898] : memref<26x128xi32, #tpu.memory_space<vmem>> -> memref<1x128xi32, #tpu.memory_space<vmem>>
    %dma_wait3A_900 = tpu.memref_squeeze %dma_wait3A_899 : memref<1x128xi32, #tpu.memory_space<vmem>> -> memref<128xi32, #tpu.memory_space<vmem>>
    %dma_wait3A_901 = arith.constant 0 : i32
    %dma_wait3A_902 = tpu.memref_slice %arg4[%dma_wait3A_901] : memref<2600000xf32, #tpu.memory_space<hbm>> -> memref<2600000xf32, #tpu.memory_space<hbm>>
    tpu.wait_indirect_dma semaphore(%arg11 : memref<!tpu.dma_semaphore, #tpu.memory_space<semaphore_mem>>) src(%dma_wait3A_902 : memref<2600000xf32, #tpu.memory_space<hbm>>) dst(%dma_wait3A_897 : memref<128xf32, #tpu.memory_space<vmem>>)
    %dma_wait3A_903 = arith.constant 15 : i32
    %dma_wait3A_904 = arith.constant 15 : i32
    %dma_wait3A_905 = arith.constant 0 : i32
    %dma_wait3A_906 = arith.constant 0 : i32
    %dma_wait3A_907 = tpu.memref_slice %arg8[%dma_wait3A_904, %dma_wait3A_905, %dma_wait3A_906] : memref<26x128x16xf32, #tpu.memory_space<vmem>> -> memref<1x128x16xf32, #tpu.memory_space<vmem>>
    %dma_wait3A_908 = tpu.memref_squeeze %dma_wait3A_907 : memref<1x128x16xf32, #tpu.memory_space<vmem>> -> memref<128x16xf32, #tpu.memory_space<vmem>>
    %dma_wait3A_909 = arith.constant 0 : i32
    %dma_wait3A_910 = tpu.memref_slice %arg7[%dma_wait3A_903, %dma_wait3A_909] : memref<26x128xi32, #tpu.memory_space<vmem>> -> memref<1x128xi32, #tpu.memory_space<vmem>>
    %dma_wait3A_911 = tpu.memref_squeeze %dma_wait3A_910 : memref<1x128xi32, #tpu.memory_space<vmem>> -> memref<128xi32, #tpu.memory_space<vmem>>
    %dma_wait3A_912 = arith.constant 0 : i32
    %dma_wait3A_913 = arith.constant 0 : i32
    %dma_wait3A_914 = tpu.memref_slice %arg3[%dma_wait3A_912, %dma_wait3A_913] : memref<2600000x16xf32, #tpu.memory_space<hbm>> -> memref<2600000x16xf32, #tpu.memory_space<hbm>>
    tpu.wait_indirect_dma semaphore(%arg10 : memref<!tpu.dma_semaphore, #tpu.memory_space<semaphore_mem>>) src(%dma_wait3A_914 : memref<2600000x16xf32, #tpu.memory_space<hbm>>) dst(%dma_wait3A_908 : memref<128x16xf32, #tpu.memory_space<vmem>>)
    %dma_wait3A_915 = arith.constant 15 : i32
    %dma_wait3A_916 = arith.constant 15 : i32
    %dma_wait3A_917 = arith.constant 0 : i32
    %dma_wait3A_918 = tpu.memref_slice %arg9[%dma_wait3A_916, %dma_wait3A_917] : memref<26x128xf32, #tpu.memory_space<vmem>> -> memref<1x128xf32, #tpu.memory_space<vmem>>
    %dma_wait3A_919 = tpu.memref_squeeze %dma_wait3A_918 : memref<1x128xf32, #tpu.memory_space<vmem>> -> memref<128xf32, #tpu.memory_space<vmem>>
    %dma_wait3A_920 = arith.constant 0 : i32
    %dma_wait3A_921 = tpu.memref_slice %arg7[%dma_wait3A_915, %dma_wait3A_920] : memref<26x128xi32, #tpu.memory_space<vmem>> -> memref<1x128xi32, #tpu.memory_space<vmem>>
    %dma_wait3A_922 = tpu.memref_squeeze %dma_wait3A_921 : memref<1x128xi32, #tpu.memory_space<vmem>> -> memref<128xi32, #tpu.memory_space<vmem>>
    %dma_wait3A_923 = arith.constant 0 : i32
    %dma_wait3A_924 = tpu.memref_slice %arg4[%dma_wait3A_923] : memref<2600000xf32, #tpu.memory_space<hbm>> -> memref<2600000xf32, #tpu.memory_space<hbm>>
    tpu.wait_indirect_dma semaphore(%arg11 : memref<!tpu.dma_semaphore, #tpu.memory_space<semaphore_mem>>) src(%dma_wait3A_924 : memref<2600000xf32, #tpu.memory_space<hbm>>) dst(%dma_wait3A_919 : memref<128xf32, #tpu.memory_space<vmem>>)
    %dma_wait3A_925 = arith.constant 16 : i32
    %dma_wait3A_926 = arith.constant 16 : i32
    %dma_wait3A_927 = arith.constant 0 : i32
    %dma_wait3A_928 = arith.constant 0 : i32
    %dma_wait3A_929 = tpu.memref_slice %arg8[%dma_wait3A_926, %dma_wait3A_927, %dma_wait3A_928] : memref<26x128x16xf32, #tpu.memory_space<vmem>> -> memref<1x128x16xf32, #tpu.memory_space<vmem>>
    %dma_wait3A_930 = tpu.memref_squeeze %dma_wait3A_929 : memref<1x128x16xf32, #tpu.memory_space<vmem>> -> memref<128x16xf32, #tpu.memory_space<vmem>>
    %dma_wait3A_931 = arith.constant 0 : i32
    %dma_wait3A_932 = tpu.memref_slice %arg7[%dma_wait3A_925, %dma_wait3A_931] : memref<26x128xi32, #tpu.memory_space<vmem>> -> memref<1x128xi32, #tpu.memory_space<vmem>>
    %dma_wait3A_933 = tpu.memref_squeeze %dma_wait3A_932 : memref<1x128xi32, #tpu.memory_space<vmem>> -> memref<128xi32, #tpu.memory_space<vmem>>
    %dma_wait3A_934 = arith.constant 0 : i32
    %dma_wait3A_935 = arith.constant 0 : i32
    %dma_wait3A_936 = tpu.memref_slice %arg3[%dma_wait3A_934, %dma_wait3A_935] : memref<2600000x16xf32, #tpu.memory_space<hbm>> -> memref<2600000x16xf32, #tpu.memory_space<hbm>>
    tpu.wait_indirect_dma semaphore(%arg10 : memref<!tpu.dma_semaphore, #tpu.memory_space<semaphore_mem>>) src(%dma_wait3A_936 : memref<2600000x16xf32, #tpu.memory_space<hbm>>) dst(%dma_wait3A_930 : memref<128x16xf32, #tpu.memory_space<vmem>>)
    %dma_wait3A_937 = arith.constant 16 : i32
    %dma_wait3A_938 = arith.constant 16 : i32
    %dma_wait3A_939 = arith.constant 0 : i32
    %dma_wait3A_940 = tpu.memref_slice %arg9[%dma_wait3A_938, %dma_wait3A_939] : memref<26x128xf32, #tpu.memory_space<vmem>> -> memref<1x128xf32, #tpu.memory_space<vmem>>
    %dma_wait3A_941 = tpu.memref_squeeze %dma_wait3A_940 : memref<1x128xf32, #tpu.memory_space<vmem>> -> memref<128xf32, #tpu.memory_space<vmem>>
    %dma_wait3A_942 = arith.constant 0 : i32
    %dma_wait3A_943 = tpu.memref_slice %arg7[%dma_wait3A_937, %dma_wait3A_942] : memref<26x128xi32, #tpu.memory_space<vmem>> -> memref<1x128xi32, #tpu.memory_space<vmem>>
    %dma_wait3A_944 = tpu.memref_squeeze %dma_wait3A_943 : memref<1x128xi32, #tpu.memory_space<vmem>> -> memref<128xi32, #tpu.memory_space<vmem>>
    %dma_wait3A_945 = arith.constant 0 : i32
    %dma_wait3A_946 = tpu.memref_slice %arg4[%dma_wait3A_945] : memref<2600000xf32, #tpu.memory_space<hbm>> -> memref<2600000xf32, #tpu.memory_space<hbm>>
    tpu.wait_indirect_dma semaphore(%arg11 : memref<!tpu.dma_semaphore, #tpu.memory_space<semaphore_mem>>) src(%dma_wait3A_946 : memref<2600000xf32, #tpu.memory_space<hbm>>) dst(%dma_wait3A_941 : memref<128xf32, #tpu.memory_space<vmem>>)
    %dma_wait3A_947 = arith.constant 17 : i32
    %dma_wait3A_948 = arith.constant 17 : i32
    %dma_wait3A_949 = arith.constant 0 : i32
    %dma_wait3A_950 = arith.constant 0 : i32
    %dma_wait3A_951 = tpu.memref_slice %arg8[%dma_wait3A_948, %dma_wait3A_949, %dma_wait3A_950] : memref<26x128x16xf32, #tpu.memory_space<vmem>> -> memref<1x128x16xf32, #tpu.memory_space<vmem>>
    %dma_wait3A_952 = tpu.memref_squeeze %dma_wait3A_951 : memref<1x128x16xf32, #tpu.memory_space<vmem>> -> memref<128x16xf32, #tpu.memory_space<vmem>>
    %dma_wait3A_953 = arith.constant 0 : i32
    %dma_wait3A_954 = tpu.memref_slice %arg7[%dma_wait3A_947, %dma_wait3A_953] : memref<26x128xi32, #tpu.memory_space<vmem>> -> memref<1x128xi32, #tpu.memory_space<vmem>>
    %dma_wait3A_955 = tpu.memref_squeeze %dma_wait3A_954 : memref<1x128xi32, #tpu.memory_space<vmem>> -> memref<128xi32, #tpu.memory_space<vmem>>
    %dma_wait3A_956 = arith.constant 0 : i32
    %dma_wait3A_957 = arith.constant 0 : i32
    %dma_wait3A_958 = tpu.memref_slice %arg3[%dma_wait3A_956, %dma_wait3A_957] : memref<2600000x16xf32, #tpu.memory_space<hbm>> -> memref<2600000x16xf32, #tpu.memory_space<hbm>>
    tpu.wait_indirect_dma semaphore(%arg10 : memref<!tpu.dma_semaphore, #tpu.memory_space<semaphore_mem>>) src(%dma_wait3A_958 : memref<2600000x16xf32, #tpu.memory_space<hbm>>) dst(%dma_wait3A_952 : memref<128x16xf32, #tpu.memory_space<vmem>>)
    %dma_wait3A_959 = arith.constant 17 : i32
    %dma_wait3A_960 = arith.constant 17 : i32
    %dma_wait3A_961 = arith.constant 0 : i32
    %dma_wait3A_962 = tpu.memref_slice %arg9[%dma_wait3A_960, %dma_wait3A_961] : memref<26x128xf32, #tpu.memory_space<vmem>> -> memref<1x128xf32, #tpu.memory_space<vmem>>
    %dma_wait3A_963 = tpu.memref_squeeze %dma_wait3A_962 : memref<1x128xf32, #tpu.memory_space<vmem>> -> memref<128xf32, #tpu.memory_space<vmem>>
    %dma_wait3A_964 = arith.constant 0 : i32
    %dma_wait3A_965 = tpu.memref_slice %arg7[%dma_wait3A_959, %dma_wait3A_964] : memref<26x128xi32, #tpu.memory_space<vmem>> -> memref<1x128xi32, #tpu.memory_space<vmem>>
    %dma_wait3A_966 = tpu.memref_squeeze %dma_wait3A_965 : memref<1x128xi32, #tpu.memory_space<vmem>> -> memref<128xi32, #tpu.memory_space<vmem>>
    %dma_wait3A_967 = arith.constant 0 : i32
    %dma_wait3A_968 = tpu.memref_slice %arg4[%dma_wait3A_967] : memref<2600000xf32, #tpu.memory_space<hbm>> -> memref<2600000xf32, #tpu.memory_space<hbm>>
    tpu.wait_indirect_dma semaphore(%arg11 : memref<!tpu.dma_semaphore, #tpu.memory_space<semaphore_mem>>) src(%dma_wait3A_968 : memref<2600000xf32, #tpu.memory_space<hbm>>) dst(%dma_wait3A_963 : memref<128xf32, #tpu.memory_space<vmem>>)
    %dma_wait3A_969 = arith.constant 18 : i32
    %dma_wait3A_970 = arith.constant 18 : i32
    %dma_wait3A_971 = arith.constant 0 : i32
    %dma_wait3A_972 = arith.constant 0 : i32
    %dma_wait3A_973 = tpu.memref_slice %arg8[%dma_wait3A_970, %dma_wait3A_971, %dma_wait3A_972] : memref<26x128x16xf32, #tpu.memory_space<vmem>> -> memref<1x128x16xf32, #tpu.memory_space<vmem>>
    %dma_wait3A_974 = tpu.memref_squeeze %dma_wait3A_973 : memref<1x128x16xf32, #tpu.memory_space<vmem>> -> memref<128x16xf32, #tpu.memory_space<vmem>>
    %dma_wait3A_975 = arith.constant 0 : i32
    %dma_wait3A_976 = tpu.memref_slice %arg7[%dma_wait3A_969, %dma_wait3A_975] : memref<26x128xi32, #tpu.memory_space<vmem>> -> memref<1x128xi32, #tpu.memory_space<vmem>>
    %dma_wait3A_977 = tpu.memref_squeeze %dma_wait3A_976 : memref<1x128xi32, #tpu.memory_space<vmem>> -> memref<128xi32, #tpu.memory_space<vmem>>
    %dma_wait3A_978 = arith.constant 0 : i32
    %dma_wait3A_979 = arith.constant 0 : i32
    %dma_wait3A_980 = tpu.memref_slice %arg3[%dma_wait3A_978, %dma_wait3A_979] : memref<2600000x16xf32, #tpu.memory_space<hbm>> -> memref<2600000x16xf32, #tpu.memory_space<hbm>>
    tpu.wait_indirect_dma semaphore(%arg10 : memref<!tpu.dma_semaphore, #tpu.memory_space<semaphore_mem>>) src(%dma_wait3A_980 : memref<2600000x16xf32, #tpu.memory_space<hbm>>) dst(%dma_wait3A_974 : memref<128x16xf32, #tpu.memory_space<vmem>>)
    %dma_wait3A_981 = arith.constant 18 : i32
    %dma_wait3A_982 = arith.constant 18 : i32
    %dma_wait3A_983 = arith.constant 0 : i32
    %dma_wait3A_984 = tpu.memref_slice %arg9[%dma_wait3A_982, %dma_wait3A_983] : memref<26x128xf32, #tpu.memory_space<vmem>> -> memref<1x128xf32, #tpu.memory_space<vmem>>
    %dma_wait3A_985 = tpu.memref_squeeze %dma_wait3A_984 : memref<1x128xf32, #tpu.memory_space<vmem>> -> memref<128xf32, #tpu.memory_space<vmem>>
    %dma_wait3A_986 = arith.constant 0 : i32
    %dma_wait3A_987 = tpu.memref_slice %arg7[%dma_wait3A_981, %dma_wait3A_986] : memref<26x128xi32, #tpu.memory_space<vmem>> -> memref<1x128xi32, #tpu.memory_space<vmem>>
    %dma_wait3A_988 = tpu.memref_squeeze %dma_wait3A_987 : memref<1x128xi32, #tpu.memory_space<vmem>> -> memref<128xi32, #tpu.memory_space<vmem>>
    %dma_wait3A_989 = arith.constant 0 : i32
    %dma_wait3A_990 = tpu.memref_slice %arg4[%dma_wait3A_989] : memref<2600000xf32, #tpu.memory_space<hbm>> -> memref<2600000xf32, #tpu.memory_space<hbm>>
    tpu.wait_indirect_dma semaphore(%arg11 : memref<!tpu.dma_semaphore, #tpu.memory_space<semaphore_mem>>) src(%dma_wait3A_990 : memref<2600000xf32, #tpu.memory_space<hbm>>) dst(%dma_wait3A_985 : memref<128xf32, #tpu.memory_space<vmem>>)
    %dma_wait3A_991 = arith.constant 19 : i32
    %dma_wait3A_992 = arith.constant 19 : i32
    %dma_wait3A_993 = arith.constant 0 : i32
    %dma_wait3A_994 = arith.constant 0 : i32
    %dma_wait3A_995 = tpu.memref_slice %arg8[%dma_wait3A_992, %dma_wait3A_993, %dma_wait3A_994] : memref<26x128x16xf32, #tpu.memory_space<vmem>> -> memref<1x128x16xf32, #tpu.memory_space<vmem>>
    %dma_wait3A_996 = tpu.memref_squeeze %dma_wait3A_995 : memref<1x128x16xf32, #tpu.memory_space<vmem>> -> memref<128x16xf32, #tpu.memory_space<vmem>>
    %dma_wait3A_997 = arith.constant 0 : i32
    %dma_wait3A_998 = tpu.memref_slice %arg7[%dma_wait3A_991, %dma_wait3A_997] : memref<26x128xi32, #tpu.memory_space<vmem>> -> memref<1x128xi32, #tpu.memory_space<vmem>>
    %dma_wait3A_999 = tpu.memref_squeeze %dma_wait3A_998 : memref<1x128xi32, #tpu.memory_space<vmem>> -> memref<128xi32, #tpu.memory_space<vmem>>
    %dma_wait3A_1000 = arith.constant 0 : i32
    %dma_wait3A_1001 = arith.constant 0 : i32
    %dma_wait3A_1002 = tpu.memref_slice %arg3[%dma_wait3A_1000, %dma_wait3A_1001] : memref<2600000x16xf32, #tpu.memory_space<hbm>> -> memref<2600000x16xf32, #tpu.memory_space<hbm>>
    tpu.wait_indirect_dma semaphore(%arg10 : memref<!tpu.dma_semaphore, #tpu.memory_space<semaphore_mem>>) src(%dma_wait3A_1002 : memref<2600000x16xf32, #tpu.memory_space<hbm>>) dst(%dma_wait3A_996 : memref<128x16xf32, #tpu.memory_space<vmem>>)
    %dma_wait3A_1003 = arith.constant 19 : i32
    %dma_wait3A_1004 = arith.constant 19 : i32
    %dma_wait3A_1005 = arith.constant 0 : i32
    %dma_wait3A_1006 = tpu.memref_slice %arg9[%dma_wait3A_1004, %dma_wait3A_1005] : memref<26x128xf32, #tpu.memory_space<vmem>> -> memref<1x128xf32, #tpu.memory_space<vmem>>
    %dma_wait3A_1007 = tpu.memref_squeeze %dma_wait3A_1006 : memref<1x128xf32, #tpu.memory_space<vmem>> -> memref<128xf32, #tpu.memory_space<vmem>>
    %dma_wait3A_1008 = arith.constant 0 : i32
    %dma_wait3A_1009 = tpu.memref_slice %arg7[%dma_wait3A_1003, %dma_wait3A_1008] : memref<26x128xi32, #tpu.memory_space<vmem>> -> memref<1x128xi32, #tpu.memory_space<vmem>>
    %dma_wait3A_1010 = tpu.memref_squeeze %dma_wait3A_1009 : memref<1x128xi32, #tpu.memory_space<vmem>> -> memref<128xi32, #tpu.memory_space<vmem>>
    %dma_wait3A_1011 = arith.constant 0 : i32
    %dma_wait3A_1012 = tpu.memref_slice %arg4[%dma_wait3A_1011] : memref<2600000xf32, #tpu.memory_space<hbm>> -> memref<2600000xf32, #tpu.memory_space<hbm>>
    tpu.wait_indirect_dma semaphore(%arg11 : memref<!tpu.dma_semaphore, #tpu.memory_space<semaphore_mem>>) src(%dma_wait3A_1012 : memref<2600000xf32, #tpu.memory_space<hbm>>) dst(%dma_wait3A_1007 : memref<128xf32, #tpu.memory_space<vmem>>)
    %dma_wait3A_1013 = arith.constant 20 : i32
    %dma_wait3A_1014 = arith.constant 20 : i32
    %dma_wait3A_1015 = arith.constant 0 : i32
    %dma_wait3A_1016 = arith.constant 0 : i32
    %dma_wait3A_1017 = tpu.memref_slice %arg8[%dma_wait3A_1014, %dma_wait3A_1015, %dma_wait3A_1016] : memref<26x128x16xf32, #tpu.memory_space<vmem>> -> memref<1x128x16xf32, #tpu.memory_space<vmem>>
    %dma_wait3A_1018 = tpu.memref_squeeze %dma_wait3A_1017 : memref<1x128x16xf32, #tpu.memory_space<vmem>> -> memref<128x16xf32, #tpu.memory_space<vmem>>
    %dma_wait3A_1019 = arith.constant 0 : i32
    %dma_wait3A_1020 = tpu.memref_slice %arg7[%dma_wait3A_1013, %dma_wait3A_1019] : memref<26x128xi32, #tpu.memory_space<vmem>> -> memref<1x128xi32, #tpu.memory_space<vmem>>
    %dma_wait3A_1021 = tpu.memref_squeeze %dma_wait3A_1020 : memref<1x128xi32, #tpu.memory_space<vmem>> -> memref<128xi32, #tpu.memory_space<vmem>>
    %dma_wait3A_1022 = arith.constant 0 : i32
    %dma_wait3A_1023 = arith.constant 0 : i32
    %dma_wait3A_1024 = tpu.memref_slice %arg3[%dma_wait3A_1022, %dma_wait3A_1023] : memref<2600000x16xf32, #tpu.memory_space<hbm>> -> memref<2600000x16xf32, #tpu.memory_space<hbm>>
    tpu.wait_indirect_dma semaphore(%arg10 : memref<!tpu.dma_semaphore, #tpu.memory_space<semaphore_mem>>) src(%dma_wait3A_1024 : memref<2600000x16xf32, #tpu.memory_space<hbm>>) dst(%dma_wait3A_1018 : memref<128x16xf32, #tpu.memory_space<vmem>>)
    %dma_wait3A_1025 = arith.constant 20 : i32
    %dma_wait3A_1026 = arith.constant 20 : i32
    %dma_wait3A_1027 = arith.constant 0 : i32
    %dma_wait3A_1028 = tpu.memref_slice %arg9[%dma_wait3A_1026, %dma_wait3A_1027] : memref<26x128xf32, #tpu.memory_space<vmem>> -> memref<1x128xf32, #tpu.memory_space<vmem>>
    %dma_wait3A_1029 = tpu.memref_squeeze %dma_wait3A_1028 : memref<1x128xf32, #tpu.memory_space<vmem>> -> memref<128xf32, #tpu.memory_space<vmem>>
    %dma_wait3A_1030 = arith.constant 0 : i32
    %dma_wait3A_1031 = tpu.memref_slice %arg7[%dma_wait3A_1025, %dma_wait3A_1030] : memref<26x128xi32, #tpu.memory_space<vmem>> -> memref<1x128xi32, #tpu.memory_space<vmem>>
    %dma_wait3A_1032 = tpu.memref_squeeze %dma_wait3A_1031 : memref<1x128xi32, #tpu.memory_space<vmem>> -> memref<128xi32, #tpu.memory_space<vmem>>
    %dma_wait3A_1033 = arith.constant 0 : i32
    %dma_wait3A_1034 = tpu.memref_slice %arg4[%dma_wait3A_1033] : memref<2600000xf32, #tpu.memory_space<hbm>> -> memref<2600000xf32, #tpu.memory_space<hbm>>
    tpu.wait_indirect_dma semaphore(%arg11 : memref<!tpu.dma_semaphore, #tpu.memory_space<semaphore_mem>>) src(%dma_wait3A_1034 : memref<2600000xf32, #tpu.memory_space<hbm>>) dst(%dma_wait3A_1029 : memref<128xf32, #tpu.memory_space<vmem>>)
    %dma_wait3A_1035 = arith.constant 21 : i32
    %dma_wait3A_1036 = arith.constant 21 : i32
    %dma_wait3A_1037 = arith.constant 0 : i32
    %dma_wait3A_1038 = arith.constant 0 : i32
    %dma_wait3A_1039 = tpu.memref_slice %arg8[%dma_wait3A_1036, %dma_wait3A_1037, %dma_wait3A_1038] : memref<26x128x16xf32, #tpu.memory_space<vmem>> -> memref<1x128x16xf32, #tpu.memory_space<vmem>>
    %dma_wait3A_1040 = tpu.memref_squeeze %dma_wait3A_1039 : memref<1x128x16xf32, #tpu.memory_space<vmem>> -> memref<128x16xf32, #tpu.memory_space<vmem>>
    %dma_wait3A_1041 = arith.constant 0 : i32
    %dma_wait3A_1042 = tpu.memref_slice %arg7[%dma_wait3A_1035, %dma_wait3A_1041] : memref<26x128xi32, #tpu.memory_space<vmem>> -> memref<1x128xi32, #tpu.memory_space<vmem>>
    %dma_wait3A_1043 = tpu.memref_squeeze %dma_wait3A_1042 : memref<1x128xi32, #tpu.memory_space<vmem>> -> memref<128xi32, #tpu.memory_space<vmem>>
    %dma_wait3A_1044 = arith.constant 0 : i32
    %dma_wait3A_1045 = arith.constant 0 : i32
    %dma_wait3A_1046 = tpu.memref_slice %arg3[%dma_wait3A_1044, %dma_wait3A_1045] : memref<2600000x16xf32, #tpu.memory_space<hbm>> -> memref<2600000x16xf32, #tpu.memory_space<hbm>>
    tpu.wait_indirect_dma semaphore(%arg10 : memref<!tpu.dma_semaphore, #tpu.memory_space<semaphore_mem>>) src(%dma_wait3A_1046 : memref<2600000x16xf32, #tpu.memory_space<hbm>>) dst(%dma_wait3A_1040 : memref<128x16xf32, #tpu.memory_space<vmem>>)
    %dma_wait3A_1047 = arith.constant 21 : i32
    %dma_wait3A_1048 = arith.constant 21 : i32
    %dma_wait3A_1049 = arith.constant 0 : i32
    %dma_wait3A_1050 = tpu.memref_slice %arg9[%dma_wait3A_1048, %dma_wait3A_1049] : memref<26x128xf32, #tpu.memory_space<vmem>> -> memref<1x128xf32, #tpu.memory_space<vmem>>
    %dma_wait3A_1051 = tpu.memref_squeeze %dma_wait3A_1050 : memref<1x128xf32, #tpu.memory_space<vmem>> -> memref<128xf32, #tpu.memory_space<vmem>>
    %dma_wait3A_1052 = arith.constant 0 : i32
    %dma_wait3A_1053 = tpu.memref_slice %arg7[%dma_wait3A_1047, %dma_wait3A_1052] : memref<26x128xi32, #tpu.memory_space<vmem>> -> memref<1x128xi32, #tpu.memory_space<vmem>>
    %dma_wait3A_1054 = tpu.memref_squeeze %dma_wait3A_1053 : memref<1x128xi32, #tpu.memory_space<vmem>> -> memref<128xi32, #tpu.memory_space<vmem>>
    %dma_wait3A_1055 = arith.constant 0 : i32
    %dma_wait3A_1056 = tpu.memref_slice %arg4[%dma_wait3A_1055] : memref<2600000xf32, #tpu.memory_space<hbm>> -> memref<2600000xf32, #tpu.memory_space<hbm>>
    tpu.wait_indirect_dma semaphore(%arg11 : memref<!tpu.dma_semaphore, #tpu.memory_space<semaphore_mem>>) src(%dma_wait3A_1056 : memref<2600000xf32, #tpu.memory_space<hbm>>) dst(%dma_wait3A_1051 : memref<128xf32, #tpu.memory_space<vmem>>)
    %dma_wait3A_1057 = arith.constant 22 : i32
    %dma_wait3A_1058 = arith.constant 22 : i32
    %dma_wait3A_1059 = arith.constant 0 : i32
    %dma_wait3A_1060 = arith.constant 0 : i32
    %dma_wait3A_1061 = tpu.memref_slice %arg8[%dma_wait3A_1058, %dma_wait3A_1059, %dma_wait3A_1060] : memref<26x128x16xf32, #tpu.memory_space<vmem>> -> memref<1x128x16xf32, #tpu.memory_space<vmem>>
    %dma_wait3A_1062 = tpu.memref_squeeze %dma_wait3A_1061 : memref<1x128x16xf32, #tpu.memory_space<vmem>> -> memref<128x16xf32, #tpu.memory_space<vmem>>
    %dma_wait3A_1063 = arith.constant 0 : i32
    %dma_wait3A_1064 = tpu.memref_slice %arg7[%dma_wait3A_1057, %dma_wait3A_1063] : memref<26x128xi32, #tpu.memory_space<vmem>> -> memref<1x128xi32, #tpu.memory_space<vmem>>
    %dma_wait3A_1065 = tpu.memref_squeeze %dma_wait3A_1064 : memref<1x128xi32, #tpu.memory_space<vmem>> -> memref<128xi32, #tpu.memory_space<vmem>>
    %dma_wait3A_1066 = arith.constant 0 : i32
    %dma_wait3A_1067 = arith.constant 0 : i32
    %dma_wait3A_1068 = tpu.memref_slice %arg3[%dma_wait3A_1066, %dma_wait3A_1067] : memref<2600000x16xf32, #tpu.memory_space<hbm>> -> memref<2600000x16xf32, #tpu.memory_space<hbm>>
    tpu.wait_indirect_dma semaphore(%arg10 : memref<!tpu.dma_semaphore, #tpu.memory_space<semaphore_mem>>) src(%dma_wait3A_1068 : memref<2600000x16xf32, #tpu.memory_space<hbm>>) dst(%dma_wait3A_1062 : memref<128x16xf32, #tpu.memory_space<vmem>>)
    %dma_wait3A_1069 = arith.constant 22 : i32
    %dma_wait3A_1070 = arith.constant 22 : i32
    %dma_wait3A_1071 = arith.constant 0 : i32
    %dma_wait3A_1072 = tpu.memref_slice %arg9[%dma_wait3A_1070, %dma_wait3A_1071] : memref<26x128xf32, #tpu.memory_space<vmem>> -> memref<1x128xf32, #tpu.memory_space<vmem>>
    %dma_wait3A_1073 = tpu.memref_squeeze %dma_wait3A_1072 : memref<1x128xf32, #tpu.memory_space<vmem>> -> memref<128xf32, #tpu.memory_space<vmem>>
    %dma_wait3A_1074 = arith.constant 0 : i32
    %dma_wait3A_1075 = tpu.memref_slice %arg7[%dma_wait3A_1069, %dma_wait3A_1074] : memref<26x128xi32, #tpu.memory_space<vmem>> -> memref<1x128xi32, #tpu.memory_space<vmem>>
    %dma_wait3A_1076 = tpu.memref_squeeze %dma_wait3A_1075 : memref<1x128xi32, #tpu.memory_space<vmem>> -> memref<128xi32, #tpu.memory_space<vmem>>
    %dma_wait3A_1077 = arith.constant 0 : i32
    %dma_wait3A_1078 = tpu.memref_slice %arg4[%dma_wait3A_1077] : memref<2600000xf32, #tpu.memory_space<hbm>> -> memref<2600000xf32, #tpu.memory_space<hbm>>
    tpu.wait_indirect_dma semaphore(%arg11 : memref<!tpu.dma_semaphore, #tpu.memory_space<semaphore_mem>>) src(%dma_wait3A_1078 : memref<2600000xf32, #tpu.memory_space<hbm>>) dst(%dma_wait3A_1073 : memref<128xf32, #tpu.memory_space<vmem>>)
    %dma_wait3A_1079 = arith.constant 23 : i32
    %dma_wait3A_1080 = arith.constant 23 : i32
    %dma_wait3A_1081 = arith.constant 0 : i32
    %dma_wait3A_1082 = arith.constant 0 : i32
    %dma_wait3A_1083 = tpu.memref_slice %arg8[%dma_wait3A_1080, %dma_wait3A_1081, %dma_wait3A_1082] : memref<26x128x16xf32, #tpu.memory_space<vmem>> -> memref<1x128x16xf32, #tpu.memory_space<vmem>>
    %dma_wait3A_1084 = tpu.memref_squeeze %dma_wait3A_1083 : memref<1x128x16xf32, #tpu.memory_space<vmem>> -> memref<128x16xf32, #tpu.memory_space<vmem>>
    %dma_wait3A_1085 = arith.constant 0 : i32
    %dma_wait3A_1086 = tpu.memref_slice %arg7[%dma_wait3A_1079, %dma_wait3A_1085] : memref<26x128xi32, #tpu.memory_space<vmem>> -> memref<1x128xi32, #tpu.memory_space<vmem>>
    %dma_wait3A_1087 = tpu.memref_squeeze %dma_wait3A_1086 : memref<1x128xi32, #tpu.memory_space<vmem>> -> memref<128xi32, #tpu.memory_space<vmem>>
    %dma_wait3A_1088 = arith.constant 0 : i32
    %dma_wait3A_1089 = arith.constant 0 : i32
    %dma_wait3A_1090 = tpu.memref_slice %arg3[%dma_wait3A_1088, %dma_wait3A_1089] : memref<2600000x16xf32, #tpu.memory_space<hbm>> -> memref<2600000x16xf32, #tpu.memory_space<hbm>>
    tpu.wait_indirect_dma semaphore(%arg10 : memref<!tpu.dma_semaphore, #tpu.memory_space<semaphore_mem>>) src(%dma_wait3A_1090 : memref<2600000x16xf32, #tpu.memory_space<hbm>>) dst(%dma_wait3A_1084 : memref<128x16xf32, #tpu.memory_space<vmem>>)
    %dma_wait3A_1091 = arith.constant 23 : i32
    %dma_wait3A_1092 = arith.constant 23 : i32
    %dma_wait3A_1093 = arith.constant 0 : i32
    %dma_wait3A_1094 = tpu.memref_slice %arg9[%dma_wait3A_1092, %dma_wait3A_1093] : memref<26x128xf32, #tpu.memory_space<vmem>> -> memref<1x128xf32, #tpu.memory_space<vmem>>
    %dma_wait3A_1095 = tpu.memref_squeeze %dma_wait3A_1094 : memref<1x128xf32, #tpu.memory_space<vmem>> -> memref<128xf32, #tpu.memory_space<vmem>>
    %dma_wait3A_1096 = arith.constant 0 : i32
    %dma_wait3A_1097 = tpu.memref_slice %arg7[%dma_wait3A_1091, %dma_wait3A_1096] : memref<26x128xi32, #tpu.memory_space<vmem>> -> memref<1x128xi32, #tpu.memory_space<vmem>>
    %dma_wait3A_1098 = tpu.memref_squeeze %dma_wait3A_1097 : memref<1x128xi32, #tpu.memory_space<vmem>> -> memref<128xi32, #tpu.memory_space<vmem>>
    %dma_wait3A_1099 = arith.constant 0 : i32
    %dma_wait3A_1100 = tpu.memref_slice %arg4[%dma_wait3A_1099] : memref<2600000xf32, #tpu.memory_space<hbm>> -> memref<2600000xf32, #tpu.memory_space<hbm>>
    tpu.wait_indirect_dma semaphore(%arg11 : memref<!tpu.dma_semaphore, #tpu.memory_space<semaphore_mem>>) src(%dma_wait3A_1100 : memref<2600000xf32, #tpu.memory_space<hbm>>) dst(%dma_wait3A_1095 : memref<128xf32, #tpu.memory_space<vmem>>)
    %dma_wait3A_1101 = arith.constant 24 : i32
    %dma_wait3A_1102 = arith.constant 24 : i32
    %dma_wait3A_1103 = arith.constant 0 : i32
    %dma_wait3A_1104 = arith.constant 0 : i32
    %dma_wait3A_1105 = tpu.memref_slice %arg8[%dma_wait3A_1102, %dma_wait3A_1103, %dma_wait3A_1104] : memref<26x128x16xf32, #tpu.memory_space<vmem>> -> memref<1x128x16xf32, #tpu.memory_space<vmem>>
    %dma_wait3A_1106 = tpu.memref_squeeze %dma_wait3A_1105 : memref<1x128x16xf32, #tpu.memory_space<vmem>> -> memref<128x16xf32, #tpu.memory_space<vmem>>
    %dma_wait3A_1107 = arith.constant 0 : i32
    %dma_wait3A_1108 = tpu.memref_slice %arg7[%dma_wait3A_1101, %dma_wait3A_1107] : memref<26x128xi32, #tpu.memory_space<vmem>> -> memref<1x128xi32, #tpu.memory_space<vmem>>
    %dma_wait3A_1109 = tpu.memref_squeeze %dma_wait3A_1108 : memref<1x128xi32, #tpu.memory_space<vmem>> -> memref<128xi32, #tpu.memory_space<vmem>>
    %dma_wait3A_1110 = arith.constant 0 : i32
    %dma_wait3A_1111 = arith.constant 0 : i32
    %dma_wait3A_1112 = tpu.memref_slice %arg3[%dma_wait3A_1110, %dma_wait3A_1111] : memref<2600000x16xf32, #tpu.memory_space<hbm>> -> memref<2600000x16xf32, #tpu.memory_space<hbm>>
    tpu.wait_indirect_dma semaphore(%arg10 : memref<!tpu.dma_semaphore, #tpu.memory_space<semaphore_mem>>) src(%dma_wait3A_1112 : memref<2600000x16xf32, #tpu.memory_space<hbm>>) dst(%dma_wait3A_1106 : memref<128x16xf32, #tpu.memory_space<vmem>>)
    %dma_wait3A_1113 = arith.constant 24 : i32
    %dma_wait3A_1114 = arith.constant 24 : i32
    %dma_wait3A_1115 = arith.constant 0 : i32
    %dma_wait3A_1116 = tpu.memref_slice %arg9[%dma_wait3A_1114, %dma_wait3A_1115] : memref<26x128xf32, #tpu.memory_space<vmem>> -> memref<1x128xf32, #tpu.memory_space<vmem>>
    %dma_wait3A_1117 = tpu.memref_squeeze %dma_wait3A_1116 : memref<1x128xf32, #tpu.memory_space<vmem>> -> memref<128xf32, #tpu.memory_space<vmem>>
    %dma_wait3A_1118 = arith.constant 0 : i32
    %dma_wait3A_1119 = tpu.memref_slice %arg7[%dma_wait3A_1113, %dma_wait3A_1118] : memref<26x128xi32, #tpu.memory_space<vmem>> -> memref<1x128xi32, #tpu.memory_space<vmem>>
    %dma_wait3A_1120 = tpu.memref_squeeze %dma_wait3A_1119 : memref<1x128xi32, #tpu.memory_space<vmem>> -> memref<128xi32, #tpu.memory_space<vmem>>
    %dma_wait3A_1121 = arith.constant 0 : i32
    %dma_wait3A_1122 = tpu.memref_slice %arg4[%dma_wait3A_1121] : memref<2600000xf32, #tpu.memory_space<hbm>> -> memref<2600000xf32, #tpu.memory_space<hbm>>
    tpu.wait_indirect_dma semaphore(%arg11 : memref<!tpu.dma_semaphore, #tpu.memory_space<semaphore_mem>>) src(%dma_wait3A_1122 : memref<2600000xf32, #tpu.memory_space<hbm>>) dst(%dma_wait3A_1117 : memref<128xf32, #tpu.memory_space<vmem>>)
    %dma_wait3A_1123 = arith.constant 25 : i32
    %dma_wait3A_1124 = arith.constant 25 : i32
    %dma_wait3A_1125 = arith.constant 0 : i32
    %dma_wait3A_1126 = arith.constant 0 : i32
    %dma_wait3A_1127 = tpu.memref_slice %arg8[%dma_wait3A_1124, %dma_wait3A_1125, %dma_wait3A_1126] : memref<26x128x16xf32, #tpu.memory_space<vmem>> -> memref<1x128x16xf32, #tpu.memory_space<vmem>>
    %dma_wait3A_1128 = tpu.memref_squeeze %dma_wait3A_1127 : memref<1x128x16xf32, #tpu.memory_space<vmem>> -> memref<128x16xf32, #tpu.memory_space<vmem>>
    %dma_wait3A_1129 = arith.constant 0 : i32
    %dma_wait3A_1130 = tpu.memref_slice %arg7[%dma_wait3A_1123, %dma_wait3A_1129] : memref<26x128xi32, #tpu.memory_space<vmem>> -> memref<1x128xi32, #tpu.memory_space<vmem>>
    %dma_wait3A_1131 = tpu.memref_squeeze %dma_wait3A_1130 : memref<1x128xi32, #tpu.memory_space<vmem>> -> memref<128xi32, #tpu.memory_space<vmem>>
    %dma_wait3A_1132 = arith.constant 0 : i32
    %dma_wait3A_1133 = arith.constant 0 : i32
    %dma_wait3A_1134 = tpu.memref_slice %arg3[%dma_wait3A_1132, %dma_wait3A_1133] : memref<2600000x16xf32, #tpu.memory_space<hbm>> -> memref<2600000x16xf32, #tpu.memory_space<hbm>>
    tpu.wait_indirect_dma semaphore(%arg10 : memref<!tpu.dma_semaphore, #tpu.memory_space<semaphore_mem>>) src(%dma_wait3A_1134 : memref<2600000x16xf32, #tpu.memory_space<hbm>>) dst(%dma_wait3A_1128 : memref<128x16xf32, #tpu.memory_space<vmem>>)
    %dma_wait3A_1135 = arith.constant 25 : i32
    %dma_wait3A_1136 = arith.constant 25 : i32
    %dma_wait3A_1137 = arith.constant 0 : i32
    %dma_wait3A_1138 = tpu.memref_slice %arg9[%dma_wait3A_1136, %dma_wait3A_1137] : memref<26x128xf32, #tpu.memory_space<vmem>> -> memref<1x128xf32, #tpu.memory_space<vmem>>
    %dma_wait3A_1139 = tpu.memref_squeeze %dma_wait3A_1138 : memref<1x128xf32, #tpu.memory_space<vmem>> -> memref<128xf32, #tpu.memory_space<vmem>>
    %dma_wait3A_1140 = arith.constant 0 : i32
    %dma_wait3A_1141 = tpu.memref_slice %arg7[%dma_wait3A_1135, %dma_wait3A_1140] : memref<26x128xi32, #tpu.memory_space<vmem>> -> memref<1x128xi32, #tpu.memory_space<vmem>>
    %dma_wait3A_1142 = tpu.memref_squeeze %dma_wait3A_1141 : memref<1x128xi32, #tpu.memory_space<vmem>> -> memref<128xi32, #tpu.memory_space<vmem>>
    %dma_wait3A_1143 = arith.constant 0 : i32
    %dma_wait3A_1144 = tpu.memref_slice %arg4[%dma_wait3A_1143] : memref<2600000xf32, #tpu.memory_space<hbm>> -> memref<2600000xf32, #tpu.memory_space<hbm>>
    tpu.wait_indirect_dma semaphore(%arg11 : memref<!tpu.dma_semaphore, #tpu.memory_space<semaphore_mem>>) src(%dma_wait3A_1144 : memref<2600000xf32, #tpu.memory_space<hbm>>) dst(%dma_wait3A_1139 : memref<128xf32, #tpu.memory_space<vmem>>)
    "tpu.region"() ({
      %run_scoped3A = tpu.sem_alloc : memref<!tpu.dma_semaphore, #tpu.memory_space<semaphore_mem>>
      %dma_start3A_1145 = arith.constant 0 : i32
      %dma_start3A_1146 = arith.constant 0 : i32
      %dma_start3A_1147 = tpu.memref_slice %arg5[%mul3A_2, %dma_start3A_1145, %dma_start3A_1146] : memref<832x128x16xf32, #tpu.memory_space<hbm>> -> memref<26x128x16xf32, #tpu.memory_space<hbm>>
      %dma_start3A_1148 = arith.constant 0 : i32
      %dma_start3A_1149 = arith.constant 0 : i32
      %dma_start3A_1150 = tpu.memref_slice %arg5[%mul3A_2, %dma_start3A_1148, %dma_start3A_1149] : memref<832x128x16xf32, #tpu.memory_space<hbm>> -> memref<26x128x16xf32, #tpu.memory_space<hbm>>
      tpu.enqueue_dma source(%arg8 : memref<26x128x16xf32, #tpu.memory_space<vmem>>) target(%dma_start3A_1150 : memref<26x128x16xf32, #tpu.memory_space<hbm>>) target_semaphore(%run_scoped3A : memref<!tpu.dma_semaphore, #tpu.memory_space<semaphore_mem>>)
      %dma_wait3A_1151 = arith.constant 0 : i32
      %dma_wait3A_1152 = arith.constant 0 : i32
      %dma_wait3A_1153 = tpu.memref_slice %arg5[%mul3A_2, %dma_wait3A_1151, %dma_wait3A_1152] : memref<832x128x16xf32, #tpu.memory_space<hbm>> -> memref<26x128x16xf32, #tpu.memory_space<hbm>>
      %dma_wait3A_1154 = arith.constant 0 : i32
      %dma_wait3A_1155 = arith.constant 0 : i32
      %dma_wait3A_1156 = tpu.memref_slice %arg5[%mul3A_2, %dma_wait3A_1154, %dma_wait3A_1155] : memref<832x128x16xf32, #tpu.memory_space<hbm>> -> memref<26x128x16xf32, #tpu.memory_space<hbm>>
      tpu.wait_dma2 semaphore(%run_scoped3A : memref<!tpu.dma_semaphore, #tpu.memory_space<semaphore_mem>>) src(%arg8 : memref<26x128x16xf32, #tpu.memory_space<vmem>>) dst(%dma_wait3A_1156 : memref<26x128x16xf32, #tpu.memory_space<hbm>>)
      tpu.yield
    }) : () -> ()
    "tpu.region"() ({
      %run_scoped3A = tpu.sem_alloc : memref<!tpu.dma_semaphore, #tpu.memory_space<semaphore_mem>>
      %dma_start3A_1145 = arith.constant 0 : i32
      %dma_start3A_1146 = tpu.memref_slice %arg6[%mul3A_2, %dma_start3A_1145] : memref<832x128xf32, #tpu.memory_space<hbm>> -> memref<26x128xf32, #tpu.memory_space<hbm>>
      %dma_start3A_1147 = arith.constant 0 : i32
      %dma_start3A_1148 = tpu.memref_slice %arg6[%mul3A_2, %dma_start3A_1147] : memref<832x128xf32, #tpu.memory_space<hbm>> -> memref<26x128xf32, #tpu.memory_space<hbm>>
      tpu.enqueue_dma source(%arg9 : memref<26x128xf32, #tpu.memory_space<vmem>>) target(%dma_start3A_1148 : memref<26x128xf32, #tpu.memory_space<hbm>>) target_semaphore(%run_scoped3A : memref<!tpu.dma_semaphore, #tpu.memory_space<semaphore_mem>>)
      %dma_wait3A_1149 = arith.constant 0 : i32
      %dma_wait3A_1150 = tpu.memref_slice %arg6[%mul3A_2, %dma_wait3A_1149] : memref<832x128xf32, #tpu.memory_space<hbm>> -> memref<26x128xf32, #tpu.memory_space<hbm>>
      %dma_wait3A_1151 = arith.constant 0 : i32
      %dma_wait3A_1152 = tpu.memref_slice %arg6[%mul3A_2, %dma_wait3A_1151] : memref<832x128xf32, #tpu.memory_space<hbm>> -> memref<26x128xf32, #tpu.memory_space<hbm>>
      tpu.wait_dma2 semaphore(%run_scoped3A : memref<!tpu.dma_semaphore, #tpu.memory_space<semaphore_mem>>) src(%arg9 : memref<26x128xf32, #tpu.memory_space<vmem>>) dst(%dma_wait3A_1152 : memref<26x128xf32, #tpu.memory_space<hbm>>)
      tpu.yield
    }) : () -> ()
    return
  }
}

module attributes {stable_mosaic.version = 14 : i64} {
  func.func @_tc_body(%arg0: i32, %arg1: memref<512x416xf32, #tpu.memory_space<vmem>>, %arg2: memref<512x26xf32, #tpu.memory_space<vmem>>, %arg3: memref<512x26xf32, #tpu.memory_space<vmem>>, %arg4: memref<26x416xf32, #tpu.memory_space<vmem>>, %arg5: memref<416x16xf32, #tpu.memory_space<vmem>>, %arg6: memref<416x32xf32, #tpu.memory_space<vmem>>, %arg7: memref<1x32xf32, #tpu.memory_space<vmem>>, %arg8: memref<32x32xf32, #tpu.memory_space<vmem>>, %arg9: memref<1x32xf32, #tpu.memory_space<vmem>>, %arg10: memref<1x1xf32, #tpu.memory_space<vmem>>, %arg11: memref<512xf32, #tpu.memory_space<vmem>>) attributes {dimension_semantics = [#tpu.dimension_semantics<arbitrary>], iteration_bounds = array<i64: 8>, scalar_prefetch = 0 : i64, scratch_operands = 0 : i64, tpu.core_type = #tpu.core_type<tc>, window_params = [{transform_indices = @transform_0, window_bounds = array<i64: 512, 416>}, {transform_indices = @transform_1, window_bounds = array<i64: 512, 26>}, {transform_indices = @transform_2, window_bounds = array<i64: 512, 26>}, {pipeline_mode = #tpu.pipeline_mode<synchronous>, transform_indices = @transform_3, window_bounds = array<i64: 26, 416>}, {pipeline_mode = #tpu.pipeline_mode<synchronous>, transform_indices = @transform_4, window_bounds = array<i64: 416, 16>}, {pipeline_mode = #tpu.pipeline_mode<synchronous>, transform_indices = @transform_5, window_bounds = array<i64: 416, 32>}, {pipeline_mode = #tpu.pipeline_mode<synchronous>, transform_indices = @transform_6, window_bounds = array<i64: 1, 32>}, {pipeline_mode = #tpu.pipeline_mode<synchronous>, transform_indices = @transform_7, window_bounds = array<i64: 32, 32>}, {pipeline_mode = #tpu.pipeline_mode<synchronous>, transform_indices = @transform_8, window_bounds = array<i64: 1, 32>}, {pipeline_mode = #tpu.pipeline_mode<synchronous>, transform_indices = @transform_9, window_bounds = array<i64: 1, 1>}, {transform_indices = @transform_10, window_bounds = array<i64: 512>}]} {
    %get3A = arith.constant 0 : index
    %get3A_0 = arith.constant 0 : index
    %get3A_1 = vector.load %arg1[%get3A, %get3A_0] : memref<512x416xf32, #tpu.memory_space<vmem>>, vector<512x416xf32>
    %get3A_2 = arith.constant 0 : index
    %get3A_3 = arith.constant 0 : index
    %get3A_4 = vector.load %arg3[%get3A_2, %get3A_3] : memref<512x26xf32, #tpu.memory_space<vmem>>, vector<512x26xf32>
    %get3A_5 = arith.constant 0 : index
    %get3A_6 = arith.constant 0 : index
    %get3A_7 = vector.load %arg4[%get3A_5, %get3A_6] : memref<26x416xf32, #tpu.memory_space<vmem>>, vector<26x416xf32>
    %dot_general3A = arith.constant dense<0.000000e+00> : vector<512x416xf32>
    %dot_general3A_8 = tpu.matmul %get3A_4, %get3A_7, %dot_general3A {dimension_numbers = #tpu.dot_dimension_numbers<[1], [0], [0], [1], [0, 0, 1, 1], [], []>, transpose_lhs_hint = false} : vector<512x26xf32>, vector<26x416xf32>, vector<512x416xf32> -> vector<512x416xf32>
    %mul3A = arith.mulf %get3A_1, %dot_general3A_8 : vector<512x416xf32>
    %get3A_9 = arith.constant 0 : index
    %get3A_10 = arith.constant 0 : index
    %get3A_11 = vector.load %arg5[%get3A_9, %get3A_10] : memref<416x16xf32, #tpu.memory_space<vmem>>, vector<416x16xf32>
    %dot_general3A_12 = arith.constant dense<0.000000e+00> : vector<512x16xf32>
    %dot_general3A_13 = tpu.matmul %mul3A, %get3A_11, %dot_general3A_12 {dimension_numbers = #tpu.dot_dimension_numbers<[1], [0], [0], [1], [0, 0, 1, 1], [], []>, transpose_lhs_hint = false} : vector<512x416xf32>, vector<416x16xf32>, vector<512x16xf32> -> vector<512x16xf32>
    %mul3A_14 = arith.mulf %mul3A, %mul3A : vector<512x416xf32>
    %get3A_15 = arith.constant 0 : index
    %get3A_16 = arith.constant 0 : index
    %get3A_17 = vector.load %arg5[%get3A_15, %get3A_16] : memref<416x16xf32, #tpu.memory_space<vmem>>, vector<416x16xf32>
    %dot_general3A_18 = arith.constant dense<0.000000e+00> : vector<512x16xf32>
    %dot_general3A_19 = tpu.matmul %mul3A_14, %get3A_17, %dot_general3A_18 {dimension_numbers = #tpu.dot_dimension_numbers<[1], [0], [0], [1], [0, 0, 1, 1], [], []>, transpose_lhs_hint = false} : vector<512x416xf32>, vector<416x16xf32>, vector<512x16xf32> -> vector<512x16xf32>
    %mul3A_20 = arith.mulf %dot_general3A_13, %dot_general3A_13 : vector<512x16xf32>
    %sub3A = arith.subf %mul3A_20, %dot_general3A_19 : vector<512x16xf32>
    %reduce_sum3A = arith.constant dense<0.000000e+00> : vector<512xf32>
    %reduce_sum3A_21 = vector.multi_reduction <add>, %sub3A, %reduce_sum3A [1] : vector<512x16xf32> to vector<512xf32>
    %mul3A_22 = arith.constant 5.000000e-01 : f32
    %mul3A_23 = vector.broadcast %mul3A_22 : f32 to vector<512xf32>
    %mul3A_24 = arith.mulf %mul3A_23, %reduce_sum3A_21 : vector<512xf32>
    %get3A_25 = arith.constant 0 : index
    %get3A_26 = arith.constant 0 : index
    %get3A_27 = vector.load %arg2[%get3A_25, %get3A_26] : memref<512x26xf32, #tpu.memory_space<vmem>>, vector<512x26xf32>
    %mul3A_28 = arith.mulf %get3A_27, %get3A_4 : vector<512x26xf32>
    %reduce_sum3A_29 = arith.constant dense<0.000000e+00> : vector<512xf32>
    %reduce_sum3A_30 = vector.multi_reduction <add>, %mul3A_28, %reduce_sum3A_29 [1] : vector<512x26xf32> to vector<512xf32>
    %get3A_31 = arith.constant 0 : index
    %get3A_32 = arith.constant 0 : index
    %get3A_33 = vector.load %arg6[%get3A_31, %get3A_32] : memref<416x32xf32, #tpu.memory_space<vmem>>, vector<416x32xf32>
    %dot_general3A_34 = arith.constant dense<0.000000e+00> : vector<512x32xf32>
    %dot_general3A_35 = tpu.matmul %mul3A, %get3A_33, %dot_general3A_34 {dimension_numbers = #tpu.dot_dimension_numbers<[1], [0], [0], [1], [0, 0, 1, 1], [], []>, transpose_lhs_hint = false} : vector<512x416xf32>, vector<416x32xf32>, vector<512x32xf32> -> vector<512x32xf32>
    %get3A_36 = arith.constant 0 : index
    %get3A_37 = arith.constant 0 : index
    %get3A_38 = vector.load %arg7[%get3A_36, %get3A_37] : memref<1x32xf32, #tpu.memory_space<vmem>>, vector<1x32xf32>
    %add3A = vector.broadcast %get3A_38 : vector<1x32xf32> to vector<512x32xf32>
    %add3A_39 = arith.addf %dot_general3A_35, %add3A : vector<512x32xf32>
    %max3A = arith.constant 0.000000e+00 : f32
    %max3A_40 = vector.broadcast %max3A : f32 to vector<512x32xf32>
    %max3A_41 = arith.maximumf %add3A_39, %max3A_40 : vector<512x32xf32>
    %get3A_42 = arith.constant 0 : index
    %get3A_43 = arith.constant 0 : index
    %get3A_44 = vector.load %arg8[%get3A_42, %get3A_43] : memref<32x32xf32, #tpu.memory_space<vmem>>, vector<32x32xf32>
    %dot_general3A_45 = arith.constant dense<0.000000e+00> : vector<512x32xf32>
    %dot_general3A_46 = tpu.matmul %max3A_41, %get3A_44, %dot_general3A_45 {dimension_numbers = #tpu.dot_dimension_numbers<[1], [0], [0], [1], [0, 0, 1, 1], [], []>, transpose_lhs_hint = false} : vector<512x32xf32>, vector<32x32xf32>, vector<512x32xf32> -> vector<512x32xf32>
    %get3A_47 = arith.constant 0 : index
    %get3A_48 = arith.constant 0 : index
    %get3A_49 = vector.load %arg9[%get3A_47, %get3A_48] : memref<1x32xf32, #tpu.memory_space<vmem>>, vector<1x32xf32>
    %add3A_50 = vector.broadcast %get3A_49 : vector<1x32xf32> to vector<512x32xf32>
    %add3A_51 = arith.addf %dot_general3A_46, %add3A_50 : vector<512x32xf32>
    %max3A_52 = arith.constant 0.000000e+00 : f32
    %max3A_53 = vector.broadcast %max3A_52 : f32 to vector<512x32xf32>
    %max3A_54 = arith.maximumf %add3A_51, %max3A_53 : vector<512x32xf32>
    %add3A_55 = arith.addf %reduce_sum3A_30, %mul3A_24 : vector<512xf32>
    %reduce_sum3A_56 = arith.constant dense<0.000000e+00> : vector<512xf32>
    %reduce_sum3A_57 = vector.multi_reduction <add>, %max3A_54, %reduce_sum3A_56 [1] : vector<512x32xf32> to vector<512xf32>
    %add3A_58 = arith.addf %add3A_55, %reduce_sum3A_57 : vector<512xf32>
    %get3A_59 = arith.constant 0 : index
    %get3A_60 = arith.constant 0 : index
    %get3A_61 = vector.load %arg10[%get3A_59, %get3A_60] : memref<1x1xf32, #tpu.memory_space<vmem>>, vector<1x1xf32>
    %get3A_62 = vector.extract %get3A_61[0, 0] : f32 from vector<1x1xf32>
    %add3A_63 = vector.broadcast %get3A_62 : f32 to vector<512xf32>
    %add3A_64 = arith.addf %add3A_58, %add3A_63 : vector<512xf32>
    %swap3A = arith.constant 0 : index
    %swap3A_65 = vector.load %arg11[%swap3A] : memref<512xf32, #tpu.memory_space<vmem>>, vector<512xf32>
    tpu.vector_store %arg11[%swap3A], %add3A_64 {strides = array<i32>} : memref<512xf32, #tpu.memory_space<vmem>>, vector<512xf32>,
    return
  }
  func.func @transform_0(%arg0: i32) -> (i32, i32) {
    %c0_i32 = arith.constant 0 : i32
    %c0_i32_0 = arith.constant 0 : i32
    return %arg0, %c0_i32 : i32, i32
  }
  func.func @transform_1(%arg0: i32) -> (i32, i32) {
    %c0_i32 = arith.constant 0 : i32
    %c0_i32_0 = arith.constant 0 : i32
    return %arg0, %c0_i32 : i32, i32
  }
  func.func @transform_2(%arg0: i32) -> (i32, i32) {
    %c0_i32 = arith.constant 0 : i32
    %c0_i32_0 = arith.constant 0 : i32
    return %arg0, %c0_i32 : i32, i32
  }
  func.func @transform_3(%arg0: i32) -> (i32, i32) {
    %c0_i32 = arith.constant 0 : i32
    %c0_i32_0 = arith.constant 0 : i32
    %c0_i32_1 = arith.constant 0 : i32
    return %c0_i32, %c0_i32_0 : i32, i32
  }
  func.func @transform_4(%arg0: i32) -> (i32, i32) {
    %c0_i32 = arith.constant 0 : i32
    %c0_i32_0 = arith.constant 0 : i32
    %c0_i32_1 = arith.constant 0 : i32
    return %c0_i32, %c0_i32_0 : i32, i32
  }
  func.func @transform_5(%arg0: i32) -> (i32, i32) {
    %c0_i32 = arith.constant 0 : i32
    %c0_i32_0 = arith.constant 0 : i32
    %c0_i32_1 = arith.constant 0 : i32
    return %c0_i32, %c0_i32_0 : i32, i32
  }
  func.func @transform_6(%arg0: i32) -> (i32, i32) {
    %c0_i32 = arith.constant 0 : i32
    %c0_i32_0 = arith.constant 0 : i32
    %c0_i32_1 = arith.constant 0 : i32
    return %c0_i32, %c0_i32_0 : i32, i32
  }
  func.func @transform_7(%arg0: i32) -> (i32, i32) {
    %c0_i32 = arith.constant 0 : i32
    %c0_i32_0 = arith.constant 0 : i32
    %c0_i32_1 = arith.constant 0 : i32
    return %c0_i32, %c0_i32_0 : i32, i32
  }
  func.func @transform_8(%arg0: i32) -> (i32, i32) {
    %c0_i32 = arith.constant 0 : i32
    %c0_i32_0 = arith.constant 0 : i32
    %c0_i32_1 = arith.constant 0 : i32
    return %c0_i32, %c0_i32_0 : i32, i32
  }
  func.func @transform_9(%arg0: i32) -> (i32, i32) {
    %c0_i32 = arith.constant 0 : i32
    %c0_i32_0 = arith.constant 0 : i32
    %c0_i32_1 = arith.constant 0 : i32
    return %c0_i32, %c0_i32_0 : i32, i32
  }
  func.func @transform_10(%arg0: i32) -> i32 {
    %c0_i32 = arith.constant 0 : i32
    return %arg0 : i32
  }
}

</mosaic_0001>

<sc_bundles>
// kernel: _deepfm.4.cloned.1.call-start
scs
__scs_entry_jumppad:
0x0: {  	(pc) =	sbr.rel $0x88, $3  }
0x1: {  	(tag) =	ssettag $0x0;
	lr =	simm.s32 $0x1  }
0x2: {  	[smem:$0x3F98] =	sst lr;
	_ =	strace $0xD0000000  }
0x3: {  	_ = 	snop  }
0x4: {  	_ = 	snop  }
0x5: {  	_ = 	snop  }
0x6: {  	_ = 	snop  }
0x7: {  	_ = 	snop  }
__scs_overlays_trampoline_lowered:
0x8: {  	[smem:$0x3FA7] =	sst s0  }
0x9: {  	[smem:$0x3FA8] =	sst s1  }
0xa: {  	[smem:$0x3FA9] =	sst s2  }
0xb: {  	[smem:$0x3FAA] =	sst s3  }
0xc: {  	[smem:$0x3FAB] =	sst s4  }
0xd: {  	[smem:$0x3FAC] =	sst s5  }
0xe: {  	[smem:$0x3FAD] =	sst s6  }
0xf: {  	[smem:$0x3FAE] =	sst s7  }
0x10: {  	[smem:$0x3FAF] =	sst s8  }
0x11: {  	[smem:$0x3FB0] =	sst s9;
	s0 =	simm.s32 @!p0 $0x0  }
0x12: {  	s1 =	sld [smem:$0x3F96];
	s0 =	simm.s32 @p0 $0x1  }
0x13: {  	[smem:$0x3FB1] =	sst s0;
	s0 =	simm.s32 @!p1 $0x0  }
0x14: {  	s2 =	sld [smem:$0x3F95];
	s0 =	simm.s32 @p1 $0x1  }
0x15: {  	[smem:$0x3FB2] =	sst s0;
	s0 =	simm.s32 @!p2 $0x0  }
0x16: {  	s3 =	sld [smem:$0x3FDB];
	s0 =	simm.s32 @p2 $0x1  }
0x17: {  	s4 =	simm.s32 $0x1BF5;
	[smem:$0x3FB4] =	sst s0  }
0x18: {  	s0 =	sld [smem:$0x3F97];
	_ =	swait.ge [sflag:s4], $0x0  }
0x19: {  	s7 =	sld [smem:$0x3F98]  }
0x1a: {  	s8 =	sadd.s32 $0xFFFFE003, lr  }
0x1b: {  	s9 =	sadd.s32 $0xFFFFFEF7, lr;
	s5 =	simm.s32 $0xFFFFFFFF;
	p2 =	slt.u32 s8, $0xFFFFF086  }
0x1c: {  	p1 =	slt.u32 s9, $0xF7A;
	s5 =	simm.s32 @!p2 $0x0  }
0x1d: {  	s5 =	simm.s32 @p1 $0x1;
	p0 =	seq.s32 s7, s2  }
0x1e: {  	s7 =	smul.u32 @!p0 $0xF7A, s2;
	p2 =	seq.s32 @!p0 s5, $0x0  }
0x1f: {  	s9 =	smul.u32 $0xF7A, s1;
	s8 =	simm.s32 @!p0 $0x1BF5;
	p2 =	por !p2, p0  }
0x20: {  	[sflag:s8] =	ssyncset.s32 @!p0 $0xFFFFF086;
	s6 =	sadd.s32 @!p0 s3, s7;
	s7 =	simm.s32 @!p0 $0x108  }
0x21: {  	s3 =	sadd.s32 s3, s9;
	s6 =	sadd.s32 @!p0 $0x88, s6;
	s7 =	simm.s32 @p2 $0x1082  }
0x22: {  	[simem:s7], [sflag:s8] =	dma.local @!p0 [hbm:s6], $0xF7A  }
0x23: {  	s9 =	sor.u32 $0xD0000000, s2;
	s6 =	simm.s32 $0x108;
	_ =	swait.ge @!p0 [sflag:s8], $0x0  }
0x24: {  	s3 =	sadd.s32 $0x88, s3;
	s6 =	simm.s32 @!p1 $0x1082;
	[sflag:s4] =	ssyncset.s32 $0xFFFFF086  }
0x25: {  	[simem:s6], [sflag:s4] =	dma.local [hbm:s3], $0xF7A  }
0x26: {  	[smem:$0x3F98] =	sst s1;
	(tag) =	ssettag s2;
	_ =	strace s9  }
0x27: {  	s1 =	sld [smem:$0x3FA8]  }
0x28: {  	s2 =	sld [smem:$0x3FA9]  }
0x29: {  	s4 =	sld [smem:$0x3FAB]  }
0x2a: {  	p0 =	seq.s32 s5, $0x0;
	s5 =	sld [smem:$0x3FAC]  }
0x2b: {  	s6 =	sld [smem:$0x3FAD]  }
0x2c: {  	s7 =	sld [smem:$0x3FAE]  }
0x2d: {  	s3 =	simm.s32 $0x108;
	s8 =	sld [smem:$0x3FAF]  }
0x2e: {  	s3 =	simm.s32 @!p0 $0x1082;
	s9 =	sld [smem:$0x3FB0]  }
0x2f: {  	lr =	sadd.s32 s0, s3;
	s0 =	sld [smem:$0x3FA7]  }
0x30: {  	s3 =	sld [smem:$0x3FAA]  }
0x31: {  	[smem:$0x3FB3] =	sst s10  }
0x32: {  	s10 =	sld [smem:$0x3FB1];
	_ =	sdelay $0x3  }
0x33: {  	p0 =	seq.s32 s10, $0x1;
	s10 =	sld [smem:$0x3FB3];
	_ =	sdelay $0x3  }
0x34: {  	[smem:$0x3FB3] =	sst s10  }
0x35: {  	s10 =	sld [smem:$0x3FB2];
	_ =	sdelay $0x3  }
0x36: {  	p1 =	seq.s32 s10, $0x1;
	s10 =	sld [smem:$0x3FB3];
	_ =	sdelay $0x3  }
0x37: {  	[smem:$0x3FB3] =	sst s10  }
0x38: {  	s10 =	sld [smem:$0x3FB4]  }
0x39: {  	_ = 	snop;
	(pc) =	sbr.ind lr, $3  }
0x3a: {  	_ = 	snop  }
0x3b: {  	_ = 	snop  }
0x3c: {  	p2 =	seq.s32 s10, $0x1;
	s10 =	sld [smem:$0x3FB3]  }
0x3d: {  	_ =	shalt  }
0x3e: {  	_ =	shalt  }
0x3f: {  	_ =	shalt  }
0x40: {  	_ =	shalt  }
0x41: {  	_ =	shalt  }
0x42: {  	_ =	shalt  }
0x43: {  	_ =	shalt  }
0x44: {  	_ =	shalt  }
0x45: {  	_ =	shalt  }
0x46: {  	_ =	shalt  }
0x47: {  	_ =	shalt  }
0x48: {  	_ =	shalt  }
0x49: {  	_ =	shalt  }
0x4a: {  	_ =	shalt  }
0x4b: {  	_ =	shalt  }
0x4c: {  	_ =	shalt  }
0x4d: {  	_ =	shalt  }
0x4e: {  	_ =	shalt  }
0x4f: {  	_ =	shalt  }
0x50: {  	_ =	shalt  }
0x51: {  	_ =	shalt  }
0x52: {  	_ =	shalt  }
0x53: {  	_ =	shalt  }
0x54: {  	_ =	shalt  }
0x55: {  	_ =	shalt  }
0x56: {  	_ =	shalt  }
0x57: {  	_ =	shalt  }
0x58: {  	_ =	shalt  }
0x59: {  	_ =	shalt  }
0x5a: {  	_ =	shalt  }
0x5b: {  	_ =	shalt  }
0x5c: {  	_ =	shalt  }
0x5d: {  	_ =	shalt  }
0x5e: {  	_ =	shalt  }
0x5f: {  	_ =	shalt  }
0x60: {  	_ =	shalt  }
0x61: {  	_ =	shalt  }
0x62: {  	_ =	shalt  }
0x63: {  	_ =	shalt  }
0x64: {  	_ =	shalt  }
0x65: {  	_ =	shalt  }
0x66: {  	_ =	shalt  }
0x67: {  	_ =	shalt  }
0x68: {  	_ =	shalt  }
0x69: {  	_ =	shalt  }
0x6a: {  	_ =	shalt  }
0x6b: {  	_ =	shalt  }
0x6c: {  	_ =	shalt  }
0x6d: {  	_ =	shalt  }
0x6e: {  	_ =	shalt  }
0x6f: {  	_ =	shalt  }
0x70: {  	_ =	shalt  }
0x71: {  	_ =	shalt  }
0x72: {  	_ =	shalt  }
0x73: {  	_ =	shalt  }
0x74: {  	_ =	shalt  }
0x75: {  	_ =	shalt  }
0x76: {  	_ =	shalt  }
0x77: {  	_ =	shalt  }
0x78: {  	_ =	shalt  }
0x79: {  	_ =	shalt  }
0x7a: {  	_ =	shalt  }
0x7b: {  	_ =	shalt  }
0x7c: {  	_ =	shalt  }
0x7d: {  	_ =	shalt  }
0x7e: {  	_ =	shalt  }
0x7f: {  	_ =	shalt  }
0x80: {  	_ =	shalt  }
0x81: {  	_ =	shalt  }
0x82: {  	_ =	shalt  }
0x83: {  	_ =	shalt  }
0x84: {  	_ =	shalt  }
0x85: {  	_ =	shalt  }
0x86: {  	_ =	shalt  }
0x87: {  	_ =	shalt  }
.Lfunc_end0:
.L_simem_size_0:
called_computation_lowered:
.L_overlay_start_0:
0x88: {  	s2 =	sld [smem:$0x3FD9]  }
0x89: {  	s3 =	sld [smem:$0x3FFE];
	_ =	sdelay $0x1  }
0x8a: {  	s1 =	srdreg.scid  }
0x8b: {  	s0 =	sand.u32 $0x1, s1  }
0x8c: {  	s16 =	sshll.u32 s0, $0xA;
	s2 =	sadd.s32 s3, s2  }
0x8d: {  	s2 =	sadd.s32 s2, s16  }
0x8e: {  	[smem:$0x3FBF] =	sst s2  }
0x8f: {  	_ = 	snop  }
0x90: {  	(tm) =	ssettm $0x1  }
0x91: {  	s17 =	sld [smem:$0x3FFB];
	_ =	sdelay $0x3  }
0x92: {  	_ =	strace s17  }
0x93: {  	s2 =	sld [smem:$0x3FFC];
	_ =	sdelay $0x3  }
0x94: {  	_ =	strace s2  }
0x95: {  	s2 =	sld [smem:$0x3FFD];
	_ =	sdelay $0x3  }
0x96: {  	_ =	strace s2  }
0x97: {  	_ =	strace $0x8FFFFFFF  }
0x98: {  	s18 =	sld [smem:$0x3FDB];
	_ =	sdelay $0x1  }
0x99: {  	s19 =	simm.s32 $_scs_section_size  }
0x9a: {  	s4 =	simm.s32 $_size__tile_overlayer_lowered;
	s5 =	simm.s32 $_tile_overlayer_lowered  }
0x9b: {  	s22 =	simm.s32 $0x1BFF;
	s21 =	sshll.u32 s5, $0x1;
	s2 =	sadd.s32 s19, s18  }
0x9c: {  	s6 =	simm.s32 $0x0;
	s20 =	sshll.u32 s4, $0x1;
	s4 =	sadd.s32 s21, s2  }
0x9d: {  	[timem:s6], [sflag:s22] =	dma.local [hbm:s4], s20  }
0x9e: {  	_ =	swait.ge [sflag:s22], s20  }
0x9f: {  	s3 =	ssub.s32 $0x0, s20;
	[sflag:s22] =	ssyncset.done $0x0  }
0xa0: {  	[sflag:s22] =	ssyncadd.s32 s3;
	_ =	sdelay $0x1  }
0xa1: {  	s23 =	simm.s32 $0x1B8B  }
0xa2: {  	_ =	swait.ge [sflag:s23], $0x1  }
0xa3: {  	[sflag:s23] =	ssyncset.done $0x0  }
0xa4: {  	s25 =	simm.s32 $0x1B8E;
	s24 =	sld [smem:$0x3FFE];
	[sflag:s23] =	ssyncadd.s32 $0xFFFFFFFF  }
0xa5: {  	s26 =	simm.s32 $execute0_lowered;
	[smem:$0x3FD2] =	sst s25  }
0xa6: {  	s4 =	sshll.u32 s26, $0x1;
	_ =	strace $0x80000046;
	[dreg:$0x1] =	wrdreg $0xFFFFFFFF  }
0xa7: {  	s28 =	simm.s32 $_size_execute0_lowered;
	s2 =	sadd.s32 s2, s4;
	[dreg:$0x0] =	wrdreg $0x0  }
0xa8: {  	s4 =	sshll.u32 s28, $0x1;
	[dreg:$0x2] =	wrdreg s2  }
0xa9: {  	[dreg:$0x3] =	wrdreg s4  }
0xaa: {  	[dreg:$0x4] =	wrdreg $0xC0  }
0xab: {  	_ =	task [dreg:s6], $0x5FFFF  }
0xac: {  	[dreg:$0x1] =	wrdreg $0xFFFFFFFF  }
0xad: {  	[dreg:$0x0] =	wrdreg $0x60  }
0xae: {  	[dreg:$0x2] =	wrdreg s24  }
0xaf: {  	[dreg:$0x3] =	wrdreg $0x9  }
0xb0: {  	_ =	task.clear_ibuf [dreg:s6], $0x4FFFF;
	_ =	strace $0x90000046  }
0xb1: {  	s29 =	simm.s32 $0x9;
	_ =	strace $0x80000048  }
0xb2: {  	_ =	swait.ge [sflag:s29], $0x1  }
0xb3: {  	[sflag:s29] =	ssyncadd.s32 $0xFFFFFFFF  }
0xb4: {  	_ =	strace $0x90000048  }
0xb5: {  	_ =	sfence  }
0xb6: {  	s30 =	sld [smem:$0x0];
	_ =	sdelay $0x2  }
0xb7: {  	s31 =	sshll.u32 s1, $0xD;
	s1 =	sshrl.u32 s1, $0x2  }
0xb8: {  	s3 =	sand.u32 $0x4000, s31;
	s1 =	sadd.s32 s1, s30  }
0xb9: {  	s0 =	sor.u32 s3, s0;
	s1 =	sshll.u32 s1, $0x11  }
0xba: {  	s0 =	sor.u32 s1, s0  }
0xbb: {  	s0 =	sadd.s32 $0x8F2B, s0  }
0xbc: {  	[sflag:s0] =	ssyncadd.remote.s32 $0x1  }
0xbd: {  	_ =	sfence.sel $0xFFFF  }
0xbe: {  	[dreg:$0x0] =	wrdreg $0xFFFFFFFF;
	(pc) =	sbr.abs _section_cstart, $3  }
0xbf: {  	[dreg:$0x1] =	wrdreg $0xFFFFFFFF  }
0xc0: {  	_ =	task.clear_ibuf [dreg:s6], $0x2FFFF;
	_ =	strace $0x9FFFFFFF  }
0xc1: {  	(tm) =	ssettm $0x7FFFFFFF  }
tec
execute0_lowered:
.L_overlay_start_1:
0x0: {  	(tag) =	ssettag $0x1  }
0x1: {  	s0 =	srdreg.scid;
	s13 =	stileid.u32;
	s2 =	simm.s32 $0x0  }
0x2: {  	s0 =	sand.u32 $0x1, s0;
	s1 =	sshll.u32 s13, $0x1;
	[smem:$0x7FF] =	sst s2  }
0x3: {  	s14 =	simm.s32 $0x1500;
	s3 =	sor.u32 s0, s1;
	s1 =	rddreg [dreg:$0x0]  }
0x4: {  	s15 =	simm.s32 $0xDD80;
	_ =	strace $0x80000047;
	[dreg:$0x5] =	wrdreg s14  }
0x5: {  	s16 =	simm.s32 $0x1D00;
	[dreg:$0x6] =	wrdreg s15  }
0x6: {  	s17 =	simm.s32 $0xDE00;
	[dreg:$0x7] =	wrdreg s16  }
0x7: {  	s18 =	simm.s32 $0x2500;
	[dreg:$0x8] =	wrdreg s17  }
0x8: {  	s19 =	simm.s32 $0xDE80;
	[dreg:$0x9] =	wrdreg s18  }
0x9: {  	s20 =	simm.s32 $0x2D00;
	[dreg:$0xa] =	wrdreg s19  }
0xa: {  	s21 =	simm.s32 $0xDF00;
	[dreg:$0xb] =	wrdreg s20  }
0xb: {  	s22 =	simm.s32 $0x3500;
	[dreg:$0xc] =	wrdreg s21  }
0xc: {  	s23 =	simm.s32 $0xDF80;
	[dreg:$0xd] =	wrdreg s22  }
0xd: {  	s24 =	simm.s32 $0x3D00;
	[dreg:$0xe] =	wrdreg s23  }
0xe: {  	s25 =	simm.s32 $0xE000;
	[dreg:$0xf] =	wrdreg s24  }
0xf: {  	s26 =	simm.s32 $0x4500;
	[dreg:$0x10] =	wrdreg s25  }
0x10: {  	s6 =	simm.s32 $0xE100;
	[dreg:$0x11] =	wrdreg s26  }
0x11: {  	s7 =	simm.s32 $0x5500;
	[dreg:$0x14] =	wrdreg s6  }
0x12: {  	s8 =	simm.s32 $0xE180;
	[dreg:$0x15] =	wrdreg s7  }
0x13: {  	s9 =	simm.s32 $0x5D00;
	[dreg:$0x16] =	wrdreg s8  }
0x14: {  	s10 =	simm.s32 $0xE200;
	[dreg:$0x17] =	wrdreg s9  }
0x15: {  	s11 =	simm.s32 $0x6500;
	[dreg:$0x18] =	wrdreg s10  }
0x16: {  	[dreg:$0x19] =	wrdreg s11;
	s14 =	simm.s32 $0x6D00  }
0x17: {  	s15 =	simm.s32 $0xE300;
	[dreg:$0x1b] =	wrdreg s14  }
0x18: {  	s16 =	simm.s32 $0x7500;
	[dreg:$0x1c] =	wrdreg s15  }
0x19: {  	s17 =	simm.s32 $0xE380;
	[dreg:$0x1d] =	wrdreg s16  }
0x1a: {  	s18 =	simm.s32 $0x7D00;
	[dreg:$0x1e] =	wrdreg s17  }
0x1b: {  	s19 =	simm.s32 $0xE400;
	[dreg:$0x1f] =	wrdreg s18  }
0x1c: {  	s31 =	simm.s32 $0x580;
	s20 =	simm.s32 $0x8500;
	[smem:$0x7E7] =	sst s19  }
0x1d: {  	s30 =	simm.s32 $0x600;
	s21 =	simm.s32 $0xE480;
	[smem:$0x7E8] =	sst s20  }
0x1e: {  	s29 =	simm.s32 $0x680;
	s23 =	simm.s32 $0x8D00;
	[smem:$0x7E9] =	sst s21  }
0x1f: {  	s28 =	simm.s32 $0x700;
	s24 =	simm.s32 $0xE500;
	[smem:$0x7EA] =	sst s23  }
0x20: {  	p0 =	por $0x0, $0x0;
	s25 =	simm.s32 $0x9500;
	[smem:$0x7EB] =	sst s24  }
0x21: {  	s0 =	ssub.s32 $0x2, s0;
	s26 =	simm.s32 $0xE580;
	[smem:$0x7EC] =	sst s25  }
0x22: {  	s10 =	simm.s32 $0x80;
	s7 =	simm.s32 $0xE680;
	[smem:$0x7ED] =	sst s26  }
0x23: {  	s11 =	simm.s32 $0xDD00;
	[smem:$0x7F1] =	sst s7;
	s7 =	simm.s32 $0xE700  }
0x24: {  	s4 =	smul.u32 $0x1A0, s3;
	s15 =	simm.s32 $0xB500;
	[smem:$0x7F3] =	sst s7  }
0x25: {  	s3 =	smul.u32 $0x1A00, s3;
	s16 =	simm.s32 $0xE780;
	[smem:$0x7F4] =	sst s15  }
0x26: {  	s8 =	sadd.s32 $0x27ADA00, s1;
	s17 =	simm.s32 $0xBD00;
	[smem:$0x7F5] =	sst s16  }
0x27: {  	s9 =	sadd.s32 $0x1600, s1;
	s18 =	simm.s32 $0xE800;
	[smem:$0x7F6] =	sst s17  }
0x28: {  	s22 =	sshrl.u32 s0, $0x1;
	s19 =	simm.s32 $0xC500;
	[smem:$0x7F7] =	sst s18  }
0x29: {  	s14 =	simm.s32 $0xD00;
	s20 =	simm.s32 $0xE880;
	[smem:$0x7F8] =	sst s19  }
0x2a: {  	s21 =	simm.s32 $0xCD00;
	s23 =	simm.s32 $0xD500;
	[smem:$0x7F9] =	sst s20  }
0x2b: {  	s24 =	simm.s32 $0xE980;
	s26 =	simm.s32 $0x780;
	[smem:$0x7FA] =	sst s21  }
0x2c: {  	s25 =	simm.s32 $0x800;
	s0 =	ssub.s32 s0, s22;
	[smem:$0x7FC] =	sst s23  }
0x2d: {  	s22 =	simm.s32 $0xE900;
	[smem:$0x7FD] =	sst s24;
	s23 =	simm.s32 $0x880  }
0x2e: {  	s24 =	simm.s32 $0x900;
	s21 =	simm.s32 $0xA00;
	s20 =	simm.s32 $0xA80  }
0x2f: {  	s19 =	simm.s32 $0xB00;
	s18 =	simm.s32 $0xB80;
	s4 =	sadd.s32 s4, s1  }
0x30: {  	s3 =	sadd.s32 s3, s1;
	s1 =	simm.s32 $0x9D00;
	[smem:$0x7FB] =	sst s22  }
0x31: {  	s17 =	simm.s32 $0xC00;
	s5 =	sadd.s32 $0x50C00, s4;
	[smem:$0x7EE] =	sst s1  }
0x32: {  	s16 =	simm.s32 $0xC80;
	s3 =	sadd.s32 $0x54000, s3;
	[dreg:$0x2] =	wrdreg s5  }
0x33: {  	s7 =	simm.s32 $0x1;
	s12 =	sadd.s32 $0x88000, s4;
	[dreg:$0x3] =	wrdreg s3  }
0x34: {  	s6 =	smax.u32 s0, $0x1;
	s4 =	simm.s32 $0xE080;
	[dreg:$0x4] =	wrdreg s12  }
0x35: {  	s0 =	simm.s32 $0x480;
	[dreg:$0x12] =	wrdreg s4;
	s5 =	simm.s32 $0x4D00  }
0x36: {  	p1 =	sne.s32 s6, $0x1;
	s12 =	simm.s32 $0xE280;
	[dreg:$0x13] =	wrdreg s5  }
.Ltmp0:
0x37: {  	s4 =	simm.s32 $0xE600;
	[dreg:$0x1a] =	wrdreg s12;
	(pc) =	sbr.rel @!p1 .LBB2_5-.Ltmp0, $4  }
0x38: {  	s22 =	simm.s32 $0x980;
	[smem:$0x7EF] =	sst s4;
	s5 =	simm.s32 $0xA500  }
0x39: {  	s1 =	simm.s32 $0x500;
	s12 =	simm.s32 $0xAD00;
	[smem:$0x7F0] =	sst s5  }
0x3a: {  	s3 =	simm.s32 $0x3;
	s4 =	simm.s32 $0x400;
	[smem:$0x7F2] =	sst s12  }
0x3b: {  	s5 =	sadd.s32 $0xFFFFFFFF, s6;
	s6 =	simm.s32 $0x2;
	s12 =	rddreg [dreg:$0x2]  }
0x3c: {  	[tilespmem:s2], [sflag:$0x3] =	stream.linear.gather [hbm4b:s12+s2], $0xD00, $0x38;
	[tilespmem:$0xEA00] =	vst v63  }
0x3d: {  	_ =	swait.ge [sflag:s3], $0xD00  }
0x3e: {  	[sflag:s3] =	ssyncset.done $0x0  }
0x3f: {  	[sflag:s3] =	ssyncadd.s32 $0xFFFFF300  }
0x40: {  	[tilespmem:s14], [sflag:$0x1] =	stream.indirect.gather [hbm4b:s8+s10], $0x10, s2, s10, $0xb8;
	[tilespmem:$0xEA00] =	vst v63  }
0x41: {  	s12 =	rddreg [dreg:$0x5]  }
0x42: {  	[tilespmem:s11], [sflag:$0x2] =	stream.indirect.gather [hbm4b:s9+s10], $0x1, s2, s10, $0xb8;
	[tilespmem:$0xEA00] =	vst v63  }
0x43: {  	s13 =	rddreg [dreg:$0x6]  }
0x44: {  	[tilespmem:s12], [sflag:$0x1] =	stream.indirect.gather [hbm4b:s8+s10], $0x10, s10, s10, $0xb8;
	[tilespmem:$0xEA00] =	vst v63  }
0x45: {  	s11 =	rddreg [dreg:$0x8]  }
0x46: {  	[tilespmem:s13], [sflag:$0x2] =	stream.indirect.gather [hbm4b:s9+s10], $0x1, s10, s10, $0xb8;
	[tilespmem:$0xEA00] =	vst v63  }
0x47: {  	s12 =	rddreg [dreg:$0x7];
	s13 =	simm.s32 $0x100  }
0x48: {  	[tilespmem:s12], [sflag:$0x1] =	stream.indirect.gather [hbm4b:s8+s10], $0x10, s13, s10, $0xb8;
	[tilespmem:$0xEA00] =	vst v63  }
0x49: {  	s12 =	rddreg [dreg:$0x9]  }
0x4a: {  	[tilespmem:s11], [sflag:$0x2] =	stream.indirect.gather [hbm4b:s9+s10], $0x1, s13, s10, $0xb8;
	[tilespmem:$0xEA00] =	vst v63  }
0x4b: {  	s11 =	rddreg [dreg:$0xa];
	s13 =	smov.u32 s5;
	s5 =	simm.s32 $0x180  }
0x4c: {  	[tilespmem:s12], [sflag:$0x1] =	stream.indirect.gather [hbm4b:s8+s10], $0x10, s5, s10, $0xb8;
	[tilespmem:$0xEA00] =	vst v63  }
0x4d: {  	s12 =	rddreg [dreg:$0xb]  }
0x4e: {  	[tilespmem:s11], [sflag:$0x2] =	stream.indirect.gather [hbm4b:s9+s10], $0x1, s5, s10, $0xb8;
	[tilespmem:$0xEA00] =	vst v63  }
0x4f: {  	s11 =	rddreg [dreg:$0xc];
	s5 =	simm.s32 $0x200  }
0x50: {  	[tilespmem:s12], [sflag:$0x1] =	stream.indirect.gather [hbm4b:s8+s10], $0x10, s5, s10, $0xb8;
	[tilespmem:$0xEA00] =	vst v63  }
0x51: {  	s12 =	rddreg [dreg:$0xd]  }
0x52: {  	[tilespmem:s11], [sflag:$0x2] =	stream.indirect.gather [hbm4b:s9+s10], $0x1, s5, s10, $0xb8;
	[tilespmem:$0xEA00] =	vst v63  }
0x53: {  	s11 =	rddreg [dreg:$0xe];
	s5 =	simm.s32 $0x280  }
0x54: {  	[tilespmem:s12], [sflag:$0x1] =	stream.indirect.gather [hbm4b:s8+s10], $0x10, s5, s10, $0xb8;
	[tilespmem:$0xEA00] =	vst v63  }
0x55: {  	s12 =	rddreg [dreg:$0xf]  }
0x56: {  	[tilespmem:s11], [sflag:$0x2] =	stream.indirect.gather [hbm4b:s9+s10], $0x1, s5, s10, $0xb8;
	[tilespmem:$0xEA00] =	vst v63  }
0x57: {  	s11 =	rddreg [dreg:$0x10];
	s5 =	simm.s32 $0x300  }
0x58: {  	[tilespmem:s12], [sflag:$0x1] =	stream.indirect.gather [hbm4b:s8+s10], $0x10, s5, s10, $0xb8;
	[tilespmem:$0xEA00] =	vst v63  }
0x59: {  	s12 =	rddreg [dreg:$0x11]  }
0x5a: {  	[tilespmem:s11], [sflag:$0x2] =	stream.indirect.gather [hbm4b:s9+s10], $0x1, s5, s10, $0xb8;
	[tilespmem:$0xEA00] =	vst v63  }
0x5b: {  	s11 =	rddreg [dreg:$0x12];
	s5 =	simm.s32 $0x380  }
0x5c: {  	[tilespmem:s12], [sflag:$0x1] =	stream.indirect.gather [hbm4b:s8+s10], $0x10, s5, s10, $0xb8;
	[tilespmem:$0xEA00] =	vst v63  }
0x5d: {  	s12 =	rddreg [dreg:$0x13]  }
0x5e: {  	[tilespmem:s11], [sflag:$0x2] =	stream.indirect.gather [hbm4b:s9+s10], $0x1, s5, s10, $0xb8;
	[tilespmem:$0xEA00] =	vst v63  }
0x5f: {  	s5 =	rddreg [dreg:$0x14]  }
0x60: {  	[tilespmem:s12], [sflag:$0x1] =	stream.indirect.gather [hbm4b:s8+s10], $0x10, s4, s10, $0xb8;
	[tilespmem:$0xEA00] =	vst v63  }
0x61: {  	s12 =	rddreg [dreg:$0x15]  }
0x62: {  	[tilespmem:s5], [sflag:$0x2] =	stream.indirect.gather [hbm4b:s9+s10], $0x1, s4, s10, $0xb8;
	[tilespmem:$0xEA00] =	vst v63  }
0x63: {  	s5 =	rddreg [dreg:$0x16]  }
0x64: {  	[tilespmem:s12], [sflag:$0x1] =	stream.indirect.gather [hbm4b:s8+s10], $0x10, s0, s10, $0xb8;
	[tilespmem:$0xEA00] =	vst v63  }
0x65: {  	s12 =	rddreg [dreg:$0x17]  }
0x66: {  	[tilespmem:s5], [sflag:$0x2] =	stream.indirect.gather [hbm4b:s9+s10], $0x1, s0, s10, $0xb8;
	[tilespmem:$0xEA00] =	vst v63  }
0x67: {  	s5 =	rddreg [dreg:$0x18]  }
0x68: {  	[tilespmem:s12], [sflag:$0x1] =	stream.indirect.gather [hbm4b:s8+s10], $0x10, s1, s10, $0xb8;
	[tilespmem:$0xEA00] =	vst v63  }
0x69: {  	s12 =	rddreg [dreg:$0x19]  }
0x6a: {  	[tilespmem:s5], [sflag:$0x2] =	stream.indirect.gather [hbm4b:s9+s10], $0x1, s1, s10, $0xb8;
	[tilespmem:$0xEA00] =	vst v63  }
0x6b: {  	s5 =	rddreg [dreg:$0x1a]  }
0x6c: {  	[tilespmem:s12], [sflag:$0x1] =	stream.indirect.gather [hbm4b:s8+s10], $0x10, s31, s10, $0xb8;
	[tilespmem:$0xEA00] =	vst v63  }
0x6d: {  	s12 =	rddreg [dreg:$0x1b]  }
0x6e: {  	[tilespmem:s5], [sflag:$0x2] =	stream.indirect.gather [hbm4b:s9+s10], $0x1, s31, s10, $0xb8;
	[tilespmem:$0xEA00] =	vst v63  }
0x6f: {  	s5 =	rddreg [dreg:$0x1c]  }
0x70: {  	[tilespmem:s12], [sflag:$0x1] =	stream.indirect.gather [hbm4b:s8+s10], $0x10, s30, s10, $0xb8;
	[tilespmem:$0xEA00] =	vst v63  }
0x71: {  	s12 =	rddreg [dreg:$0x1d]  }
0x72: {  	[tilespmem:s5], [sflag:$0x2] =	stream.indirect.gather [hbm4b:s9+s10], $0x1, s30, s10, $0xb8;
	[tilespmem:$0xEA00] =	vst v63  }
0x73: {  	s5 =	rddreg [dreg:$0x1e]  }
0x74: {  	[tilespmem:s12], [sflag:$0x1] =	stream.indirect.gather [hbm4b:s8+s10], $0x10, s29, s10, $0xb8;
	[tilespmem:$0xEA00] =	vst v63  }
0x75: {  	s12 =	rddreg [dreg:$0x1f]  }
0x76: {  	[tilespmem:s5], [sflag:$0x2] =	stream.indirect.gather [hbm4b:s9+s10], $0x1, s29, s10, $0xb8;
	[tilespmem:$0xEA00] =	vst v63  }
0x77: {  	s5 =	sld [smem:$0x7E7]  }
0x78: {  	[tilespmem:s12], [sflag:$0x1] =	stream.indirect.gather [hbm4b:s8+s10], $0x10, s28, s10, $0xb8;
	[tilespmem:$0xEA00] =	vst v63  }
0x79: {  	s12 =	sld [smem:$0x7E8]  }
0x7a: {  	[tilespmem:s5], [sflag:$0x2] =	stream.indirect.gather [hbm4b:s9+s10], $0x1, s28, s10, $0xb8;
	[tilespmem:$0xEA00] =	vst v63  }
0x7b: {  	s5 =	sld [smem:$0x7E9]  }
0x7c: {  	[tilespmem:s12], [sflag:$0x1] =	stream.indirect.gather [hbm4b:s8+s10], $0x10, s26, s10, $0xb8;
	[tilespmem:$0xEA00] =	vst v63  }
0x7d: {  	s12 =	sld [smem:$0x7EA]  }
0x7e: {  	[tilespmem:s5], [sflag:$0x2] =	stream.indirect.gather [hbm4b:s9+s10], $0x1, s26, s10, $0xb8;
	[tilespmem:$0xEA00] =	vst v63  }
0x7f: {  	s5 =	sld [smem:$0x7EB]  }
0x80: {  	[tilespmem:s12], [sflag:$0x1] =	stream.indirect.gather [hbm4b:s8+s10], $0x10, s25, s10, $0xb8;
	[tilespmem:$0xEA00] =	vst v63  }
0x81: {  	s12 =	sld [smem:$0x7EC]  }
0x82: {  	[tilespmem:s5], [sflag:$0x2] =	stream.indirect.gather [hbm4b:s9+s10], $0x1, s25, s10, $0xb8;
	[tilespmem:$0xEA00] =	vst v63  }
0x83: {  	s5 =	sld [smem:$0x7ED]  }
0x84: {  	[tilespmem:s12], [sflag:$0x1] =	stream.indirect.gather [hbm4b:s8+s10], $0x10, s23, s10, $0xb8;
	[tilespmem:$0xEA00] =	vst v63  }
0x85: {  	s12 =	sld [smem:$0x7EE]  }
0x86: {  	[tilespmem:s5], [sflag:$0x2] =	stream.indirect.gather [hbm4b:s9+s10], $0x1, s23, s10, $0xb8;
	[tilespmem:$0xEA00] =	vst v63  }
0x87: {  	s5 =	sld [smem:$0x7EF]  }
0x88: {  	[tilespmem:s12], [sflag:$0x1] =	stream.indirect.gather [hbm4b:s8+s10], $0x10, s24, s10, $0xb8;
	[tilespmem:$0xEA00] =	vst v63  }
0x89: {  	s12 =	sld [smem:$0x7F0]  }
0x8a: {  	[tilespmem:s5], [sflag:$0x2] =	stream.indirect.gather [hbm4b:s9+s10], $0x1, s24, s10, $0xb8;
	[tilespmem:$0xEA00] =	vst v63  }
0x8b: {  	s5 =	sld [smem:$0x7F1]  }
0x8c: {  	[tilespmem:s12], [sflag:$0x1] =	stream.indirect.gather [hbm4b:s8+s10], $0x10, s22, s10, $0xb8;
	[tilespmem:$0xEA00] =	vst v63  }
0x8d: {  	s12 =	sld [smem:$0x7F2]  }
0x8e: {  	[tilespmem:s5], [sflag:$0x2] =	stream.indirect.gather [hbm4b:s9+s10], $0x1, s22, s10, $0xb8;
	[tilespmem:$0xEA00] =	vst v63  }
0x8f: {  	s5 =	sld [smem:$0x7F3]  }
0x90: {  	[tilespmem:s12], [sflag:$0x1] =	stream.indirect.gather [hbm4b:s8+s10], $0x10, s21, s10, $0xb8;
	[tilespmem:$0xEA00] =	vst v63  }
0x91: {  	s12 =	sld [smem:$0x7F4]  }
0x92: {  	[tilespmem:s5], [sflag:$0x2] =	stream.indirect.gather [hbm4b:s9+s10], $0x1, s21, s10, $0xb8;
	[tilespmem:$0xEA00] =	vst v63  }
0x93: {  	s5 =	sld [smem:$0x7F5]  }
0x94: {  	[tilespmem:s12], [sflag:$0x1] =	stream.indirect.gather [hbm4b:s8+s10], $0x10, s20, s10, $0xb8;
	[tilespmem:$0xEA00] =	vst v63  }
0x95: {  	s12 =	sld [smem:$0x7F6]  }
0x96: {  	[tilespmem:s5], [sflag:$0x2] =	stream.indirect.gather [hbm4b:s9+s10], $0x1, s20, s10, $0xb8;
	[tilespmem:$0xEA00] =	vst v63  }
0x97: {  	s5 =	sld [smem:$0x7F7]  }
0x98: {  	[tilespmem:s12], [sflag:$0x1] =	stream.indirect.gather [hbm4b:s8+s10], $0x10, s19, s10, $0xb8;
	[tilespmem:$0xEA00] =	vst v63  }
0x99: {  	s12 =	sld [smem:$0x7F8]  }
0x9a: {  	[tilespmem:s5], [sflag:$0x2] =	stream.indirect.gather [hbm4b:s9+s10], $0x1, s19, s10, $0xb8;
	[tilespmem:$0xEA00] =	vst v63  }
0x9b: {  	s5 =	sld [smem:$0x7F9]  }
0x9c: {  	[tilespmem:s12], [sflag:$0x1] =	stream.indirect.gather [hbm4b:s8+s10], $0x10, s18, s10, $0xb8;
	[tilespmem:$0xEA00] =	vst v63  }
0x9d: {  	s12 =	sld [smem:$0x7FA]  }
0x9e: {  	[tilespmem:s5], [sflag:$0x2] =	stream.indirect.gather [hbm4b:s9+s10], $0x1, s18, s10, $0xb8;
	[tilespmem:$0xEA00] =	vst v63  }
0x9f: {  	s5 =	sld [smem:$0x7FB]  }
0xa0: {  	[tilespmem:s12], [sflag:$0x1] =	stream.indirect.gather [hbm4b:s8+s10], $0x10, s17, s10, $0xb8;
	[tilespmem:$0xEA00] =	vst v63  }
0xa1: {  	s12 =	sld [smem:$0x7FC]  }
0xa2: {  	[tilespmem:s5], [sflag:$0x2] =	stream.indirect.gather [hbm4b:s9+s10], $0x1, s17, s10, $0xb8;
	[tilespmem:$0xEA00] =	vst v63  }
0xa3: {  	s5 =	sld [smem:$0x7FD]  }
0xa4: {  	[tilespmem:s12], [sflag:$0x1] =	stream.indirect.gather [hbm4b:s8+s10], $0x10, s16, s10, $0xb8;
	[tilespmem:$0xEA00] =	vst v63  }
0xa5: {  	_ = 	snop  }
0xa6: {  	[tilespmem:s5], [sflag:$0x2] =	stream.indirect.gather [hbm4b:s9+s10], $0x1, s16, s10, $0xb8;
	[tilespmem:$0xEA00] =	vst v63  }
0xa7: {  	_ =	swait.ge [sflag:s7], $0x800  }
0xa8: {  	[sflag:s7] =	ssyncset.done $0x0  }
0xa9: {  	[sflag:s7] =	ssyncadd.s32 $0xFFFFF800  }
0xaa: {  	_ =	swait.ge [sflag:s6], $0x80  }
0xab: {  	[sflag:s6] =	ssyncset.done $0x0  }
0xac: {  	[sflag:s6] =	ssyncadd.s32 $0xFFFFFF80  }
0xad: {  	_ =	swait.ge [sflag:s7], $0x800  }
0xae: {  	[sflag:s7] =	ssyncset.done $0x0  }
0xaf: {  	[sflag:s7] =	ssyncadd.s32 $0xFFFFF800  }
0xb0: {  	_ =	swait.ge [sflag:s6], $0x80  }
0xb1: {  	[sflag:s6] =	ssyncset.done $0x0  }
0xb2: {  	[sflag:s6] =	ssyncadd.s32 $0xFFFFFF80  }
0xb3: {  	_ =	swait.ge [sflag:s7], $0x800  }
0xb4: {  	[sflag:s7] =	ssyncset.done $0x0  }
0xb5: {  	[sflag:s7] =	ssyncadd.s32 $0xFFFFF800  }
0xb6: {  	_ =	swait.ge [sflag:s6], $0x80  }
0xb7: {  	[sflag:s6] =	ssyncset.done $0x0  }
0xb8: {  	[sflag:s6] =	ssyncadd.s32 $0xFFFFFF80  }
0xb9: {  	_ =	swait.ge [sflag:s7], $0x800  }
0xba: {  	[sflag:s7] =	ssyncset.done $0x0  }
0xbb: {  	[sflag:s7] =	ssyncadd.s32 $0xFFFFF800  }
0xbc: {  	_ =	swait.ge [sflag:s6], $0x80  }
0xbd: {  	[sflag:s6] =	ssyncset.done $0x0  }
0xbe: {  	[sflag:s6] =	ssyncadd.s32 $0xFFFFFF80  }
0xbf: {  	_ =	swait.ge [sflag:s7], $0x800  }
0xc0: {  	[sflag:s7] =	ssyncset.done $0x0  }
0xc1: {  	[sflag:s7] =	ssyncadd.s32 $0xFFFFF800  }
0xc2: {  	_ =	swait.ge [sflag:s6], $0x80  }
0xc3: {  	[sflag:s6] =	ssyncset.done $0x0  }
0xc4: {  	[sflag:s6] =	ssyncadd.s32 $0xFFFFFF80  }
0xc5: {  	_ =	swait.ge [sflag:s7], $0x800  }
0xc6: {  	[sflag:s7] =	ssyncset.done $0x0  }
0xc7: {  	[sflag:s7] =	ssyncadd.s32 $0xFFFFF800  }
0xc8: {  	_ =	swait.ge [sflag:s6], $0x80  }
0xc9: {  	[sflag:s6] =	ssyncset.done $0x0  }
0xca: {  	[sflag:s6] =	ssyncadd.s32 $0xFFFFFF80  }
0xcb: {  	_ =	swait.ge [sflag:s7], $0x800  }
0xcc: {  	[sflag:s7] =	ssyncset.done $0x0  }
0xcd: {  	[sflag:s7] =	ssyncadd.s32 $0xFFFFF800  }
0xce: {  	_ =	swait.ge [sflag:s6], $0x80  }
0xcf: {  	[sflag:s6] =	ssyncset.done $0x0  }
0xd0: {  	[sflag:s6] =	ssyncadd.s32 $0xFFFFFF80  }
0xd1: {  	_ =	swait.ge [sflag:s7], $0x800  }
0xd2: {  	[sflag:s7] =	ssyncset.done $0x0  }
0xd3: {  	[sflag:s7] =	ssyncadd.s32 $0xFFFFF800  }
0xd4: {  	_ =	swait.ge [sflag:s6], $0x80  }
0xd5: {  	[sflag:s6] =	ssyncset.done $0x0  }
0xd6: {  	[sflag:s6] =	ssyncadd.s32 $0xFFFFFF80  }
0xd7: {  	_ =	swait.ge [sflag:s7], $0x800  }
0xd8: {  	[sflag:s7] =	ssyncset.done $0x0  }
0xd9: {  	[sflag:s7] =	ssyncadd.s32 $0xFFFFF800  }
0xda: {  	_ =	swait.ge [sflag:s6], $0x80  }
0xdb: {  	[sflag:s6] =	ssyncset.done $0x0  }
0xdc: {  	[sflag:s6] =	ssyncadd.s32 $0xFFFFFF80  }
0xdd: {  	_ =	swait.ge [sflag:s7], $0x800  }
0xde: {  	[sflag:s7] =	ssyncset.done $0x0  }
0xdf: {  	[sflag:s7] =	ssyncadd.s32 $0xFFFFF800  }
0xe0: {  	_ =	swait.ge [sflag:s6], $0x80  }
0xe1: {  	[sflag:s6] =	ssyncset.done $0x0  }
0xe2: {  	[sflag:s6] =	ssyncadd.s32 $0xFFFFFF80  }
0xe3: {  	_ =	swait.ge [sflag:s7], $0x800  }
0xe4: {  	[sflag:s7] =	ssyncset.done $0x0  }
0xe5: {  	[sflag:s7] =	ssyncadd.s32 $0xFFFFF800  }
0xe6: {  	_ =	swait.ge [sflag:s6], $0x80  }
0xe7: {  	[sflag:s6] =	ssyncset.done $0x0  }
0xe8: {  	[sflag:s6] =	ssyncadd.s32 $0xFFFFFF80  }
0xe9: {  	_ =	swait.ge [sflag:s7], $0x800  }
0xea: {  	[sflag:s7] =	ssyncset.done $0x0  }
0xeb: {  	[sflag:s7] =	ssyncadd.s32 $0xFFFFF800  }
0xec: {  	_ =	swait.ge [sflag:s6], $0x80  }
0xed: {  	[sflag:s6] =	ssyncset.done $0x0  }
0xee: {  	[sflag:s6] =	ssyncadd.s32 $0xFFFFFF80  }
0xef: {  	_ =	swait.ge [sflag:s7], $0x800  }
0xf0: {  	[sflag:s7] =	ssyncset.done $0x0  }
0xf1: {  	[sflag:s7] =	ssyncadd.s32 $0xFFFFF800  }
0xf2: {  	_ =	swait.ge [sflag:s6], $0x80  }
0xf3: {  	[sflag:s6] =	ssyncset.done $0x0  }
0xf4: {  	[sflag:s6] =	ssyncadd.s32 $0xFFFFFF80  }
0xf5: {  	_ =	swait.ge [sflag:s7], $0x800  }
0xf6: {  	[sflag:s7] =	ssyncset.done $0x0  }
0xf7: {  	[sflag:s7] =	ssyncadd.s32 $0xFFFFF800  }
0xf8: {  	_ =	swait.ge [sflag:s6], $0x80  }
0xf9: {  	[sflag:s6] =	ssyncset.done $0x0  }
0xfa: {  	[sflag:s6] =	ssyncadd.s32 $0xFFFFFF80  }
0xfb: {  	_ =	swait.ge [sflag:s7], $0x800  }
0xfc: {  	[sflag:s7] =	ssyncset.done $0x0  }
0xfd: {  	[sflag:s7] =	ssyncadd.s32 $0xFFFFF800  }
0xfe: {  	_ =	swait.ge [sflag:s6], $0x80  }
0xff: {  	[sflag:s6] =	ssyncset.done $0x0  }
0x100: {  	[sflag:s6] =	ssyncadd.s32 $0xFFFFFF80  }
0x101: {  	_ =	swait.ge [sflag:s7], $0x800  }
0x102: {  	[sflag:s7] =	ssyncset.done $0x0  }
0x103: {  	[sflag:s7] =	ssyncadd.s32 $0xFFFFF800  }
0x104: {  	_ =	swait.ge [sflag:s6], $0x80  }
0x105: {  	[sflag:s6] =	ssyncset.done $0x0  }
0x106: {  	[sflag:s6] =	ssyncadd.s32 $0xFFFFFF80  }
0x107: {  	_ =	swait.ge [sflag:s7], $0x800  }
0x108: {  	[sflag:s7] =	ssyncset.done $0x0  }
0x109: {  	[sflag:s7] =	ssyncadd.s32 $0xFFFFF800  }
0x10a: {  	_ =	swait.ge [sflag:s6], $0x80  }
0x10b: {  	[sflag:s6] =	ssyncset.done $0x0  }
0x10c: {  	[sflag:s6] =	ssyncadd.s32 $0xFFFFFF80  }
0x10d: {  	_ =	swait.ge [sflag:s7], $0x800  }
0x10e: {  	[sflag:s7] =	ssyncset.done $0x0  }
0x10f: {  	[sflag:s7] =	ssyncadd.s32 $0xFFFFF800  }
0x110: {  	_ =	swait.ge [sflag:s6], $0x80  }
0x111: {  	[sflag:s6] =	ssyncset.done $0x0  }
0x112: {  	[sflag:s6] =	ssyncadd.s32 $0xFFFFFF80  }
0x113: {  	_ =	swait.ge [sflag:s7], $0x800  }
0x114: {  	[sflag:s7] =	ssyncset.done $0x0  }
0x115: {  	[sflag:s7] =	ssyncadd.s32 $0xFFFFF800  }
0x116: {  	_ =	swait.ge [sflag:s6], $0x80  }
0x117: {  	[sflag:s6] =	ssyncset.done $0x0  }
0x118: {  	[sflag:s6] =	ssyncadd.s32 $0xFFFFFF80  }
0x119: {  	_ =	swait.ge [sflag:s7], $0x800  }
0x11a: {  	[sflag:s7] =	ssyncset.done $0x0  }
0x11b: {  	[sflag:s7] =	ssyncadd.s32 $0xFFFFF800  }
0x11c: {  	_ =	swait.ge [sflag:s6], $0x80  }
0x11d: {  	[sflag:s6] =	ssyncset.done $0x0  }
0x11e: {  	[sflag:s6] =	ssyncadd.s32 $0xFFFFFF80  }
0x11f: {  	_ =	swait.ge [sflag:s7], $0x800  }
0x120: {  	[sflag:s7] =	ssyncset.done $0x0  }
0x121: {  	[sflag:s7] =	ssyncadd.s32 $0xFFFFF800  }
0x122: {  	_ =	swait.ge [sflag:s6], $0x80  }
0x123: {  	[sflag:s6] =	ssyncset.done $0x0  }
0x124: {  	[sflag:s6] =	ssyncadd.s32 $0xFFFFFF80  }
0x125: {  	_ =	swait.ge [sflag:s7], $0x800  }
0x126: {  	[sflag:s7] =	ssyncset.done $0x0  }
0x127: {  	[sflag:s7] =	ssyncadd.s32 $0xFFFFF800  }
0x128: {  	_ =	swait.ge [sflag:s6], $0x80  }
0x129: {  	[sflag:s6] =	ssyncset.done $0x0  }
0x12a: {  	[sflag:s6] =	ssyncadd.s32 $0xFFFFFF80  }
0x12b: {  	_ =	swait.ge [sflag:s7], $0x800  }
0x12c: {  	[sflag:s7] =	ssyncset.done $0x0  }
0x12d: {  	[sflag:s7] =	ssyncadd.s32 $0xFFFFF800  }
0x12e: {  	_ =	swait.ge [sflag:s6], $0x80  }
0x12f: {  	[sflag:s6] =	ssyncset.done $0x0  }
0x130: {  	[sflag:s6] =	ssyncadd.s32 $0xFFFFFF80  }
0x131: {  	_ =	swait.ge [sflag:s7], $0x800  }
0x132: {  	[sflag:s7] =	ssyncset.done $0x0  }
0x133: {  	[sflag:s7] =	ssyncadd.s32 $0xFFFFF800  }
0x134: {  	_ =	swait.ge [sflag:s6], $0x80  }
0x135: {  	[sflag:s6] =	ssyncset.done $0x0  }
0x136: {  	[sflag:s6] =	ssyncadd.s32 $0xFFFFFF80  }
0x137: {  	_ =	swait.ge [sflag:s7], $0x800  }
0x138: {  	[sflag:s7] =	ssyncset.done $0x0  }
0x139: {  	[sflag:s7] =	ssyncadd.s32 $0xFFFFF800  }
0x13a: {  	_ =	swait.ge [sflag:s6], $0x80  }
0x13b: {  	[sflag:s6] =	ssyncset.done $0x0  }
0x13c: {  	[sflag:s6] =	ssyncadd.s32 $0xFFFFFF80  }
0x13d: {  	_ =	swait.ge [sflag:s7], $0x800  }
0x13e: {  	[sflag:s7] =	ssyncset.done $0x0  }
0x13f: {  	[sflag:s7] =	ssyncadd.s32 $0xFFFFF800  }
0x140: {  	_ =	swait.ge [sflag:s6], $0x80  }
0x141: {  	[sflag:s6] =	ssyncset.done $0x0  }
0x142: {  	s15 =	simm.s32 $0xD00;
	s5 =	rddreg [dreg:$0x3];
	[sflag:s6] =	ssyncadd.s32 $0xFFFFFF80  }
0x143: {  	[hbm4b:s5+s2] =	stream.linear.scatter [tilespmem:s15], [sflag:$0x3], $0xD000, $0x38;
	[tilespmem:$0xEA00] =	vst v63  }
0x144: {  	p1 =	sne.s32 s13, $0x1;
	_ =	swait.ge [sflag:s3], $0xD000  }
.Ltmp1:
0x145: {  	[sflag:s3] =	ssyncset.done $0x0;
	(pc) =	sbr.rel @!p1 .LBB2_2-.Ltmp1, $4  }
0x146: {  	s14 =	simm.s32 $0xDD00;
	s12 =	rddreg [dreg:$0x4];
	[sflag:s3] =	ssyncadd.s32 $0xFFFF3000  }
0x147: {  	[hbm4b:s12+s2] =	stream.linear.scatter [tilespmem:s14], [sflag:$0x3], $0xD00, $0x38;
	[tilespmem:$0xEA00] =	vst v63  }
0x148: {  	p0 =	por $0x1, $0x1;
	_ =	swait.ge [sflag:s3], $0xD00  }
0x149: {  	s11 =	sadd.s32 $0xFFFFFFFF, s13;
	s12 =	rddreg [dreg:$0x2];
	[sflag:s3] =	ssyncset.done $0x0  }
.LBB2_3:
0x14a: {  	[sflag:s3] =	ssyncadd.s32 $0xFFFFF300  }
0x14b: {  	[tilespmem:s2], [sflag:$0x3] =	stream.linear.gather [hbm4b:s12+s2], $0xD00, $0x38;
	[tilespmem:$0xEA00] =	vst v63  }
0x14c: {  	_ =	swait.ge [sflag:s3], $0xD00  }
0x14d: {  	[sflag:s3] =	ssyncset.done $0x0  }
0x14e: {  	[sflag:s3] =	ssyncadd.s32 $0xFFFFF300  }
0x14f: {  	[tilespmem:s15], [sflag:$0x1] =	stream.indirect.gather [hbm4b:s8+s10], $0x10, s2, s10, $0xb8;
	[tilespmem:$0xEA00] =	vst v63  }
0x150: {  	s5 =	rddreg [dreg:$0x5]  }
0x151: {  	[tilespmem:s14], [sflag:$0x2] =	stream.indirect.gather [hbm4b:s9+s10], $0x1, s2, s10, $0xb8;
	[tilespmem:$0xEA00] =	vst v63  }
0x152: {  	s13 =	rddreg [dreg:$0x6]  }
0x153: {  	[tilespmem:s5], [sflag:$0x1] =	stream.indirect.gather [hbm4b:s8+s10], $0x10, s10, s10, $0xb8;
	[tilespmem:$0xEA00] =	vst v63  }
0x154: {  	s12 =	rddreg [dreg:$0x7]  }
0x155: {  	[tilespmem:s13], [sflag:$0x2] =	stream.indirect.gather [hbm4b:s9+s10], $0x1, s10, s10, $0xb8;
	[tilespmem:$0xEA00] =	vst v63  }
0x156: {  	s5 =	simm.s32 $0x100;
	s13 =	rddreg [dreg:$0x8]  }
0x157: {  	[tilespmem:s12], [sflag:$0x1] =	stream.indirect.gather [hbm4b:s8+s10], $0x10, s5, s10, $0xb8;
	[tilespmem:$0xEA00] =	vst v63  }
0x158: {  	s12 =	rddreg [dreg:$0x9]  }
0x159: {  	[tilespmem:s13], [sflag:$0x2] =	stream.indirect.gather [hbm4b:s9+s10], $0x1, s5, s10, $0xb8;
	[tilespmem:$0xEA00] =	vst v63  }
0x15a: {  	s13 =	rddreg [dreg:$0xa];
	s5 =	simm.s32 $0x180  }
0x15b: {  	[tilespmem:s12], [sflag:$0x1] =	stream.indirect.gather [hbm4b:s8+s10], $0x10, s5, s10, $0xb8;
	[tilespmem:$0xEA00] =	vst v63  }
0x15c: {  	s12 =	rddreg [dreg:$0xb]  }
0x15d: {  	[tilespmem:s13], [sflag:$0x2] =	stream.indirect.gather [hbm4b:s9+s10], $0x1, s5, s10, $0xb8;
	[tilespmem:$0xEA00] =	vst v63  }
0x15e: {  	s13 =	rddreg [dreg:$0xc];
	s5 =	simm.s32 $0x200  }
0x15f: {  	[tilespmem:s12], [sflag:$0x1] =	stream.indirect.gather [hbm4b:s8+s10], $0x10, s5, s10, $0xb8;
	[tilespmem:$0xEA00] =	vst v63  }
0x160: {  	s12 =	rddreg [dreg:$0xd]  }
0x161: {  	[tilespmem:s13], [sflag:$0x2] =	stream.indirect.gather [hbm4b:s9+s10], $0x1, s5, s10, $0xb8;
	[tilespmem:$0xEA00] =	vst v63  }
0x162: {  	s13 =	rddreg [dreg:$0xe];
	s5 =	simm.s32 $0x280  }
0x163: {  	[tilespmem:s12], [sflag:$0x1] =	stream.indirect.gather [hbm4b:s8+s10], $0x10, s5, s10, $0xb8;
	[tilespmem:$0xEA00] =	vst v63  }
0x164: {  	s12 =	rddreg [dreg:$0xf]  }
0x165: {  	[tilespmem:s13], [sflag:$0x2] =	stream.indirect.gather [hbm4b:s9+s10], $0x1, s5, s10, $0xb8;
	[tilespmem:$0xEA00] =	vst v63  }
0x166: {  	s13 =	rddreg [dreg:$0x10];
	s5 =	simm.s32 $0x300  }
0x167: {  	[tilespmem:s12], [sflag:$0x1] =	stream.indirect.gather [hbm4b:s8+s10], $0x10, s5, s10, $0xb8;
	[tilespmem:$0xEA00] =	vst v63  }
0x168: {  	s12 =	rddreg [dreg:$0x11]  }
0x169: {  	[tilespmem:s13], [sflag:$0x2] =	stream.indirect.gather [hbm4b:s9+s10], $0x1, s5, s10, $0xb8;
	[tilespmem:$0xEA00] =	vst v63  }
0x16a: {  	s13 =	rddreg [dreg:$0x12];
	s5 =	simm.s32 $0x380  }
0x16b: {  	[tilespmem:s12], [sflag:$0x1] =	stream.indirect.gather [hbm4b:s8+s10], $0x10, s5, s10, $0xb8;
	[tilespmem:$0xEA00] =	vst v63  }
0x16c: {  	s12 =	rddreg [dreg:$0x13]  }
0x16d: {  	[tilespmem:s13], [sflag:$0x2] =	stream.indirect.gather [hbm4b:s9+s10], $0x1, s5, s10, $0xb8;
	[tilespmem:$0xEA00] =	vst v63  }
0x16e: {  	s5 =	rddreg [dreg:$0x14]  }
0x16f: {  	[tilespmem:s12], [sflag:$0x1] =	stream.indirect.gather [hbm4b:s8+s10], $0x10, s4, s10, $0xb8;
	[tilespmem:$0xEA00] =	vst v63  }
0x170: {  	s12 =	rddreg [dreg:$0x15]  }
0x171: {  	[tilespmem:s5], [sflag:$0x2] =	stream.indirect.gather [hbm4b:s9+s10], $0x1, s4, s10, $0xb8;
	[tilespmem:$0xEA00] =	vst v63  }
0x172: {  	s5 =	rddreg [dreg:$0x16]  }
0x173: {  	[tilespmem:s12], [sflag:$0x1] =	stream.indirect.gather [hbm4b:s8+s10], $0x10, s0, s10, $0xb8;
	[tilespmem:$0xEA00] =	vst v63  }
0x174: {  	s12 =	rddreg [dreg:$0x17]  }
0x175: {  	[tilespmem:s5], [sflag:$0x2] =	stream.indirect.gather [hbm4b:s9+s10], $0x1, s0, s10, $0xb8;
	[tilespmem:$0xEA00] =	vst v63  }
0x176: {  	s5 =	rddreg [dreg:$0x18]  }
0x177: {  	[tilespmem:s12], [sflag:$0x1] =	stream.indirect.gather [hbm4b:s8+s10], $0x10, s1, s10, $0xb8;
	[tilespmem:$0xEA00] =	vst v63  }
0x178: {  	s12 =	rddreg [dreg:$0x19]  }
0x179: {  	[tilespmem:s5], [sflag:$0x2] =	stream.indirect.gather [hbm4b:s9+s10], $0x1, s1, s10, $0xb8;
	[tilespmem:$0xEA00] =	vst v63  }
0x17a: {  	s5 =	rddreg [dreg:$0x1a]  }
0x17b: {  	[tilespmem:s12], [sflag:$0x1] =	stream.indirect.gather [hbm4b:s8+s10], $0x10, s31, s10, $0xb8;
	[tilespmem:$0xEA00] =	vst v63  }
0x17c: {  	s12 =	rddreg [dreg:$0x1b]  }
0x17d: {  	[tilespmem:s5], [sflag:$0x2] =	stream.indirect.gather [hbm4b:s9+s10], $0x1, s31, s10, $0xb8;
	[tilespmem:$0xEA00] =	vst v63  }
0x17e: {  	s5 =	rddreg [dreg:$0x1c]  }
0x17f: {  	[tilespmem:s12], [sflag:$0x1] =	stream.indirect.gather [hbm4b:s8+s10], $0x10, s30, s10, $0xb8;
	[tilespmem:$0xEA00] =	vst v63  }
0x180: {  	s12 =	rddreg [dreg:$0x1d]  }
0x181: {  	[tilespmem:s5], [sflag:$0x2] =	stream.indirect.gather [hbm4b:s9+s10], $0x1, s30, s10, $0xb8;
	[tilespmem:$0xEA00] =	vst v63  }
0x182: {  	s5 =	rddreg [dreg:$0x1e]  }
0x183: {  	[tilespmem:s12], [sflag:$0x1] =	stream.indirect.gather [hbm4b:s8+s10], $0x10, s29, s10, $0xb8;
	[tilespmem:$0xEA00] =	vst v63  }
0x184: {  	s12 =	rddreg [dreg:$0x1f]  }
0x185: {  	[tilespmem:s5], [sflag:$0x2] =	stream.indirect.gather [hbm4b:s9+s10], $0x1, s29, s10, $0xb8;
	[tilespmem:$0xEA00] =	vst v63  }
0x186: {  	s5 =	sld [smem:$0x7E7]  }
0x187: {  	[tilespmem:s12], [sflag:$0x1] =	stream.indirect.gather [hbm4b:s8+s10], $0x10, s28, s10, $0xb8;
	[tilespmem:$0xEA00] =	vst v63  }
0x188: {  	s12 =	sld [smem:$0x7E8]  }
0x189: {  	[tilespmem:s5], [sflag:$0x2] =	stream.indirect.gather [hbm4b:s9+s10], $0x1, s28, s10, $0xb8;
	[tilespmem:$0xEA00] =	vst v63  }
0x18a: {  	s5 =	sld [smem:$0x7E9]  }
0x18b: {  	[tilespmem:s12], [sflag:$0x1] =	stream.indirect.gather [hbm4b:s8+s10], $0x10, s26, s10, $0xb8;
	[tilespmem:$0xEA00] =	vst v63  }
0x18c: {  	s12 =	sld [smem:$0x7EA]  }
0x18d: {  	[tilespmem:s5], [sflag:$0x2] =	stream.indirect.gather [hbm4b:s9+s10], $0x1, s26, s10, $0xb8;
	[tilespmem:$0xEA00] =	vst v63  }
0x18e: {  	s5 =	sld [smem:$0x7EB]  }
0x18f: {  	[tilespmem:s12], [sflag:$0x1] =	stream.indirect.gather [hbm4b:s8+s10], $0x10, s25, s10, $0xb8;
	[tilespmem:$0xEA00] =	vst v63  }
0x190: {  	s12 =	sld [smem:$0x7EC]  }
0x191: {  	[tilespmem:s5], [sflag:$0x2] =	stream.indirect.gather [hbm4b:s9+s10], $0x1, s25, s10, $0xb8;
	[tilespmem:$0xEA00] =	vst v63  }
0x192: {  	s5 =	sld [smem:$0x7ED]  }
0x193: {  	[tilespmem:s12], [sflag:$0x1] =	stream.indirect.gather [hbm4b:s8+s10], $0x10, s23, s10, $0xb8;
	[tilespmem:$0xEA00] =	vst v63  }
0x194: {  	s12 =	sld [smem:$0x7EE]  }
0x195: {  	[tilespmem:s5], [sflag:$0x2] =	stream.indirect.gather [hbm4b:s9+s10], $0x1, s23, s10, $0xb8;
	[tilespmem:$0xEA00] =	vst v63  }
0x196: {  	s5 =	sld [smem:$0x7EF]  }
0x197: {  	[tilespmem:s12], [sflag:$0x1] =	stream.indirect.gather [hbm4b:s8+s10], $0x10, s24, s10, $0xb8;
	[tilespmem:$0xEA00] =	vst v63  }
0x198: {  	s12 =	sld [smem:$0x7F0]  }
0x199: {  	[tilespmem:s5], [sflag:$0x2] =	stream.indirect.gather [hbm4b:s9+s10], $0x1, s24, s10, $0xb8;
	[tilespmem:$0xEA00] =	vst v63  }
0x19a: {  	s5 =	sld [smem:$0x7F1]  }
0x19b: {  	[tilespmem:s12], [sflag:$0x1] =	stream.indirect.gather [hbm4b:s8+s10], $0x10, s22, s10, $0xb8;
	[tilespmem:$0xEA00] =	vst v63  }
0x19c: {  	s12 =	sld [smem:$0x7F2]  }
0x19d: {  	[tilespmem:s5], [sflag:$0x2] =	stream.indirect.gather [hbm4b:s9+s10], $0x1, s22, s10, $0xb8;
	[tilespmem:$0xEA00] =	vst v63  }
0x19e: {  	s5 =	sld [smem:$0x7F3]  }
0x19f: {  	[tilespmem:s12], [sflag:$0x1] =	stream.indirect.gather [hbm4b:s8+s10], $0x10, s21, s10, $0xb8;
	[tilespmem:$0xEA00] =	vst v63  }
0x1a0: {  	s12 =	sld [smem:$0x7F4]  }
0x1a1: {  	[tilespmem:s5], [sflag:$0x2] =	stream.indirect.gather [hbm4b:s9+s10], $0x1, s21, s10, $0xb8;
	[tilespmem:$0xEA00] =	vst v63  }
0x1a2: {  	s5 =	sld [smem:$0x7F5]  }
0x1a3: {  	[tilespmem:s12], [sflag:$0x1] =	stream.indirect.gather [hbm4b:s8+s10], $0x10, s20, s10, $0xb8;
	[tilespmem:$0xEA00] =	vst v63  }
0x1a4: {  	s12 =	sld [smem:$0x7F6]  }
0x1a5: {  	[tilespmem:s5], [sflag:$0x2] =	stream.indirect.gather [hbm4b:s9+s10], $0x1, s20, s10, $0xb8;
	[tilespmem:$0xEA00] =	vst v63  }
0x1a6: {  	s5 =	sld [smem:$0x7F7]  }
0x1a7: {  	[tilespmem:s12], [sflag:$0x1] =	stream.indirect.gather [hbm4b:s8+s10], $0x10, s19, s10, $0xb8;
	[tilespmem:$0xEA00] =	vst v63  }
0x1a8: {  	s12 =	sld [smem:$0x7F8]  }
0x1a9: {  	[tilespmem:s5], [sflag:$0x2] =	stream.indirect.gather [hbm4b:s9+s10], $0x1, s19, s10, $0xb8;
	[tilespmem:$0xEA00] =	vst v63  }
0x1aa: {  	s5 =	sld [smem:$0x7F9]  }
0x1ab: {  	[tilespmem:s12], [sflag:$0x1] =	stream.indirect.gather [hbm4b:s8+s10], $0x10, s18, s10, $0xb8;
	[tilespmem:$0xEA00] =	vst v63  }
0x1ac: {  	s12 =	sld [smem:$0x7FA]  }
0x1ad: {  	[tilespmem:s5], [sflag:$0x2] =	stream.indirect.gather [hbm4b:s9+s10], $0x1, s18, s10, $0xb8;
	[tilespmem:$0xEA00] =	vst v63  }
0x1ae: {  	s5 =	sld [smem:$0x7FB]  }
0x1af: {  	[tilespmem:s12], [sflag:$0x1] =	stream.indirect.gather [hbm4b:s8+s10], $0x10, s17, s10, $0xb8;
	[tilespmem:$0xEA00] =	vst v63  }
0x1b0: {  	s12 =	sld [smem:$0x7FC]  }
0x1b1: {  	[tilespmem:s5], [sflag:$0x2] =	stream.indirect.gather [hbm4b:s9+s10], $0x1, s17, s10, $0xb8;
	[tilespmem:$0xEA00] =	vst v63  }
0x1b2: {  	s5 =	sld [smem:$0x7FD]  }
0x1b3: {  	[tilespmem:s12], [sflag:$0x1] =	stream.indirect.gather [hbm4b:s8+s10], $0x10, s16, s10, $0xb8;
	[tilespmem:$0xEA00] =	vst v63  }
0x1b4: {  	_ = 	snop  }
0x1b5: {  	[tilespmem:s5], [sflag:$0x2] =	stream.indirect.gather [hbm4b:s9+s10], $0x1, s16, s10, $0xb8;
	[tilespmem:$0xEA00] =	vst v63  }
0x1b6: {  	_ =	swait.ge [sflag:s7], $0x800  }
0x1b7: {  	[sflag:s7] =	ssyncset.done $0x0  }
0x1b8: {  	[sflag:s7] =	ssyncadd.s32 $0xFFFFF800  }
0x1b9: {  	_ =	swait.ge [sflag:s6], $0x80  }
0x1ba: {  	[sflag:s6] =	ssyncset.done $0x0  }
0x1bb: {  	[sflag:s6] =	ssyncadd.s32 $0xFFFFFF80  }
0x1bc: {  	_ =	swait.ge [sflag:s7], $0x800  }
0x1bd: {  	[sflag:s7] =	ssyncset.done $0x0  }
0x1be: {  	[sflag:s7] =	ssyncadd.s32 $0xFFFFF800  }
0x1bf: {  	_ =	swait.ge [sflag:s6], $0x80  }
0x1c0: {  	[sflag:s6] =	ssyncset.done $0x0  }
0x1c1: {  	[sflag:s6] =	ssyncadd.s32 $0xFFFFFF80  }
0x1c2: {  	_ =	swait.ge [sflag:s7], $0x800  }
0x1c3: {  	[sflag:s7] =	ssyncset.done $0x0  }
0x1c4: {  	[sflag:s7] =	ssyncadd.s32 $0xFFFFF800  }
0x1c5: {  	_ =	swait.ge [sflag:s6], $0x80  }
0x1c6: {  	[sflag:s6] =	ssyncset.done $0x0  }
0x1c7: {  	[sflag:s6] =	ssyncadd.s32 $0xFFFFFF80  }
0x1c8: {  	_ =	swait.ge [sflag:s7], $0x800  }
0x1c9: {  	[sflag:s7] =	ssyncset.done $0x0  }
0x1ca: {  	[sflag:s7] =	ssyncadd.s32 $0xFFFFF800  }
0x1cb: {  	_ =	swait.ge [sflag:s6], $0x80  }
0x1cc: {  	[sflag:s6] =	ssyncset.done $0x0  }
0x1cd: {  	[sflag:s6] =	ssyncadd.s32 $0xFFFFFF80  }
0x1ce: {  	_ =	swait.ge [sflag:s7], $0x800  }
0x1cf: {  	[sflag:s7] =	ssyncset.done $0x0  }
0x1d0: {  	[sflag:s7] =	ssyncadd.s32 $0xFFFFF800  }
0x1d1: {  	_ =	swait.ge [sflag:s6], $0x80  }
0x1d2: {  	[sflag:s6] =	ssyncset.done $0x0  }
0x1d3: {  	[sflag:s6] =	ssyncadd.s32 $0xFFFFFF80  }
0x1d4: {  	_ =	swait.ge [sflag:s7], $0x800  }
0x1d5: {  	[sflag:s7] =	ssyncset.done $0x0  }
0x1d6: {  	[sflag:s7] =	ssyncadd.s32 $0xFFFFF800  }
0x1d7: {  	_ =	swait.ge [sflag:s6], $0x80  }
0x1d8: {  	[sflag:s6] =	ssyncset.done $0x0  }
0x1d9: {  	[sflag:s6] =	ssyncadd.s32 $0xFFFFFF80  }
0x1da: {  	_ =	swait.ge [sflag:s7], $0x800  }
0x1db: {  	[sflag:s7] =	ssyncset.done $0x0  }
0x1dc: {  	[sflag:s7] =	ssyncadd.s32 $0xFFFFF800  }
0x1dd: {  	_ =	swait.ge [sflag:s6], $0x80  }
0x1de: {  	[sflag:s6] =	ssyncset.done $0x0  }
0x1df: {  	[sflag:s6] =	ssyncadd.s32 $0xFFFFFF80  }
0x1e0: {  	_ =	swait.ge [sflag:s7], $0x800  }
0x1e1: {  	[sflag:s7] =	ssyncset.done $0x0  }
0x1e2: {  	[sflag:s7] =	ssyncadd.s32 $0xFFFFF800  }
0x1e3: {  	_ =	swait.ge [sflag:s6], $0x80  }
0x1e4: {  	[sflag:s6] =	ssyncset.done $0x0  }
0x1e5: {  	[sflag:s6] =	ssyncadd.s32 $0xFFFFFF80  }
0x1e6: {  	_ =	swait.ge [sflag:s7], $0x800  }
0x1e7: {  	[sflag:s7] =	ssyncset.done $0x0  }
0x1e8: {  	[sflag:s7] =	ssyncadd.s32 $0xFFFFF800  }
0x1e9: {  	_ =	swait.ge [sflag:s6], $0x80  }
0x1ea: {  	[sflag:s6] =	ssyncset.done $0x0  }
0x1eb: {  	[sflag:s6] =	ssyncadd.s32 $0xFFFFFF80  }
0x1ec: {  	_ =	swait.ge [sflag:s7], $0x800  }
0x1ed: {  	[sflag:s7] =	ssyncset.done $0x0  }
0x1ee: {  	[sflag:s7] =	ssyncadd.s32 $0xFFFFF800  }
0x1ef: {  	_ =	swait.ge [sflag:s6], $0x80  }
0x1f0: {  	[sflag:s6] =	ssyncset.done $0x0  }
0x1f1: {  	[sflag:s6] =	ssyncadd.s32 $0xFFFFFF80  }
0x1f2: {  	_ =	swait.ge [sflag:s7], $0x800  }
0x1f3: {  	[sflag:s7] =	ssyncset.done $0x0  }
0x1f4: {  	[sflag:s7] =	ssyncadd.s32 $0xFFFFF800  }
0x1f5: {  	_ =	swait.ge [sflag:s6], $0x80  }
0x1f6: {  	[sflag:s6] =	ssyncset.done $0x0  }
0x1f7: {  	[sflag:s6] =	ssyncadd.s32 $0xFFFFFF80  }
0x1f8: {  	_ =	swait.ge [sflag:s7], $0x800  }
0x1f9: {  	[sflag:s7] =	ssyncset.done $0x0  }
0x1fa: {  	[sflag:s7] =	ssyncadd.s32 $0xFFFFF800  }
0x1fb: {  	_ =	swait.ge [sflag:s6], $0x80  }
0x1fc: {  	[sflag:s6] =	ssyncset.done $0x0  }
0x1fd: {  	[sflag:s6] =	ssyncadd.s32 $0xFFFFFF80  }
0x1fe: {  	_ =	swait.ge [sflag:s7], $0x800  }
0x1ff: {  	[sflag:s7] =	ssyncset.done $0x0  }
0x200: {  	[sflag:s7] =	ssyncadd.s32 $0xFFFFF800  }
0x201: {  	_ =	swait.ge [sflag:s6], $0x80  }
0x202: {  	[sflag:s6] =	ssyncset.done $0x0  }
0x203: {  	[sflag:s6] =	ssyncadd.s32 $0xFFFFFF80  }
0x204: {  	_ =	swait.ge [sflag:s7], $0x800  }
0x205: {  	[sflag:s7] =	ssyncset.done $0x0  }
0x206: {  	[sflag:s7] =	ssyncadd.s32 $0xFFFFF800  }
0x207: {  	_ =	swait.ge [sflag:s6], $0x80  }
0x208: {  	[sflag:s6] =	ssyncset.done $0x0  }
0x209: {  	[sflag:s6] =	ssyncadd.s32 $0xFFFFFF80  }
0x20a: {  	_ =	swait.ge [sflag:s7], $0x800  }
0x20b: {  	[sflag:s7] =	ssyncset.done $0x0  }
0x20c: {  	[sflag:s7] =	ssyncadd.s32 $0xFFFFF800  }
0x20d: {  	_ =	swait.ge [sflag:s6], $0x80  }
0x20e: {  	[sflag:s6] =	ssyncset.done $0x0  }
0x20f: {  	[sflag:s6] =	ssyncadd.s32 $0xFFFFFF80  }
0x210: {  	_ =	swait.ge [sflag:s7], $0x800  }
0x211: {  	[sflag:s7] =	ssyncset.done $0x0  }
0x212: {  	[sflag:s7] =	ssyncadd.s32 $0xFFFFF800  }
0x213: {  	_ =	swait.ge [sflag:s6], $0x80  }
0x214: {  	[sflag:s6] =	ssyncset.done $0x0  }
0x215: {  	[sflag:s6] =	ssyncadd.s32 $0xFFFFFF80  }
0x216: {  	_ =	swait.ge [sflag:s7], $0x800  }
0x217: {  	[sflag:s7] =	ssyncset.done $0x0  }
0x218: {  	[sflag:s7] =	ssyncadd.s32 $0xFFFFF800  }
0x219: {  	_ =	swait.ge [sflag:s6], $0x80  }
0x21a: {  	[sflag:s6] =	ssyncset.done $0x0  }
0x21b: {  	[sflag:s6] =	ssyncadd.s32 $0xFFFFFF80  }
0x21c: {  	_ =	swait.ge [sflag:s7], $0x800  }
0x21d: {  	[sflag:s7] =	ssyncset.done $0x0  }
0x21e: {  	[sflag:s7] =	ssyncadd.s32 $0xFFFFF800  }
0x21f: {  	_ =	swait.ge [sflag:s6], $0x80  }
0x220: {  	[sflag:s6] =	ssyncset.done $0x0  }
0x221: {  	[sflag:s6] =	ssyncadd.s32 $0xFFFFFF80  }
0x222: {  	_ =	swait.ge [sflag:s7], $0x800  }
0x223: {  	[sflag:s7] =	ssyncset.done $0x0  }
0x224: {  	[sflag:s7] =	ssyncadd.s32 $0xFFFFF800  }
0x225: {  	_ =	swait.ge [sflag:s6], $0x80  }
0x226: {  	[sflag:s6] =	ssyncset.done $0x0  }
0x227: {  	[sflag:s6] =	ssyncadd.s32 $0xFFFFFF80  }
0x228: {  	_ =	swait.ge [sflag:s7], $0x800  }
0x229: {  	[sflag:s7] =	ssyncset.done $0x0  }
0x22a: {  	[sflag:s7] =	ssyncadd.s32 $0xFFFFF800  }
0x22b: {  	_ =	swait.ge [sflag:s6], $0x80  }
0x22c: {  	[sflag:s6] =	ssyncset.done $0x0  }
0x22d: {  	[sflag:s6] =	ssyncadd.s32 $0xFFFFFF80  }
0x22e: {  	_ =	swait.ge [sflag:s7], $0x800  }
0x22f: {  	[sflag:s7] =	ssyncset.done $0x0  }
0x230: {  	[sflag:s7] =	ssyncadd.s32 $0xFFFFF800  }
0x231: {  	_ =	swait.ge [sflag:s6], $0x80  }
0x232: {  	[sflag:s6] =	ssyncset.done $0x0  }
0x233: {  	[sflag:s6] =	ssyncadd.s32 $0xFFFFFF80  }
0x234: {  	_ =	swait.ge [sflag:s7], $0x800  }
0x235: {  	[sflag:s7] =	ssyncset.done $0x0  }
0x236: {  	[sflag:s7] =	ssyncadd.s32 $0xFFFFF800  }
0x237: {  	_ =	swait.ge [sflag:s6], $0x80  }
0x238: {  	[sflag:s6] =	ssyncset.done $0x0  }
0x239: {  	[sflag:s6] =	ssyncadd.s32 $0xFFFFFF80  }
0x23a: {  	_ =	swait.ge [sflag:s7], $0x800  }
0x23b: {  	[sflag:s7] =	ssyncset.done $0x0  }
0x23c: {  	[sflag:s7] =	ssyncadd.s32 $0xFFFFF800  }
0x23d: {  	_ =	swait.ge [sflag:s6], $0x80  }
0x23e: {  	[sflag:s6] =	ssyncset.done $0x0  }
0x23f: {  	[sflag:s6] =	ssyncadd.s32 $0xFFFFFF80  }
0x240: {  	_ =	swait.ge [sflag:s7], $0x800  }
0x241: {  	[sflag:s7] =	ssyncset.done $0x0  }
0x242: {  	[sflag:s7] =	ssyncadd.s32 $0xFFFFF800  }
0x243: {  	_ =	swait.ge [sflag:s6], $0x80  }
0x244: {  	[sflag:s6] =	ssyncset.done $0x0  }
0x245: {  	[sflag:s6] =	ssyncadd.s32 $0xFFFFFF80  }
0x246: {  	_ =	swait.ge [sflag:s7], $0x800  }
0x247: {  	[sflag:s7] =	ssyncset.done $0x0  }
0x248: {  	[sflag:s7] =	ssyncadd.s32 $0xFFFFF800  }
0x249: {  	_ =	swait.ge [sflag:s6], $0x80  }
0x24a: {  	[sflag:s6] =	ssyncset.done $0x0  }
0x24b: {  	[sflag:s6] =	ssyncadd.s32 $0xFFFFFF80  }
0x24c: {  	_ =	swait.ge [sflag:s7], $0x800  }
0x24d: {  	[sflag:s7] =	ssyncset.done $0x0  }
0x24e: {  	[sflag:s7] =	ssyncadd.s32 $0xFFFFF800  }
0x24f: {  	_ =	swait.ge [sflag:s6], $0x80  }
0x250: {  	[sflag:s6] =	ssyncset.done $0x0  }
0x251: {  	s5 =	rddreg [dreg:$0x3];
	[sflag:s6] =	ssyncadd.s32 $0xFFFFFF80  }
0x252: {  	[hbm4b:s5+s2] =	stream.linear.scatter [tilespmem:s15], [sflag:$0x3], $0xD000, $0x38;
	[tilespmem:$0xEA00] =	vst v63  }
0x253: {  	p1 =	sne.s32 s11, $0x1;
	_ =	swait.ge [sflag:s3], $0xD000  }
.Ltmp2:
0x254: {  	[sflag:s3] =	ssyncset.done $0x0;
	(pc) =	sbr.rel @p1 .LBB2_3-.Ltmp2, $4  }
0x255: {  	s13 =	rddreg [dreg:$0x4];
	[sflag:s3] =	ssyncadd.s32 $0xFFFF3000  }
0x256: {  	[hbm4b:s13+s2] =	stream.linear.scatter [tilespmem:s14], [sflag:$0x3], $0xD00, $0x38;
	[tilespmem:$0xEA00] =	vst v63  }
0x257: {  	_ =	swait.ge [sflag:s3], $0xD00  }
0x258: {  	s11 =	sadd.s32 $0xFFFFFFFF, s11;
	s12 =	rddreg [dreg:$0x2];
	[sflag:s3] =	ssyncset.done $0x0  }
0x259: {  	s13 =	stileid.u32;
	s14 =	simm.s32 $0xD00  }
.LBB2_5:
0x25a: {  	[sflag:s3] =	ssyncadd.s32 @p0 $0xFFFFF300  }
0x25b: {  	[tilespmem:s2], [sflag:$0x3] =	stream.linear.gather [hbm4b:s12+s2], $0xD00, $0x38;
	[tilespmem:$0xEA00] =	vst v63  }
0x25c: {  	_ =	swait.ge [sflag:s3], $0xD00  }
0x25d: {  	[sflag:s3] =	ssyncset.done $0x0  }
0x25e: {  	[sflag:s3] =	ssyncadd.s32 $0xFFFFF300  }
0x25f: {  	[tilespmem:s14], [sflag:$0x1] =	stream.indirect.gather [hbm4b:s8+s10], $0x10, s2, s10, $0xb8;
	[tilespmem:$0xEA00] =	vst v63  }
0x260: {  	s11 =	rddreg [dreg:$0x5];
	s14 =	simm.s32 $0xDD00  }
0x261: {  	[tilespmem:s14], [sflag:$0x2] =	stream.indirect.gather [hbm4b:s9+s10], $0x1, s2, s10, $0xb8;
	[tilespmem:$0xEA00] =	vst v63  }
0x262: {  	s5 =	rddreg [dreg:$0x6]  }
0x263: {  	[tilespmem:s11], [sflag:$0x1] =	stream.indirect.gather [hbm4b:s8+s10], $0x10, s10, s10, $0xb8;
	[tilespmem:$0xEA00] =	vst v63  }
0x264: {  	s16 =	rddreg [dreg:$0x7]  }
0x265: {  	[tilespmem:s5], [sflag:$0x2] =	stream.indirect.gather [hbm4b:s9+s10], $0x1, s10, s10, $0xb8;
	[tilespmem:$0xEA00] =	vst v63  }
0x266: {  	s0 =	simm.s32 $0x100;
	s17 =	rddreg [dreg:$0x8]  }
0x267: {  	[tilespmem:s16], [sflag:$0x1] =	stream.indirect.gather [hbm4b:s8+s10], $0x10, s0, s10, $0xb8;
	[tilespmem:$0xEA00] =	vst v63  }
0x268: {  	s18 =	rddreg [dreg:$0x9]  }
0x269: {  	[tilespmem:s17], [sflag:$0x2] =	stream.indirect.gather [hbm4b:s9+s10], $0x1, s0, s10, $0xb8;
	[tilespmem:$0xEA00] =	vst v63  }
0x26a: {  	s19 =	simm.s32 $0x180;
	s20 =	rddreg [dreg:$0xb]  }
0x26b: {  	[tilespmem:s18], [sflag:$0x1] =	stream.indirect.gather [hbm4b:s8+s10], $0x10, s19, s10, $0xb8;
	[tilespmem:$0xEA00] =	vst v63  }
0x26c: {  	s5 =	rddreg [dreg:$0xa]  }
0x26d: {  	[tilespmem:s5], [sflag:$0x2] =	stream.indirect.gather [hbm4b:s9+s10], $0x1, s19, s10, $0xb8;
	[tilespmem:$0xEA00] =	vst v63  }
0x26e: {  	s21 =	simm.s32 $0x200;
	s4 =	rddreg [dreg:$0xc]  }
0x26f: {  	[tilespmem:s20], [sflag:$0x1] =	stream.indirect.gather [hbm4b:s8+s10], $0x10, s21, s10, $0xb8;
	[tilespmem:$0xEA00] =	vst v63  }
0x270: {  	s22 =	rddreg [dreg:$0xd]  }
0x271: {  	[tilespmem:s4], [sflag:$0x2] =	stream.indirect.gather [hbm4b:s9+s10], $0x1, s21, s10, $0xb8;
	[tilespmem:$0xEA00] =	vst v63  }
0x272: {  	s1 =	simm.s32 $0x280;
	s23 =	rddreg [dreg:$0xe]  }
0x273: {  	[tilespmem:s22], [sflag:$0x1] =	stream.indirect.gather [hbm4b:s8+s10], $0x10, s1, s10, $0xb8;
	[tilespmem:$0xEA00] =	vst v63  }
0x274: {  	s24 =	rddreg [dreg:$0xf]  }
0x275: {  	[tilespmem:s23], [sflag:$0x2] =	stream.indirect.gather [hbm4b:s9+s10], $0x1, s1, s10, $0xb8;
	[tilespmem:$0xEA00] =	vst v63  }
0x276: {  	s26 =	simm.s32 $0x300;
	s25 =	rddreg [dreg:$0x10]  }
0x277: {  	[tilespmem:s24], [sflag:$0x1] =	stream.indirect.gather [hbm4b:s8+s10], $0x10, s26, s10, $0xb8;
	[tilespmem:$0xEA00] =	vst v63  }
0x278: {  	s28 =	rddreg [dreg:$0x11]  }
0x279: {  	[tilespmem:s25], [sflag:$0x2] =	stream.indirect.gather [hbm4b:s9+s10], $0x1, s26, s10, $0xb8;
	[tilespmem:$0xEA00] =	vst v63  }
0x27a: {  	s30 =	simm.s32 $0x380;
	s29 =	rddreg [dreg:$0x12]  }
0x27b: {  	[tilespmem:s28], [sflag:$0x1] =	stream.indirect.gather [hbm4b:s8+s10], $0x10, s30, s10, $0xb8;
	[tilespmem:$0xEA00] =	vst v63  }
0x27c: {  	s31 =	rddreg [dreg:$0x13]  }
0x27d: {  	[tilespmem:s29], [sflag:$0x2] =	stream.indirect.gather [hbm4b:s9+s10], $0x1, s30, s10, $0xb8;
	[tilespmem:$0xEA00] =	vst v63  }
0x27e: {  	s12 =	rddreg [dreg:$0x15];
	s11 =	simm.s32 $0x400  }
0x27f: {  	[tilespmem:s31], [sflag:$0x1] =	stream.indirect.gather [hbm4b:s8+s10], $0x10, s11, s10, $0xb8;
	[tilespmem:$0xEA00] =	vst v63  }
0x280: {  	s5 =	rddreg [dreg:$0x14]  }
0x281: {  	[tilespmem:s5], [sflag:$0x2] =	stream.indirect.gather [hbm4b:s9+s10], $0x1, s11, s10, $0xb8;
	[tilespmem:$0xEA00] =	vst v63  }
0x282: {  	s16 =	rddreg [dreg:$0x16];
	s17 =	simm.s32 $0x480  }
0x283: {  	[tilespmem:s12], [sflag:$0x1] =	stream.indirect.gather [hbm4b:s8+s10], $0x10, s17, s10, $0xb8;
	[tilespmem:$0xEA00] =	vst v63  }
0x284: {  	s18 =	rddreg [dreg:$0x17]  }
0x285: {  	[tilespmem:s16], [sflag:$0x2] =	stream.indirect.gather [hbm4b:s9+s10], $0x1, s17, s10, $0xb8;
	[tilespmem:$0xEA00] =	vst v63  }
0x286: {  	s19 =	rddreg [dreg:$0x18];
	s20 =	simm.s32 $0x500  }
0x287: {  	[tilespmem:s18], [sflag:$0x1] =	stream.indirect.gather [hbm4b:s8+s10], $0x10, s20, s10, $0xb8;
	[tilespmem:$0xEA00] =	vst v63  }
0x288: {  	s21 =	rddreg [dreg:$0x19]  }
0x289: {  	[tilespmem:s19], [sflag:$0x2] =	stream.indirect.gather [hbm4b:s9+s10], $0x1, s20, s10, $0xb8;
	[tilespmem:$0xEA00] =	vst v63  }
0x28a: {  	s22 =	rddreg [dreg:$0x1a];
	s23 =	simm.s32 $0x580  }
0x28b: {  	[tilespmem:s21], [sflag:$0x1] =	stream.indirect.gather [hbm4b:s8+s10], $0x10, s23, s10, $0xb8;
	[tilespmem:$0xEA00] =	vst v63  }
0x28c: {  	s24 =	rddreg [dreg:$0x1b]  }
0x28d: {  	[tilespmem:s22], [sflag:$0x2] =	stream.indirect.gather [hbm4b:s9+s10], $0x1, s23, s10, $0xb8;
	[tilespmem:$0xEA00] =	vst v63  }
0x28e: {  	s25 =	rddreg [dreg:$0x1c];
	s26 =	simm.s32 $0x600  }
0x28f: {  	[tilespmem:s24], [sflag:$0x1] =	stream.indirect.gather [hbm4b:s8+s10], $0x10, s26, s10, $0xb8;
	[tilespmem:$0xEA00] =	vst v63  }
0x290: {  	s28 =	rddreg [dreg:$0x1d]  }
0x291: {  	[tilespmem:s25], [sflag:$0x2] =	stream.indirect.gather [hbm4b:s9+s10], $0x1, s26, s10, $0xb8;
	[tilespmem:$0xEA00] =	vst v63  }
0x292: {  	s29 =	rddreg [dreg:$0x1e];
	s30 =	simm.s32 $0x680  }
0x293: {  	[tilespmem:s28], [sflag:$0x1] =	stream.indirect.gather [hbm4b:s8+s10], $0x10, s30, s10, $0xb8;
	[tilespmem:$0xEA00] =	vst v63  }
0x294: {  	s31 =	rddreg [dreg:$0x1f]  }
0x295: {  	[tilespmem:s29], [sflag:$0x2] =	stream.indirect.gather [hbm4b:s9+s10], $0x1, s30, s10, $0xb8;
	[tilespmem:$0xEA00] =	vst v63  }
0x296: {  	s5 =	sld [smem:$0x7E7];
	s11 =	simm.s32 $0x700  }
0x297: {  	[tilespmem:s31], [sflag:$0x1] =	stream.indirect.gather [hbm4b:s8+s10], $0x10, s11, s10, $0xb8;
	[tilespmem:$0xEA00] =	vst v63  }
0x298: {  	s12 =	sld [smem:$0x7E8]  }
0x299: {  	[tilespmem:s5], [sflag:$0x2] =	stream.indirect.gather [hbm4b:s9+s10], $0x1, s11, s10, $0xb8;
	[tilespmem:$0xEA00] =	vst v63  }
0x29a: {  	s16 =	sld [smem:$0x7E9];
	s17 =	simm.s32 $0x780  }
0x29b: {  	[tilespmem:s12], [sflag:$0x1] =	stream.indirect.gather [hbm4b:s8+s10], $0x10, s17, s10, $0xb8;
	[tilespmem:$0xEA00] =	vst v63  }
0x29c: {  	s18 =	sld [smem:$0x7EA]  }
0x29d: {  	[tilespmem:s16], [sflag:$0x2] =	stream.indirect.gather [hbm4b:s9+s10], $0x1, s17, s10, $0xb8;
	[tilespmem:$0xEA00] =	vst v63  }
0x29e: {  	s19 =	sld [smem:$0x7EB];
	s20 =	simm.s32 $0x800  }
0x29f: {  	[tilespmem:s18], [sflag:$0x1] =	stream.indirect.gather [hbm4b:s8+s10], $0x10, s20, s10, $0xb8;
	[tilespmem:$0xEA00] =	vst v63  }
0x2a0: {  	s21 =	sld [smem:$0x7EC]  }
0x2a1: {  	[tilespmem:s19], [sflag:$0x2] =	stream.indirect.gather [hbm4b:s9+s10], $0x1, s20, s10, $0xb8;
	[tilespmem:$0xEA00] =	vst v63  }
0x2a2: {  	s22 =	sld [smem:$0x7ED];
	s23 =	simm.s32 $0x880  }
0x2a3: {  	[tilespmem:s21], [sflag:$0x1] =	stream.indirect.gather [hbm4b:s8+s10], $0x10, s23, s10, $0xb8;
	[tilespmem:$0xEA00] =	vst v63  }
0x2a4: {  	s24 =	sld [smem:$0x7EE]  }
0x2a5: {  	[tilespmem:s22], [sflag:$0x2] =	stream.indirect.gather [hbm4b:s9+s10], $0x1, s23, s10, $0xb8;
	[tilespmem:$0xEA00] =	vst v63  }
0x2a6: {  	s25 =	sld [smem:$0x7EF];
	s26 =	simm.s32 $0x900  }
0x2a7: {  	[tilespmem:s24], [sflag:$0x1] =	stream.indirect.gather [hbm4b:s8+s10], $0x10, s26, s10, $0xb8;
	[tilespmem:$0xEA00] =	vst v63  }
0x2a8: {  	s28 =	sld [smem:$0x7F0]  }
0x2a9: {  	[tilespmem:s25], [sflag:$0x2] =	stream.indirect.gather [hbm4b:s9+s10], $0x1, s26, s10, $0xb8;
	[tilespmem:$0xEA00] =	vst v63  }
0x2aa: {  	s29 =	sld [smem:$0x7F1];
	s30 =	simm.s32 $0x980  }
0x2ab: {  	[tilespmem:s28], [sflag:$0x1] =	stream.indirect.gather [hbm4b:s8+s10], $0x10, s30, s10, $0xb8;
	[tilespmem:$0xEA00] =	vst v63  }
0x2ac: {  	s31 =	sld [smem:$0x7F2]  }
0x2ad: {  	[tilespmem:s29], [sflag:$0x2] =	stream.indirect.gather [hbm4b:s9+s10], $0x1, s30, s10, $0xb8;
	[tilespmem:$0xEA00] =	vst v63  }
0x2ae: {  	s4 =	sld [smem:$0x7F3];
	s5 =	simm.s32 $0xA00  }
0x2af: {  	[tilespmem:s31], [sflag:$0x1] =	stream.indirect.gather [hbm4b:s8+s10], $0x10, s5, s10, $0xb8;
	[tilespmem:$0xEA00] =	vst v63  }
0x2b0: {  	s11 =	sld [smem:$0x7F4]  }
0x2b1: {  	[tilespmem:s4], [sflag:$0x2] =	stream.indirect.gather [hbm4b:s9+s10], $0x1, s5, s10, $0xb8;
	[tilespmem:$0xEA00] =	vst v63  }
0x2b2: {  	s12 =	sld [smem:$0x7F5];
	s16 =	simm.s32 $0xA80  }
0x2b3: {  	[tilespmem:s11], [sflag:$0x1] =	stream.indirect.gather [hbm4b:s8+s10], $0x10, s16, s10, $0xb8;
	[tilespmem:$0xEA00] =	vst v63  }
0x2b4: {  	s17 =	sld [smem:$0x7F6]  }
0x2b5: {  	[tilespmem:s12], [sflag:$0x2] =	stream.indirect.gather [hbm4b:s9+s10], $0x1, s16, s10, $0xb8;
	[tilespmem:$0xEA00] =	vst v63  }
0x2b6: {  	s18 =	sld [smem:$0x7F7];
	s19 =	simm.s32 $0xB00  }
0x2b7: {  	[tilespmem:s17], [sflag:$0x1] =	stream.indirect.gather [hbm4b:s8+s10], $0x10, s19, s10, $0xb8;
	[tilespmem:$0xEA00] =	vst v63  }
0x2b8: {  	s20 =	sld [smem:$0x7F8]  }
0x2b9: {  	[tilespmem:s18], [sflag:$0x2] =	stream.indirect.gather [hbm4b:s9+s10], $0x1, s19, s10, $0xb8;
	[tilespmem:$0xEA00] =	vst v63  }
0x2ba: {  	s21 =	sld [smem:$0x7F9];
	s22 =	simm.s32 $0xB80  }
0x2bb: {  	[tilespmem:s20], [sflag:$0x1] =	stream.indirect.gather [hbm4b:s8+s10], $0x10, s22, s10, $0xb8;
	[tilespmem:$0xEA00] =	vst v63  }
0x2bc: {  	s23 =	sld [smem:$0x7FA]  }
0x2bd: {  	[tilespmem:s21], [sflag:$0x2] =	stream.indirect.gather [hbm4b:s9+s10], $0x1, s22, s10, $0xb8;
	[tilespmem:$0xEA00] =	vst v63  }
0x2be: {  	s24 =	sld [smem:$0x7FB];
	s25 =	simm.s32 $0xC00  }
0x2bf: {  	[tilespmem:s23], [sflag:$0x1] =	stream.indirect.gather [hbm4b:s8+s10], $0x10, s25, s10, $0xb8;
	[tilespmem:$0xEA00] =	vst v63  }
0x2c0: {  	s26 =	sld [smem:$0x7FC]  }
0x2c1: {  	[tilespmem:s24], [sflag:$0x2] =	stream.indirect.gather [hbm4b:s9+s10], $0x1, s25, s10, $0xb8;
	[tilespmem:$0xEA00] =	vst v63  }
0x2c2: {  	s28 =	sld [smem:$0x7FD];
	s29 =	simm.s32 $0xC80  }
0x2c3: {  	[tilespmem:s26], [sflag:$0x1] =	stream.indirect.gather [hbm4b:s8+s10], $0x10, s29, s10, $0xb8;
	[tilespmem:$0xEA00] =	vst v63  }
0x2c4: {  	_ = 	snop  }
0x2c5: {  	[tilespmem:s28], [sflag:$0x2] =	stream.indirect.gather [hbm4b:s9+s10], $0x1, s29, s10, $0xb8;
	[tilespmem:$0xEA00] =	vst v63  }
0x2c6: {  	_ =	swait.ge [sflag:s7], $0x800  }
0x2c7: {  	[sflag:s7] =	ssyncset.done $0x0  }
0x2c8: {  	[sflag:s7] =	ssyncadd.s32 $0xFFFFF800  }
0x2c9: {  	_ =	swait.ge [sflag:s6], $0x80  }
0x2ca: {  	[sflag:s6] =	ssyncset.done $0x0  }
0x2cb: {  	[sflag:s6] =	ssyncadd.s32 $0xFFFFFF80  }
0x2cc: {  	_ =	swait.ge [sflag:s7], $0x800  }
0x2cd: {  	[sflag:s7] =	ssyncset.done $0x0  }
0x2ce: {  	[sflag:s7] =	ssyncadd.s32 $0xFFFFF800  }
0x2cf: {  	_ =	swait.ge [sflag:s6], $0x80  }
0x2d0: {  	[sflag:s6] =	ssyncset.done $0x0  }
0x2d1: {  	[sflag:s6] =	ssyncadd.s32 $0xFFFFFF80  }
0x2d2: {  	_ =	swait.ge [sflag:s7], $0x800  }
0x2d3: {  	[sflag:s7] =	ssyncset.done $0x0  }
0x2d4: {  	[sflag:s7] =	ssyncadd.s32 $0xFFFFF800  }
0x2d5: {  	_ =	swait.ge [sflag:s6], $0x80  }
0x2d6: {  	[sflag:s6] =	ssyncset.done $0x0  }
0x2d7: {  	[sflag:s6] =	ssyncadd.s32 $0xFFFFFF80  }
0x2d8: {  	_ =	swait.ge [sflag:s7], $0x800  }
0x2d9: {  	[sflag:s7] =	ssyncset.done $0x0  }
0x2da: {  	[sflag:s7] =	ssyncadd.s32 $0xFFFFF800  }
0x2db: {  	_ =	swait.ge [sflag:s6], $0x80  }
0x2dc: {  	[sflag:s6] =	ssyncset.done $0x0  }
0x2dd: {  	[sflag:s6] =	ssyncadd.s32 $0xFFFFFF80  }
0x2de: {  	_ =	swait.ge [sflag:s7], $0x800  }
0x2df: {  	[sflag:s7] =	ssyncset.done $0x0  }
0x2e0: {  	[sflag:s7] =	ssyncadd.s32 $0xFFFFF800  }
0x2e1: {  	_ =	swait.ge [sflag:s6], $0x80  }
0x2e2: {  	[sflag:s6] =	ssyncset.done $0x0  }
0x2e3: {  	[sflag:s6] =	ssyncadd.s32 $0xFFFFFF80  }
0x2e4: {  	_ =	swait.ge [sflag:s7], $0x800  }
0x2e5: {  	[sflag:s7] =	ssyncset.done $0x0  }
0x2e6: {  	[sflag:s7] =	ssyncadd.s32 $0xFFFFF800  }
0x2e7: {  	_ =	swait.ge [sflag:s6], $0x80  }
0x2e8: {  	[sflag:s6] =	ssyncset.done $0x0  }
0x2e9: {  	[sflag:s6] =	ssyncadd.s32 $0xFFFFFF80  }
0x2ea: {  	_ =	swait.ge [sflag:s7], $0x800  }
0x2eb: {  	[sflag:s7] =	ssyncset.done $0x0  }
0x2ec: {  	[sflag:s7] =	ssyncadd.s32 $0xFFFFF800  }
0x2ed: {  	_ =	swait.ge [sflag:s6], $0x80  }
0x2ee: {  	[sflag:s6] =	ssyncset.done $0x0  }
0x2ef: {  	[sflag:s6] =	ssyncadd.s32 $0xFFFFFF80  }
0x2f0: {  	_ =	swait.ge [sflag:s7], $0x800  }
0x2f1: {  	[sflag:s7] =	ssyncset.done $0x0  }
0x2f2: {  	[sflag:s7] =	ssyncadd.s32 $0xFFFFF800  }
0x2f3: {  	_ =	swait.ge [sflag:s6], $0x80  }
0x2f4: {  	[sflag:s6] =	ssyncset.done $0x0  }
0x2f5: {  	[sflag:s6] =	ssyncadd.s32 $0xFFFFFF80  }
0x2f6: {  	_ =	swait.ge [sflag:s7], $0x800  }
0x2f7: {  	[sflag:s7] =	ssyncset.done $0x0  }
0x2f8: {  	[sflag:s7] =	ssyncadd.s32 $0xFFFFF800  }
0x2f9: {  	_ =	swait.ge [sflag:s6], $0x80  }
0x2fa: {  	[sflag:s6] =	ssyncset.done $0x0  }
0x2fb: {  	[sflag:s6] =	ssyncadd.s32 $0xFFFFFF80  }
0x2fc: {  	_ =	swait.ge [sflag:s7], $0x800  }
0x2fd: {  	[sflag:s7] =	ssyncset.done $0x0  }
0x2fe: {  	[sflag:s7] =	ssyncadd.s32 $0xFFFFF800  }
0x2ff: {  	_ =	swait.ge [sflag:s6], $0x80  }
0x300: {  	[sflag:s6] =	ssyncset.done $0x0  }
0x301: {  	[sflag:s6] =	ssyncadd.s32 $0xFFFFFF80  }
0x302: {  	_ =	swait.ge [sflag:s7], $0x800  }
0x303: {  	[sflag:s7] =	ssyncset.done $0x0  }
0x304: {  	[sflag:s7] =	ssyncadd.s32 $0xFFFFF800  }
0x305: {  	_ =	swait.ge [sflag:s6], $0x80  }
0x306: {  	[sflag:s6] =	ssyncset.done $0x0  }
0x307: {  	[sflag:s6] =	ssyncadd.s32 $0xFFFFFF80  }
0x308: {  	_ =	swait.ge [sflag:s7], $0x800  }
0x309: {  	[sflag:s7] =	ssyncset.done $0x0  }
0x30a: {  	[sflag:s7] =	ssyncadd.s32 $0xFFFFF800  }
0x30b: {  	_ =	swait.ge [sflag:s6], $0x80  }
0x30c: {  	[sflag:s6] =	ssyncset.done $0x0  }
0x30d: {  	[sflag:s6] =	ssyncadd.s32 $0xFFFFFF80  }
0x30e: {  	_ =	swait.ge [sflag:s7], $0x800  }
0x30f: {  	[sflag:s7] =	ssyncset.done $0x0  }
0x310: {  	[sflag:s7] =	ssyncadd.s32 $0xFFFFF800  }
0x311: {  	_ =	swait.ge [sflag:s6], $0x80  }
0x312: {  	[sflag:s6] =	ssyncset.done $0x0  }
0x313: {  	[sflag:s6] =	ssyncadd.s32 $0xFFFFFF80  }
0x314: {  	_ =	swait.ge [sflag:s7], $0x800  }
0x315: {  	[sflag:s7] =	ssyncset.done $0x0  }
0x316: {  	[sflag:s7] =	ssyncadd.s32 $0xFFFFF800  }
0x317: {  	_ =	swait.ge [sflag:s6], $0x80  }
0x318: {  	[sflag:s6] =	ssyncset.done $0x0  }
0x319: {  	[sflag:s6] =	ssyncadd.s32 $0xFFFFFF80  }
0x31a: {  	_ =	swait.ge [sflag:s7], $0x800  }
0x31b: {  	[sflag:s7] =	ssyncset.done $0x0  }
0x31c: {  	[sflag:s7] =	ssyncadd.s32 $0xFFFFF800  }
0x31d: {  	_ =	swait.ge [sflag:s6], $0x80  }
0x31e: {  	[sflag:s6] =	ssyncset.done $0x0  }
0x31f: {  	[sflag:s6] =	ssyncadd.s32 $0xFFFFFF80  }
0x320: {  	_ =	swait.ge [sflag:s7], $0x800  }
0x321: {  	[sflag:s7] =	ssyncset.done $0x0  }
0x322: {  	[sflag:s7] =	ssyncadd.s32 $0xFFFFF800  }
0x323: {  	_ =	swait.ge [sflag:s6], $0x80  }
0x324: {  	[sflag:s6] =	ssyncset.done $0x0  }
0x325: {  	[sflag:s6] =	ssyncadd.s32 $0xFFFFFF80  }
0x326: {  	_ =	swait.ge [sflag:s7], $0x800  }
0x327: {  	[sflag:s7] =	ssyncset.done $0x0  }
0x328: {  	[sflag:s7] =	ssyncadd.s32 $0xFFFFF800  }
0x329: {  	_ =	swait.ge [sflag:s6], $0x80  }
0x32a: {  	[sflag:s6] =	ssyncset.done $0x0  }
0x32b: {  	[sflag:s6] =	ssyncadd.s32 $0xFFFFFF80  }
0x32c: {  	_ =	swait.ge [sflag:s7], $0x800  }
0x32d: {  	[sflag:s7] =	ssyncset.done $0x0  }
0x32e: {  	[sflag:s7] =	ssyncadd.s32 $0xFFFFF800  }
0x32f: {  	_ =	swait.ge [sflag:s6], $0x80  }
0x330: {  	[sflag:s6] =	ssyncset.done $0x0  }
0x331: {  	[sflag:s6] =	ssyncadd.s32 $0xFFFFFF80  }
0x332: {  	_ =	swait.ge [sflag:s7], $0x800  }
0x333: {  	[sflag:s7] =	ssyncset.done $0x0  }
0x334: {  	[sflag:s7] =	ssyncadd.s32 $0xFFFFF800  }
0x335: {  	_ =	swait.ge [sflag:s6], $0x80  }
0x336: {  	[sflag:s6] =	ssyncset.done $0x0  }
0x337: {  	[sflag:s6] =	ssyncadd.s32 $0xFFFFFF80  }
0x338: {  	_ =	swait.ge [sflag:s7], $0x800  }
0x339: {  	[sflag:s7] =	ssyncset.done $0x0  }
0x33a: {  	[sflag:s7] =	ssyncadd.s32 $0xFFFFF800  }
0x33b: {  	_ =	swait.ge [sflag:s6], $0x80  }
0x33c: {  	[sflag:s6] =	ssyncset.done $0x0  }
0x33d: {  	[sflag:s6] =	ssyncadd.s32 $0xFFFFFF80  }
0x33e: {  	_ =	swait.ge [sflag:s7], $0x800  }
0x33f: {  	[sflag:s7] =	ssyncset.done $0x0  }
0x340: {  	[sflag:s7] =	ssyncadd.s32 $0xFFFFF800  }
0x341: {  	_ =	swait.ge [sflag:s6], $0x80  }
0x342: {  	[sflag:s6] =	ssyncset.done $0x0  }
0x343: {  	[sflag:s6] =	ssyncadd.s32 $0xFFFFFF80  }
0x344: {  	_ =	swait.ge [sflag:s7], $0x800  }
0x345: {  	[sflag:s7] =	ssyncset.done $0x0  }
0x346: {  	[sflag:s7] =	ssyncadd.s32 $0xFFFFF800  }
0x347: {  	_ =	swait.ge [sflag:s6], $0x80  }
0x348: {  	[sflag:s6] =	ssyncset.done $0x0  }
0x349: {  	[sflag:s6] =	ssyncadd.s32 $0xFFFFFF80  }
0x34a: {  	_ =	swait.ge [sflag:s7], $0x800  }
0x34b: {  	[sflag:s7] =	ssyncset.done $0x0  }
0x34c: {  	[sflag:s7] =	ssyncadd.s32 $0xFFFFF800  }
0x34d: {  	_ =	swait.ge [sflag:s6], $0x80  }
0x34e: {  	[sflag:s6] =	ssyncset.done $0x0  }
0x34f: {  	[sflag:s6] =	ssyncadd.s32 $0xFFFFFF80  }
0x350: {  	_ =	swait.ge [sflag:s7], $0x800  }
0x351: {  	[sflag:s7] =	ssyncset.done $0x0  }
0x352: {  	[sflag:s7] =	ssyncadd.s32 $0xFFFFF800  }
0x353: {  	_ =	swait.ge [sflag:s6], $0x80  }
0x354: {  	[sflag:s6] =	ssyncset.done $0x0  }
0x355: {  	[sflag:s6] =	ssyncadd.s32 $0xFFFFFF80  }
0x356: {  	_ =	swait.ge [sflag:s7], $0x800  }
0x357: {  	[sflag:s7] =	ssyncset.done $0x0  }
0x358: {  	[sflag:s7] =	ssyncadd.s32 $0xFFFFF800  }
0x359: {  	_ =	swait.ge [sflag:s6], $0x80  }
0x35a: {  	[sflag:s6] =	ssyncset.done $0x0  }
0x35b: {  	[sflag:s6] =	ssyncadd.s32 $0xFFFFFF80  }
0x35c: {  	_ =	swait.ge [sflag:s7], $0x800  }
0x35d: {  	[sflag:s7] =	ssyncset.done $0x0  }
0x35e: {  	[sflag:s7] =	ssyncadd.s32 $0xFFFFF800  }
0x35f: {  	_ =	swait.ge [sflag:s6], $0x80  }
0x360: {  	[sflag:s6] =	ssyncset.done $0x0  }
0x361: {  	s15 =	simm.s32 $0xD00;
	s30 =	rddreg [dreg:$0x3];
	[sflag:s6] =	ssyncadd.s32 $0xFFFFFF80  }
0x362: {  	[hbm4b:s30+s2] =	stream.linear.scatter [tilespmem:s15], [sflag:$0x3], $0xD000, $0x38;
	[tilespmem:$0xEA00] =	vst v63  }
0x363: {  	_ =	swait.ge [sflag:s3], $0xD000  }
0x364: {  	[sflag:s3] =	ssyncset.done $0x0  }
0x365: {  	s31 =	rddreg [dreg:$0x4];
	[sflag:s3] =	ssyncadd.s32 $0xFFFF3000  }
0x366: {  	[hbm4b:s31+s2] =	stream.linear.scatter [tilespmem:s14], [sflag:$0x3], $0xD00, $0x38;
	[tilespmem:$0xEA00] =	vst v63  }
0x367: {  	_ =	swait.ge [sflag:s3], $0xD00  }
0x368: {  	[sflag:s3] =	ssyncset.done $0x0  }
0x369: {  	[sflag:s3] =	ssyncadd.s32 $0xFFFFF300  }
0x36a: {  	_ =	sfence.sel $0x180000  }
0x36b: {  	[bflag:$0x0] =	sbarrier.arrive $0xFFFF  }
0x36c: {  	_ =	strace $0x90000047  }
0x36d: {  	[bflag:$0x2] =	sbarrier.arrive $0xFFFF  }
0x36e: {  	p0 =	sne.s32 s13, $0x0;
	s0 =	rddreg [dreg:$0x1]  }
0x36f: {  	s0 =	sadd.s32 @!p0 $0x100000, s0  }
0x370: {  	[sflag:s0] =	ssyncadd.tile.s32 @!p0 $0x1;
	_ =	shalt  }
.LBB2_2:
.Ltmp3:
0x371: {  	(pc) =	sbr.rel .LBB2_5-.Ltmp3, $2  }
0x372: {  	_ =	sdelay $0x2  }
0x373: {  	s13 =	stileid.u32;
	s14 =	simm.s32 $0xD00  }
.Lfunc_end2:
_tile_overlayer_lowered:
.L_overlay_start_2:
0x374: {  	(tag) =	ssettag $0x2  }
0x375: {  	s0 =	rddreg [dreg:$0x0];
	s2 =	stileid.u32  }
0x376: {  	s1 =	rddreg [dreg:$0x1];
	p0 =	sne.s32 s2, $0x0  }
0x377: {  	s3 =	rddreg [dreg:$0x2];
	[bflag:$0x3] =	sbarrier.arrive $0xFFFF;
	s2 =	simm.s32 @!p0 $0x1C03  }
0x378: {  	[timem:s3], [sflag:s2] =	dma.local @!p0 [hbm:s0], s1  }
0x379: {  	s0 =	simm.s32 @!p0 $0x3  }
0x37a: {  	_ =	swait.ge @!p0 [sflag:s0], s1  }
0x37b: {  	s1 =	ssub.s32 @!p0 $0x0, s1;
	[sflag:s0] =	ssyncset.done @!p0 $0x0  }
0x37c: {  	[sflag:s0] =	ssyncadd.s32 @!p0 s1  }
0x37d: {  	[bflag:$0x3] =	sbarrier.arrive $0xFFFF  }
0x37e: {  	_ =	shalt  }

</sc_bundles>
